<compile_context>
chip_gen: v7x
topology: tpu7x:2x2x1
jax: 0.10.2.dev20260603
libtpu: 0.0.44.dev20260713+nightly
codegen_flags: <defaults>
</compile_context>

<pallas_src>
import functools

import jax
import jax.numpy as jnp
from jax import lax
from jax.experimental import pallas as pl
from jax.experimental.pallas import tpu as pltpu
from jax.experimental.pallas import tpu_sc as plsc

N = 10000
E = 320000
D_MSG = 32
D_X = 128
D_NDATA = 128
D_EDATA = 16

CH = 128
CH4 = CH // 4
NCHUNK = E // CH
NC = 2
NS = 16
NW = NC * NS
CPW = (NCHUNK + NW - 1) // NW
FULL = CPW - 1
NB = 3
N_PAD = 10240
RPS = N_PAD // NS
E4 = E // 4

_mesh = plsc.VectorSubcoreMesh(core_axis_name="c", subcore_axis_name="s")
_sc_params = pltpu.CompilerParams(
    use_tc_tiling_on_sc=False, needs_layout_passes=False
)


def _iota16():
    return lax.broadcasted_iota(jnp.int32, (16,), 0)


@functools.partial(
    pl.kernel,
    out_type=jax.ShapeDtypeStruct((NC, N_PAD, D_MSG), jnp.float32),
    mesh=_mesh,
    scratch_types=(
        [pltpu.VMEM((CH,), jnp.int32) for _ in range(NB)]
        + [pltpu.VMEM((CH, D_MSG), jnp.float32) for _ in range(NB)]
        + [pltpu.VMEM_SHARED((N_PAD, D_MSG), jnp.float32)]
        + [pltpu.SemaphoreType.DMA for _ in range(2 * NB)]
    ),
    compiler_params=_sc_params,
)
def _segsum_msg(m3_hbm, ei_hbm, zero_hbm, out_hbm,
                idx0, idx1, idx2, row0, row1, row2,
                acc_sh, seml0, seml1, seml2, sems0, sems1, sems2):
    idxs = (idx0, idx1, idx2)
    rows = (row0, row1, row2)
    semls = (seml0, seml1, seml2)
    semss = (sems0, sems1, sems2)
    c = lax.axis_index("c")
    s = lax.axis_index("s")
    w = s * NC + c
    r0 = s * RPS
    pltpu.sync_copy(zero_hbm.at[pl.ds(r0, RPS)], acc_sh.at[pl.ds(r0, RPS)])
    plsc.subcore_barrier()

    def issue_loads(j, b):
        cid = w + NW * j
        base = cid * CH
        q = cid // (E4 // CH)
        rbase = (cid % (E4 // CH)) * CH
        pltpu.async_copy(ei_hbm.at[1, pl.ds(base, CH)], idxs[b], semls[b])
        pltpu.async_copy(
            m3_hbm.at[pl.ds(rbase, CH), pl.ds(32 * q, D_MSG)], rows[b], semls[b])

    def wait_loads(b):
        pltpu.make_async_copy(ei_hbm.at[1, pl.ds(0, CH)], idxs[b], semls[b]).wait()
        pltpu.make_async_copy(
            m3_hbm.at[pl.ds(0, CH), pl.ds(0, D_MSG)], rows[b], semls[b]).wait()

    def wait_scatter(b):
        pltpu.make_async_copy(rows[b], acc_sh.at[idxs[b]], semss[b]).wait()

    issue_loads(0, 0)
    issue_loads(1, 1)

    @pl.loop(0, FULL, step=NB)
    def _chunks(j0):
        for b in range(NB):
            j = j0 + b
            bn2 = (b + 2) % NB

            @pl.when(j + 2 < FULL)
            def _():
                @pl.when(j + 2 >= NB)
                def _():
                    wait_scatter(bn2)

                issue_loads(j + 2, bn2)

            wait_loads(b)
            pltpu.async_copy(rows[b], acc_sh.at[idxs[b]], semss[b], add=True)

    for b in range(NB):
        wait_scatter(b)

    @pl.when(w + NW * FULL < NCHUNK)
    def _tail():
        cid = w + NW * FULL
        base = cid * CH
        q = cid // (E4 // CH)
        rbase = (cid % (E4 // CH)) * CH
        pltpu.sync_copy(ei_hbm.at[1, pl.ds(base, CH)], idx0)
        pltpu.sync_copy(m3_hbm.at[pl.ds(rbase, CH), pl.ds(32 * q, D_MSG)], row0)
        pltpu.sync_copy(row0, acc_sh.at[idx0], add=True)

    plsc.subcore_barrier()
    pltpu.sync_copy(acc_sh.at[pl.ds(r0, RPS)], out_hbm.at[c, pl.ds(r0, RPS)])


@functools.partial(
    pl.kernel,
    out_type=jax.ShapeDtypeStruct((NC, N_PAD, D_MSG), jnp.float32),
    mesh=_mesh,
    scratch_types=(
        [pltpu.VMEM((CH,), jnp.int32) for _ in range(2 * NB)]
        + [pltpu.VMEM((CH, D_MSG), jnp.float32) for _ in range(3 * NB)]
        + [pltpu.VMEM_SHARED((N_PAD, D_MSG), jnp.float32)]
        + [pltpu.SemaphoreType.DMA for _ in range(3 * NB)]
    ),
    compiler_params=_sc_params,
)
def _edge_stage(t_hbm, e4_hbm, ei_hbm, zero_hbm, out_hbm,
                sidx0, sidx1, sidx2, didx0, didx1, didx2,
                e40, e41, e42, trow0, trow1, trow2, orow0, orow1, orow2,
                acc_sh, seml0, seml1, seml2, semg0, semg1, semg2,
                sems0, sems1, sems2):
    sidxs = (sidx0, sidx1, sidx2)
    didxs = (didx0, didx1, didx2)
    e4s = (e40, e41, e42)
    trows = (trow0, trow1, trow2)
    orows = (orow0, orow1, orow2)
    semls = (seml0, seml1, seml2)
    semgs = (semg0, semg1, semg2)
    semss = (sems0, sems1, sems2)
    c = lax.axis_index("c")
    s = lax.axis_index("s")
    w = s * NC + c
    r0 = s * RPS
    pltpu.sync_copy(zero_hbm.at[pl.ds(r0, RPS)], acc_sh.at[pl.ds(r0, RPS)])
    plsc.subcore_barrier()

    def issue_loads(j, b):
        cid = w + NW * j
        base = cid * CH
        q = cid // (E4 // CH)
        rbase = (cid % (E4 // CH)) * CH
        pltpu.async_copy(ei_hbm.at[0, pl.ds(base, CH)], sidxs[b], semls[b])
        pltpu.async_copy(ei_hbm.at[1, pl.ds(base, CH)], didxs[b], semls[b])
        pltpu.async_copy(
            e4_hbm.at[pl.ds(rbase, CH), pl.ds(32 * q, D_MSG)], e4s[b], semls[b])

    def wait_loads(b):
        pltpu.make_async_copy(ei_hbm.at[0, pl.ds(0, CH)], sidxs[b], semls[b]).wait()
        pltpu.make_async_copy(ei_hbm.at[1, pl.ds(0, CH)], didxs[b], semls[b]).wait()
        pltpu.make_async_copy(
            e4_hbm.at[pl.ds(0, CH), pl.ds(0, D_MSG)], e4s[b], semls[b]).wait()

    def issue_gather(b):
        pltpu.async_copy(t_hbm.at[sidxs[b]], e4s[b], semgs[b], add=True)

    def wait_gather(b):
        pltpu.make_async_copy(t_hbm.at[sidxs[b]], e4s[b], semgs[b]).wait()

    def wait_scatter(b):
        pltpu.make_async_copy(orows[b], acc_sh.at[didxs[b]], semss[b]).wait()

    def compute_scatter(b):
        erow, orow = e4s[b], orows[b]

        @pl.loop(0, CH, unroll=8)
        def _rows(i):
            for h in range(2):
                orow[i, pl.ds(16 * h, 16)] = jnp.maximum(
                    erow[i, pl.ds(16 * h, 16)], 0.0)

        pltpu.async_copy(orow, acc_sh.at[didxs[b]], semss[b], add=True)

    issue_loads(0, 0)
    issue_loads(1, 1)
    wait_loads(0)
    issue_gather(0)

    @pl.loop(0, FULL, step=NB)
    def _chunks(j0):
        for b in range(NB):
            j = j0 + b
            bn1, bn2 = (b + 1) % NB, (b + 2) % NB

            @pl.when(j + 2 < FULL)
            def _():
                @pl.when(j + 2 >= NB)
                def _():
                    wait_scatter(bn2)

                issue_loads(j + 2, bn2)

            @pl.when(j + 1 < FULL)
            def _():
                wait_loads(bn1)
                issue_gather(bn1)

            wait_gather(b)
            compute_scatter(b)

    for b in range(NB):
        wait_scatter(b)

    @pl.when(w + NW * FULL < NCHUNK)
    def _tail():
        cid = w + NW * FULL
        base = cid * CH
        q = cid // (E4 // CH)
        rbase = (cid % (E4 // CH)) * CH
        pltpu.sync_copy(ei_hbm.at[0, pl.ds(base, CH)], sidx0)
        pltpu.sync_copy(ei_hbm.at[1, pl.ds(base, CH)], didx0)
        pltpu.sync_copy(e4_hbm.at[pl.ds(rbase, CH), pl.ds(32 * q, D_MSG)], e40)
        pltpu.async_copy(t_hbm.at[sidx0], e40, semg0, add=True).wait()

        @pl.loop(0, CH, unroll=8)
        def _rows(i):
            for h in range(2):
                orow0[i, pl.ds(16 * h, 16)] = jnp.maximum(
                    e40[i, pl.ds(16 * h, 16)], 0.0)

        pltpu.sync_copy(orow0, acc_sh.at[didx0], add=True)

    plsc.subcore_barrier()
    pltpu.sync_copy(acc_sh.at[pl.ds(r0, RPS)], out_hbm.at[c, pl.ds(r0, RPS)])


def _t_body(x_ref, s_ref, w1_ref, o_ref):
    ssum = (s_ref[0] + s_ref[1])[:N]
    o_ref[...] = (
        jnp.dot(x_ref[...], w1_ref[...], preferred_element_type=jnp.float32)
        + ssum
    )


def _node_table(x, s_parts, w1):
    return pl.pallas_call(
        _t_body,
        out_shape=jax.ShapeDtypeStruct((N, D_MSG), jnp.float32),
    )(x, s_parts, w1)


EBP = 3200


def _pack2_body(mT_ref, eaT_ref, w3_ref, w2_ref, b_ref, m3_ref, e4_ref):
    q = pl.program_id(1)
    mblk = lax.dot_general(
        mT_ref[...], w3_ref[...],
        dimension_numbers=(((0,), (0,)), ((), ())),
        preferred_element_type=jnp.float32,
    )
    eblk = lax.dot_general(
        eaT_ref[...], w2_ref[...],
        dimension_numbers=(((0,), (0,)), ((), ())),
        preferred_element_type=jnp.float32,
    ) + b_ref[...]
    for qq in range(4):
        @pl.when(q == qq)
        def _():
            m3_ref[:, 32 * qq:32 * (qq + 1)] = mblk
            e4_ref[:, 32 * qq:32 * (qq + 1)] = eblk


def _pack_matmul2(msgT, eaT, w3, w2, b):
    return pl.pallas_call(
        _pack2_body,
        grid=(E4 // EBP, 4),
        in_specs=[
            pl.BlockSpec((D_MSG, EBP), lambda g, q: (0, q * (E4 // EBP) + g)),
            pl.BlockSpec((D_EDATA, EBP), lambda g, q: (0, q * (E4 // EBP) + g)),
            pl.BlockSpec((D_MSG, D_MSG), lambda g, q: (0, 0)),
            pl.BlockSpec((D_EDATA, D_MSG), lambda g, q: (0, 0)),
            pl.BlockSpec((1, D_MSG), lambda g, q: (0, 0)),
        ],
        out_specs=[
            pl.BlockSpec((EBP, 128), lambda g, q: (g, 0)),
            pl.BlockSpec((EBP, 128), lambda g, q: (g, 0)),
        ],
        out_shape=[
            jax.ShapeDtypeStruct((E4, 128), jnp.float32),
            jax.ShapeDtypeStruct((E4, 128), jnp.float32),
        ],
    )(msgT, eaT, w3, w2, b)


def _h_body(x_ref, a_ref, u1_ref, u2_ref, b2_ref, o_ref):
    agg = (a_ref[0] + a_ref[1])[:N]
    o_ref[...] = jax.nn.relu(
        jnp.dot(x_ref[...], u1_ref[...], preferred_element_type=jnp.float32)
        + jnp.dot(agg, u2_ref[...], preferred_element_type=jnp.float32)
        + b2_ref[...]
    )


def _node_update(x, a_parts, u1, u2, b2):
    return pl.pallas_call(
        _h_body,
        out_shape=jax.ShapeDtypeStruct((N, D_X), jnp.float32),
    )(x, a_parts, u1, u2, b2)


def kernel(x, edge_attr, msg, edge_index, w1, w2, w3, b, u1, u2, b2):
    ei = edge_index.astype(jnp.int32)
    msgT = msg.T
    eaT = edge_attr.T
    zeros_n = jnp.zeros((N_PAD, D_MSG), jnp.float32)

    m3, e4 = _pack_matmul2(msgT, eaT, w3, w2, b)
    s_parts = _segsum_msg(m3, ei, zeros_n)
    t = _node_table(x, s_parts, w1)
    a_parts = _edge_stage(t, e4, ei, zeros_n)
    return _node_update(x, a_parts, u1, u2, b2)

# --- scband reference (transcript-rebuilt; emitter-appended) ---
"""Pipeline reference for scband-graph2-graph-57492432224751 (READ-ONLY COPY).

The authoritative reference and input builder live on the scoring server;
editing this copy changes nothing except your own understanding.
"""

import jax, jax.numpy as jnp
import numpy as np

N = 10000
E = 320000
D_NDATA = 128
D_EDATA = 16
D_MSG = 32
D_X = 128


def setup_inputs(seed: int = 0) -> dict:
    key = jax.random.key(seed)
    ks = jax.random.split(key, 12)
    x = jax.random.normal(ks[0], (N, D_NDATA), dtype=jnp.float32)
    edge_attr = jax.random.normal(ks[1], (E, D_EDATA), dtype=jnp.float32)
    msg = jax.random.normal(ks[2], (E, D_MSG), dtype=jnp.float32)
    edge_index = jax.random.randint(ks[3], (2, E), 0, N, dtype=jnp.int64)
    # G1 params (message function): w1[d_ndata,d_msg], w2[d_edata,d_msg], w3[d_msg,d_msg], b[1,d_msg]
    w1 = 0.001 * jax.random.uniform(ks[4], (D_NDATA, D_MSG), dtype=jnp.float32)
    w2 = 0.001 * jax.random.uniform(ks[5], (D_EDATA, D_MSG), dtype=jnp.float32)
    w3 = 0.001 * jax.random.uniform(ks[6], (D_MSG, D_MSG), dtype=jnp.float32)
    b = jnp.zeros((1, D_MSG), dtype=jnp.float32)
    # G2 params (node update): u1[d_ndata,d_x], u2[d_msg,d_x], b2[1,d_x]
    u1 = 0.001 * jax.random.uniform(ks[7], (D_NDATA, D_X), dtype=jnp.float32)
    u2 = 0.001 * jax.random.uniform(ks[8], (D_MSG, D_X), dtype=jnp.float32)
    b2 = jnp.zeros((1, D_X), dtype=jnp.float32)
    return {"x": x, "edge_attr": edge_attr, "msg": msg, "edge_index": edge_index,
            "w1": w1, "w2": w2, "w3": w3, "b": b, "u1": u1, "u2": u2, "b2": b2}


def reference(x, edge_attr, msg, edge_index, w1, w2, w3, b, u1, u2, b2):
    # One message-passing iteration of the Graph2Graph encoder (G1 message fn + G2 node update).
    src = edge_index[0]
    dst = edge_index[1]
    n = x.shape[0]
    # gather source node features per edge
    f_src = jnp.take(x, src, axis=0)
    # incoming message sums per node, gathered back to edges (loopy-BP style sum_msg)
    sum_in = jax.ops.segment_sum(msg, dst, num_segments=n)
    sum_msg_edge = jnp.take(sum_in, src, axis=0)
    # G1: new edge messages
    new_msg = jax.nn.relu(f_src @ w1 + edge_attr @ w2 + sum_msg_edge @ w3 + b)
    # scatter-add messages to destination nodes
    agg = jax.ops.segment_sum(new_msg, dst, num_segments=n)
    # G2: node readout/update
    h = jax.nn.relu(x @ u1 + agg @ u2 + b2)
    return h

if __name__ == "__main__":
    import jax
    _d = setup_inputs()
    print(jax.jit(kernel)(*tuple(_d.values())))

</pallas_src>

<mosaic_0001>
#map = affine_map<(d0, d1) -> (0, 0)>
#map1 = affine_map<(d0, d1) -> (0, 0, 0)>
module attributes {stable_mosaic.version = 14 : i64} {
  func.func @_edge_stage(%arg0: i32, %arg1: i32, %arg2: memref<10000x32xf32, #tpu.memory_space<hbm>>, %arg3: memref<80000x128xf32, #tpu.memory_space<hbm>>, %arg4: memref<2x320000xi32, #tpu.memory_space<hbm>>, %arg5: memref<10240x32xf32, #tpu.memory_space<hbm>>, %arg6: memref<2x10240x32xf32, #tpu.memory_space<hbm>>, %arg7: memref<128xi32, #tpu.memory_space<vmem>>, %arg8: memref<128xi32, #tpu.memory_space<vmem>>, %arg9: memref<128xi32, #tpu.memory_space<vmem>>, %arg10: memref<128xi32, #tpu.memory_space<vmem>>, %arg11: memref<128xi32, #tpu.memory_space<vmem>>, %arg12: memref<128xi32, #tpu.memory_space<vmem>>, %arg13: memref<128x32xf32, #tpu.memory_space<vmem>>, %arg14: memref<128x32xf32, #tpu.memory_space<vmem>>, %arg15: memref<128x32xf32, #tpu.memory_space<vmem>>, %arg16: memref<128x32xf32, #tpu.memory_space<vmem>>, %arg17: memref<128x32xf32, #tpu.memory_space<vmem>>, %arg18: memref<128x32xf32, #tpu.memory_space<vmem>>, %arg19: memref<128x32xf32, #tpu.memory_space<vmem>>, %arg20: memref<128x32xf32, #tpu.memory_space<vmem>>, %arg21: memref<128x32xf32, #tpu.memory_space<vmem>>, %arg22: memref<10240x32xf32, #tpu.memory_space<vmem_shared>>, %arg23: memref<!tpu.dma_semaphore, #tpu.memory_space<semaphore_mem>>, %arg24: memref<!tpu.dma_semaphore, #tpu.memory_space<semaphore_mem>>, %arg25: memref<!tpu.dma_semaphore, #tpu.memory_space<semaphore_mem>>, %arg26: memref<!tpu.dma_semaphore, #tpu.memory_space<semaphore_mem>>, %arg27: memref<!tpu.dma_semaphore, #tpu.memory_space<semaphore_mem>>, %arg28: memref<!tpu.dma_semaphore, #tpu.memory_space<semaphore_mem>>, %arg29: memref<!tpu.dma_semaphore, #tpu.memory_space<semaphore_mem>>, %arg30: memref<!tpu.dma_semaphore, #tpu.memory_space<semaphore_mem>>, %arg31: memref<!tpu.dma_semaphore, #tpu.memory_space<semaphore_mem>>) attributes {dimension_semantics = [#tpu.dimension_semantics<core_parallel>, #tpu.dimension_semantics<subcore_parallel>], iteration_bounds = array<i64: 2, 16>, scalar_prefetch = 0 : i64, scratch_operands = 25 : i64, tpu.core_type = #tpu.core_type<sc_vector_subcore>, window_params = [{transform_indices = #map}, {transform_indices = #map}, {transform_indices = #map}, {transform_indices = #map}, {transform_indices = #map1}]} {
    %mul3A = arith.constant 2 : i32
    %mul3A_0 = arith.muli %arg1, %mul3A : i32
    %add3A = arith.addi %mul3A_0, %arg0 : i32
    %mul3A_1 = arith.constant 640 : i32
    %mul3A_2 = arith.muli %arg1, %mul3A_1 : i32
    "tpu.region"() ({
      %run_scoped3A = tpu.sem_alloc : memref<!tpu.dma_semaphore, #tpu.memory_space<semaphore_mem>>
      %dma_start3A_153 = arith.constant 0 : i32
      %dma_start3A_154 = tpu.memref_slice %arg22[%mul3A_2, %dma_start3A_153] : memref<10240x32xf32, #tpu.memory_space<vmem_shared>> -> memref<640x32xf32, #tpu.memory_space<vmem_shared>>
      %dma_start3A_155 = arith.constant 0 : i32
      %dma_start3A_156 = tpu.memref_slice %arg5[%mul3A_2, %dma_start3A_155] : memref<10240x32xf32, #tpu.memory_space<hbm>> -> memref<640x32xf32, #tpu.memory_space<hbm>>
      tpu.enqueue_dma source(%dma_start3A_156 : memref<640x32xf32, #tpu.memory_space<hbm>>) target(%dma_start3A_154 : memref<640x32xf32, #tpu.memory_space<vmem_shared>>) target_semaphore(%run_scoped3A : memref<!tpu.dma_semaphore, #tpu.memory_space<semaphore_mem>>)
      %dma_wait3A_157 = arith.constant 0 : i32
      %dma_wait3A_158 = tpu.memref_slice %arg22[%mul3A_2, %dma_wait3A_157] : memref<10240x32xf32, #tpu.memory_space<vmem_shared>> -> memref<640x32xf32, #tpu.memory_space<vmem_shared>>
      %dma_wait3A_159 = arith.constant 0 : i32
      %dma_wait3A_160 = tpu.memref_slice %arg5[%mul3A_2, %dma_wait3A_159] : memref<10240x32xf32, #tpu.memory_space<hbm>> -> memref<640x32xf32, #tpu.memory_space<hbm>>
      tpu.wait_dma2 semaphore(%run_scoped3A : memref<!tpu.dma_semaphore, #tpu.memory_space<semaphore_mem>>) src(%dma_wait3A_160 : memref<640x32xf32, #tpu.memory_space<hbm>>) dst(%dma_wait3A_158 : memref<640x32xf32, #tpu.memory_space<vmem_shared>>)
      tpu.yield
    }) : () -> ()
    %barrier3A = arith.constant 0 : index
    tpu.barrier barrier_id(%barrier3A)
    %add3A_3 = arith.constant 0 : i32
    %add3A_4 = arith.addi %add3A, %add3A_3 : i32
    %mul3A_5 = arith.constant 128 : i32
    %mul3A_6 = arith.muli %add3A_4, %mul3A_5 : i32
    %jit3A = arith.constant 625 : i32
    %div3A = arith.divsi %add3A_4, %jit3A : i32
    %sign3A = arith.constant 0 : i32
    %sign3A_7 = arith.cmpi sgt, %add3A_4, %sign3A : i32
    %sign3A_8 = arith.extui %sign3A_7 : i1 to i32
    %sign3A_9 = arith.constant 0 : i32
    %sign3A_10 = arith.cmpi slt, %add3A_4, %sign3A_9 : i32
    %sign3A_11 = arith.extui %sign3A_10 : i1 to i32
    %sign3A_12 = arith.subi %sign3A_8, %sign3A_11 : i32
    %sign3A_13 = arith.constant 0 : i32
    %sign3A_14 = arith.cmpi sgt, %jit3A, %sign3A_13 : i32
    %sign3A_15 = arith.extui %sign3A_14 : i1 to i32
    %sign3A_16 = arith.constant 0 : i32
    %sign3A_17 = arith.cmpi slt, %jit3A, %sign3A_16 : i32
    %sign3A_18 = arith.extui %sign3A_17 : i1 to i32
    %sign3A_19 = arith.subi %sign3A_15, %sign3A_18 : i32
    %ne3A = arith.cmpi ne, %sign3A_12, %sign3A_19 : i32
    %rem3A = arith.remsi %add3A_4, %jit3A : i32
    %ne3A_20 = arith.constant 0 : i32
    %ne3A_21 = arith.cmpi ne, %rem3A, %ne3A_20 : i32
    %and3A = arith.andi %ne3A, %ne3A_21 : i1
    %sub3A = arith.constant 1 : i32
    %sub3A_22 = arith.subi %div3A, %sub3A : i32
    %select_n3A = arith.select %and3A, %sub3A_22, %div3A : i32
    %jit3A_23 = arith.constant 625 : i32
    %eq3A = arith.constant 0 : i32
    %eq3A_24 = arith.cmpi eq, %jit3A_23, %eq3A : i32
    %jit3A_25 = arith.constant 1 : i32
    %select_n3A_26 = arith.select %eq3A_24, %jit3A_25, %jit3A_23 : i32
    %rem3A_27 = arith.remsi %add3A_4, %select_n3A_26 : i32
    %ne3A_28 = arith.constant 0 : i32
    %ne3A_29 = arith.cmpi ne, %rem3A_27, %ne3A_28 : i32
    %lt3A = arith.constant 0 : i32
    %lt3A_30 = arith.cmpi slt, %rem3A_27, %lt3A : i32
    %lt3A_31 = arith.constant 0 : i32
    %lt3A_32 = arith.cmpi slt, %select_n3A_26, %lt3A_31 : i32
    %ne3A_33 = arith.xori %lt3A_30, %lt3A_32 : i1
    %and3A_34 = arith.andi %ne3A_33, %ne3A_29 : i1
    %add3A_35 = arith.addi %rem3A_27, %select_n3A_26 : i32
    %select_n3A_36 = arith.select %and3A_34, %add3A_35, %rem3A_27 : i32
    %mul3A_37 = arith.constant 128 : i32
    %mul3A_38 = arith.muli %select_n3A_36, %mul3A_37 : i32
    %dma_start3A = arith.constant 0 : i32
    %dma_start3A_39 = tpu.memref_slice %arg4[%dma_start3A, %mul3A_6] : memref<2x320000xi32, #tpu.memory_space<hbm>> -> memref<1x128xi32, #tpu.memory_space<hbm>>
    %dma_start3A_40 = tpu.memref_squeeze %dma_start3A_39 : memref<1x128xi32, #tpu.memory_space<hbm>> -> memref<128xi32, #tpu.memory_space<hbm>>
    %dma_start3A_41 = tpu.memref_slice %arg4[%dma_start3A, %mul3A_6] : memref<2x320000xi32, #tpu.memory_space<hbm>> -> memref<1x128xi32, #tpu.memory_space<hbm>>
    %dma_start3A_42 = tpu.memref_squeeze %dma_start3A_41 : memref<1x128xi32, #tpu.memory_space<hbm>> -> memref<128xi32, #tpu.memory_space<hbm>>
    tpu.enqueue_dma source(%dma_start3A_42 : memref<128xi32, #tpu.memory_space<hbm>>) target(%arg7 : memref<128xi32, #tpu.memory_space<vmem>>) target_semaphore(%arg23 : memref<!tpu.dma_semaphore, #tpu.memory_space<semaphore_mem>>)
    %dma_start3A_43 = arith.constant 1 : i32
    %dma_start3A_44 = tpu.memref_slice %arg4[%dma_start3A_43, %mul3A_6] : memref<2x320000xi32, #tpu.memory_space<hbm>> -> memref<1x128xi32, #tpu.memory_space<hbm>>
    %dma_start3A_45 = tpu.memref_squeeze %dma_start3A_44 : memref<1x128xi32, #tpu.memory_space<hbm>> -> memref<128xi32, #tpu.memory_space<hbm>>
    %dma_start3A_46 = tpu.memref_slice %arg4[%dma_start3A_43, %mul3A_6] : memref<2x320000xi32, #tpu.memory_space<hbm>> -> memref<1x128xi32, #tpu.memory_space<hbm>>
    %dma_start3A_47 = tpu.memref_squeeze %dma_start3A_46 : memref<1x128xi32, #tpu.memory_space<hbm>> -> memref<128xi32, #tpu.memory_space<hbm>>
    tpu.enqueue_dma source(%dma_start3A_47 : memref<128xi32, #tpu.memory_space<hbm>>) target(%arg10 : memref<128xi32, #tpu.memory_space<vmem>>) target_semaphore(%arg23 : memref<!tpu.dma_semaphore, #tpu.memory_space<semaphore_mem>>)
    %mul3A_48 = arith.constant 32 : i32
    %mul3A_49 = arith.muli %mul3A_48, %select_n3A : i32
    %dma_start3A_50 = tpu.memref_slice %arg3[%mul3A_38, %mul3A_49] : memref<80000x128xf32, #tpu.memory_space<hbm>> -> memref<128x32xf32, #tpu.memory_space<hbm>>
    %dma_start3A_51 = tpu.memref_slice %arg3[%mul3A_38, %mul3A_49] : memref<80000x128xf32, #tpu.memory_space<hbm>> -> memref<128x32xf32, #tpu.memory_space<hbm>>
    tpu.enqueue_dma source(%dma_start3A_51 : memref<128x32xf32, #tpu.memory_space<hbm>>) target(%arg13 : memref<128x32xf32, #tpu.memory_space<vmem>>) target_semaphore(%arg23 : memref<!tpu.dma_semaphore, #tpu.memory_space<semaphore_mem>>)
    %add3A_52 = arith.constant 32 : i32
    %add3A_53 = arith.addi %add3A, %add3A_52 : i32
    %mul3A_54 = arith.constant 128 : i32
    %mul3A_55 = arith.muli %add3A_53, %mul3A_54 : i32
    %jit3A_56 = arith.constant 625 : i32
    %div3A_57 = arith.divsi %add3A_53, %jit3A_56 : i32
    %sign3A_58 = arith.constant 0 : i32
    %sign3A_59 = arith.cmpi sgt, %add3A_53, %sign3A_58 : i32
    %sign3A_60 = arith.extui %sign3A_59 : i1 to i32
    %sign3A_61 = arith.constant 0 : i32
    %sign3A_62 = arith.cmpi slt, %add3A_53, %sign3A_61 : i32
    %sign3A_63 = arith.extui %sign3A_62 : i1 to i32
    %sign3A_64 = arith.subi %sign3A_60, %sign3A_63 : i32
    %sign3A_65 = arith.constant 0 : i32
    %sign3A_66 = arith.cmpi sgt, %jit3A_56, %sign3A_65 : i32
    %sign3A_67 = arith.extui %sign3A_66 : i1 to i32
    %sign3A_68 = arith.constant 0 : i32
    %sign3A_69 = arith.cmpi slt, %jit3A_56, %sign3A_68 : i32
    %sign3A_70 = arith.extui %sign3A_69 : i1 to i32
    %sign3A_71 = arith.subi %sign3A_67, %sign3A_70 : i32
    %ne3A_72 = arith.cmpi ne, %sign3A_64, %sign3A_71 : i32
    %rem3A_73 = arith.remsi %add3A_53, %jit3A_56 : i32
    %ne3A_74 = arith.constant 0 : i32
    %ne3A_75 = arith.cmpi ne, %rem3A_73, %ne3A_74 : i32
    %and3A_76 = arith.andi %ne3A_72, %ne3A_75 : i1
    %sub3A_77 = arith.constant 1 : i32
    %sub3A_78 = arith.subi %div3A_57, %sub3A_77 : i32
    %select_n3A_79 = arith.select %and3A_76, %sub3A_78, %div3A_57 : i32
    %jit3A_80 = arith.constant 625 : i32
    %eq3A_81 = arith.constant 0 : i32
    %eq3A_82 = arith.cmpi eq, %jit3A_80, %eq3A_81 : i32
    %jit3A_83 = arith.constant 1 : i32
    %select_n3A_84 = arith.select %eq3A_82, %jit3A_83, %jit3A_80 : i32
    %rem3A_85 = arith.remsi %add3A_53, %select_n3A_84 : i32
    %ne3A_86 = arith.constant 0 : i32
    %ne3A_87 = arith.cmpi ne, %rem3A_85, %ne3A_86 : i32
    %lt3A_88 = arith.constant 0 : i32
    %lt3A_89 = arith.cmpi slt, %rem3A_85, %lt3A_88 : i32
    %lt3A_90 = arith.constant 0 : i32
    %lt3A_91 = arith.cmpi slt, %select_n3A_84, %lt3A_90 : i32
    %ne3A_92 = arith.xori %lt3A_89, %lt3A_91 : i1
    %and3A_93 = arith.andi %ne3A_92, %ne3A_87 : i1
    %add3A_94 = arith.addi %rem3A_85, %select_n3A_84 : i32
    %select_n3A_95 = arith.select %and3A_93, %add3A_94, %rem3A_85 : i32
    %mul3A_96 = arith.constant 128 : i32
    %mul3A_97 = arith.muli %select_n3A_95, %mul3A_96 : i32
    %dma_start3A_98 = arith.constant 0 : i32
    %dma_start3A_99 = tpu.memref_slice %arg4[%dma_start3A_98, %mul3A_55] : memref<2x320000xi32, #tpu.memory_space<hbm>> -> memref<1x128xi32, #tpu.memory_space<hbm>>
    %dma_start3A_100 = tpu.memref_squeeze %dma_start3A_99 : memref<1x128xi32, #tpu.memory_space<hbm>> -> memref<128xi32, #tpu.memory_space<hbm>>
    %dma_start3A_101 = tpu.memref_slice %arg4[%dma_start3A_98, %mul3A_55] : memref<2x320000xi32, #tpu.memory_space<hbm>> -> memref<1x128xi32, #tpu.memory_space<hbm>>
    %dma_start3A_102 = tpu.memref_squeeze %dma_start3A_101 : memref<1x128xi32, #tpu.memory_space<hbm>> -> memref<128xi32, #tpu.memory_space<hbm>>
    tpu.enqueue_dma source(%dma_start3A_102 : memref<128xi32, #tpu.memory_space<hbm>>) target(%arg8 : memref<128xi32, #tpu.memory_space<vmem>>) target_semaphore(%arg24 : memref<!tpu.dma_semaphore, #tpu.memory_space<semaphore_mem>>)
    %dma_start3A_103 = arith.constant 1 : i32
    %dma_start3A_104 = tpu.memref_slice %arg4[%dma_start3A_103, %mul3A_55] : memref<2x320000xi32, #tpu.memory_space<hbm>> -> memref<1x128xi32, #tpu.memory_space<hbm>>
    %dma_start3A_105 = tpu.memref_squeeze %dma_start3A_104 : memref<1x128xi32, #tpu.memory_space<hbm>> -> memref<128xi32, #tpu.memory_space<hbm>>
    %dma_start3A_106 = tpu.memref_slice %arg4[%dma_start3A_103, %mul3A_55] : memref<2x320000xi32, #tpu.memory_space<hbm>> -> memref<1x128xi32, #tpu.memory_space<hbm>>
    %dma_start3A_107 = tpu.memref_squeeze %dma_start3A_106 : memref<1x128xi32, #tpu.memory_space<hbm>> -> memref<128xi32, #tpu.memory_space<hbm>>
    tpu.enqueue_dma source(%dma_start3A_107 : memref<128xi32, #tpu.memory_space<hbm>>) target(%arg11 : memref<128xi32, #tpu.memory_space<vmem>>) target_semaphore(%arg24 : memref<!tpu.dma_semaphore, #tpu.memory_space<semaphore_mem>>)
    %mul3A_108 = arith.constant 32 : i32
    %mul3A_109 = arith.muli %mul3A_108, %select_n3A_79 : i32
    %dma_start3A_110 = tpu.memref_slice %arg3[%mul3A_97, %mul3A_109] : memref<80000x128xf32, #tpu.memory_space<hbm>> -> memref<128x32xf32, #tpu.memory_space<hbm>>
    %dma_start3A_111 = tpu.memref_slice %arg3[%mul3A_97, %mul3A_109] : memref<80000x128xf32, #tpu.memory_space<hbm>> -> memref<128x32xf32, #tpu.memory_space<hbm>>
    tpu.enqueue_dma source(%dma_start3A_111 : memref<128x32xf32, #tpu.memory_space<hbm>>) target(%arg14 : memref<128x32xf32, #tpu.memory_space<vmem>>) target_semaphore(%arg24 : memref<!tpu.dma_semaphore, #tpu.memory_space<semaphore_mem>>)
    %dma_wait3A = arith.constant 0 : i32
    %dma_wait3A_112 = arith.constant 0 : i32
    %dma_wait3A_113 = tpu.memref_slice %arg4[%dma_wait3A, %dma_wait3A_112] : memref<2x320000xi32, #tpu.memory_space<hbm>> -> memref<1x128xi32, #tpu.memory_space<hbm>>
    %dma_wait3A_114 = tpu.memref_squeeze %dma_wait3A_113 : memref<1x128xi32, #tpu.memory_space<hbm>> -> memref<128xi32, #tpu.memory_space<hbm>>
    %dma_wait3A_115 = arith.constant 0 : i32
    %dma_wait3A_116 = tpu.memref_slice %arg4[%dma_wait3A, %dma_wait3A_115] : memref<2x320000xi32, #tpu.memory_space<hbm>> -> memref<1x128xi32, #tpu.memory_space<hbm>>
    %dma_wait3A_117 = tpu.memref_squeeze %dma_wait3A_116 : memref<1x128xi32, #tpu.memory_space<hbm>> -> memref<128xi32, #tpu.memory_space<hbm>>
    tpu.wait_dma2 semaphore(%arg23 : memref<!tpu.dma_semaphore, #tpu.memory_space<semaphore_mem>>) src(%dma_wait3A_117 : memref<128xi32, #tpu.memory_space<hbm>>) dst(%arg7 : memref<128xi32, #tpu.memory_space<vmem>>)
    %dma_wait3A_118 = arith.constant 1 : i32
    %dma_wait3A_119 = arith.constant 0 : i32
    %dma_wait3A_120 = tpu.memref_slice %arg4[%dma_wait3A_118, %dma_wait3A_119] : memref<2x320000xi32, #tpu.memory_space<hbm>> -> memref<1x128xi32, #tpu.memory_space<hbm>>
    %dma_wait3A_121 = tpu.memref_squeeze %dma_wait3A_120 : memref<1x128xi32, #tpu.memory_space<hbm>> -> memref<128xi32, #tpu.memory_space<hbm>>
    %dma_wait3A_122 = arith.constant 0 : i32
    %dma_wait3A_123 = tpu.memref_slice %arg4[%dma_wait3A_118, %dma_wait3A_122] : memref<2x320000xi32, #tpu.memory_space<hbm>> -> memref<1x128xi32, #tpu.memory_space<hbm>>
    %dma_wait3A_124 = tpu.memref_squeeze %dma_wait3A_123 : memref<1x128xi32, #tpu.memory_space<hbm>> -> memref<128xi32, #tpu.memory_space<hbm>>
    tpu.wait_dma2 semaphore(%arg23 : memref<!tpu.dma_semaphore, #tpu.memory_space<semaphore_mem>>) src(%dma_wait3A_124 : memref<128xi32, #tpu.memory_space<hbm>>) dst(%arg10 : memref<128xi32, #tpu.memory_space<vmem>>)
    %dma_wait3A_125 = arith.constant 0 : i32
    %dma_wait3A_126 = arith.constant 0 : i32
    %dma_wait3A_127 = tpu.memref_slice %arg3[%dma_wait3A_125, %dma_wait3A_126] : memref<80000x128xf32, #tpu.memory_space<hbm>> -> memref<128x32xf32, #tpu.memory_space<hbm>>
    %dma_wait3A_128 = arith.constant 0 : i32
    %dma_wait3A_129 = arith.constant 0 : i32
    %dma_wait3A_130 = tpu.memref_slice %arg3[%dma_wait3A_128, %dma_wait3A_129] : memref<80000x128xf32, #tpu.memory_space<hbm>> -> memref<128x32xf32, #tpu.memory_space<hbm>>
    tpu.wait_dma2 semaphore(%arg23 : memref<!tpu.dma_semaphore, #tpu.memory_space<semaphore_mem>>) src(%dma_wait3A_130 : memref<128x32xf32, #tpu.memory_space<hbm>>) dst(%arg13 : memref<128x32xf32, #tpu.memory_space<vmem>>)
    %dma_start3A_131 = arith.constant 0 : i32
    %dma_start3A_132 = arith.constant 0 : i32
    %dma_start3A_133 = tpu.memref_slice %arg2[%dma_start3A_131, %dma_start3A_132] : memref<10000x32xf32, #tpu.memory_space<hbm>> -> memref<10000x32xf32, #tpu.memory_space<hbm>>
    tpu.enqueue_indirect_dma source(%dma_start3A_133 : memref<10000x32xf32, #tpu.memory_space<hbm>>) target(%arg13 : memref<128x32xf32, #tpu.memory_space<vmem>>) offsets(%arg7 : memref<128xi32, #tpu.memory_space<vmem>>) semaphore(%arg26 : memref<!tpu.dma_semaphore, #tpu.memory_space<semaphore_mem>>) {add = true}
    %scan3A = arith.constant 0 : i32
    %scan3A_134 = arith.constant 26 : i32
    %scan3A_135 = arith.addi %scan3A, %scan3A_134 : i32
    %scan3A_136 = arith.constant 1 : i32
    scf.for %scan3A_153 = %scan3A to %scan3A_135 step %scan3A_136  : i32 {
      %mul3A_154 = arith.constant 3 : i32
      %mul3A_155 = arith.muli %scan3A_153, %mul3A_154 : i32
      %add3A_156 = arith.constant 0 : i32
      %add3A_157 = arith.addi %add3A_156, %mul3A_155 : i32
      %add3A_158 = arith.constant 0 : i32
      %add3A_159 = arith.addi %add3A_157, %add3A_158 : i32
      %add3A_160 = arith.constant 2 : i32
      %add3A_161 = arith.addi %add3A_159, %add3A_160 : i32
      %lt3A_162 = arith.constant 78 : i32
      %lt3A_163 = arith.cmpi slt, %add3A_161, %lt3A_162 : i32
      %convert_element_type3A_164 = arith.extui %lt3A_163 : i1 to i32
      %cond3A_165 = arith.constant 0 : i32
      %cond3A_166 = arith.cmpi ne, %convert_element_type3A_164, %cond3A_165 : i32
      scf.if %cond3A_166 {
        %add3A_239 = arith.constant 2 : i32
        %add3A_240 = arith.addi %add3A_159, %add3A_239 : i32
        %ge3A = arith.constant 3 : i32
        %ge3A_241 = arith.cmpi sge, %add3A_240, %ge3A : i32
        %convert_element_type3A_242 = arith.extui %ge3A_241 : i1 to i32
        %cond3A_243 = arith.constant 0 : i32
        %cond3A_244 = arith.cmpi ne, %convert_element_type3A_242, %cond3A_243 : i32
        scf.if %cond3A_244 {
          %dma_wait3A_308 = arith.constant 0 : i32
          %dma_wait3A_309 = arith.constant 0 : i32
          %dma_wait3A_310 = tpu.memref_slice %arg22[%dma_wait3A_308, %dma_wait3A_309] : memref<10240x32xf32, #tpu.memory_space<vmem_shared>> -> memref<10240x32xf32, #tpu.memory_space<vmem_shared>>
          tpu.wait_indirect_dma semaphore(%arg31 : memref<!tpu.dma_semaphore, #tpu.memory_space<semaphore_mem>>) src(%arg21 : memref<128x32xf32, #tpu.memory_space<vmem>>) dst(%dma_wait3A_310 : memref<10240x32xf32, #tpu.memory_space<vmem_shared>>)
        } else {
        }
        %add3A_245 = arith.constant 2 : i32
        %add3A_246 = arith.addi %add3A_159, %add3A_245 : i32
        %mul3A_247 = arith.constant 32 : i32
        %mul3A_248 = arith.muli %mul3A_247, %add3A_246 : i32
        %add3A_249 = arith.addi %add3A, %mul3A_248 : i32
        %mul3A_250 = arith.constant 128 : i32
        %mul3A_251 = arith.muli %add3A_249, %mul3A_250 : i32
        %jit3A_252 = arith.constant 625 : i32
        %div3A_253 = arith.divsi %add3A_249, %jit3A_252 : i32
        %sign3A_254 = arith.constant 0 : i32
        %sign3A_255 = arith.cmpi sgt, %add3A_249, %sign3A_254 : i32
        %sign3A_256 = arith.extui %sign3A_255 : i1 to i32
        %sign3A_257 = arith.constant 0 : i32
        %sign3A_258 = arith.cmpi slt, %add3A_249, %sign3A_257 : i32
        %sign3A_259 = arith.extui %sign3A_258 : i1 to i32
        %sign3A_260 = arith.subi %sign3A_256, %sign3A_259 : i32
        %sign3A_261 = arith.constant 0 : i32
        %sign3A_262 = arith.cmpi sgt, %jit3A_252, %sign3A_261 : i32
        %sign3A_263 = arith.extui %sign3A_262 : i1 to i32
        %sign3A_264 = arith.constant 0 : i32
        %sign3A_265 = arith.cmpi slt, %jit3A_252, %sign3A_264 : i32
        %sign3A_266 = arith.extui %sign3A_265 : i1 to i32
        %sign3A_267 = arith.subi %sign3A_263, %sign3A_266 : i32
        %ne3A_268 = arith.cmpi ne, %sign3A_260, %sign3A_267 : i32
        %rem3A_269 = arith.remsi %add3A_249, %jit3A_252 : i32
        %ne3A_270 = arith.constant 0 : i32
        %ne3A_271 = arith.cmpi ne, %rem3A_269, %ne3A_270 : i32
        %and3A_272 = arith.andi %ne3A_268, %ne3A_271 : i1
        %sub3A_273 = arith.constant 1 : i32
        %sub3A_274 = arith.subi %div3A_253, %sub3A_273 : i32
        %select_n3A_275 = arith.select %and3A_272, %sub3A_274, %div3A_253 : i32
        %jit3A_276 = arith.constant 625 : i32
        %eq3A_277 = arith.constant 0 : i32
        %eq3A_278 = arith.cmpi eq, %jit3A_276, %eq3A_277 : i32
        %jit3A_279 = arith.constant 1 : i32
        %select_n3A_280 = arith.select %eq3A_278, %jit3A_279, %jit3A_276 : i32
        %rem3A_281 = arith.remsi %add3A_249, %select_n3A_280 : i32
        %ne3A_282 = arith.constant 0 : i32
        %ne3A_283 = arith.cmpi ne, %rem3A_281, %ne3A_282 : i32
        %lt3A_284 = arith.constant 0 : i32
        %lt3A_285 = arith.cmpi slt, %rem3A_281, %lt3A_284 : i32
        %lt3A_286 = arith.constant 0 : i32
        %lt3A_287 = arith.cmpi slt, %select_n3A_280, %lt3A_286 : i32
        %ne3A_288 = arith.xori %lt3A_285, %lt3A_287 : i1
        %and3A_289 = arith.andi %ne3A_288, %ne3A_283 : i1
        %add3A_290 = arith.addi %rem3A_281, %select_n3A_280 : i32
        %select_n3A_291 = arith.select %and3A_289, %add3A_290, %rem3A_281 : i32
        %mul3A_292 = arith.constant 128 : i32
        %mul3A_293 = arith.muli %select_n3A_291, %mul3A_292 : i32
        %dma_start3A_294 = arith.constant 0 : i32
        %dma_start3A_295 = tpu.memref_slice %arg4[%dma_start3A_294, %mul3A_251] : memref<2x320000xi32, #tpu.memory_space<hbm>> -> memref<1x128xi32, #tpu.memory_space<hbm>>
        %dma_start3A_296 = tpu.memref_squeeze %dma_start3A_295 : memref<1x128xi32, #tpu.memory_space<hbm>> -> memref<128xi32, #tpu.memory_space<hbm>>
        %dma_start3A_297 = tpu.memref_slice %arg4[%dma_start3A_294, %mul3A_251] : memref<2x320000xi32, #tpu.memory_space<hbm>> -> memref<1x128xi32, #tpu.memory_space<hbm>>
        %dma_start3A_298 = tpu.memref_squeeze %dma_start3A_297 : memref<1x128xi32, #tpu.memory_space<hbm>> -> memref<128xi32, #tpu.memory_space<hbm>>
        tpu.enqueue_dma source(%dma_start3A_298 : memref<128xi32, #tpu.memory_space<hbm>>) target(%arg9 : memref<128xi32, #tpu.memory_space<vmem>>) target_semaphore(%arg25 : memref<!tpu.dma_semaphore, #tpu.memory_space<semaphore_mem>>)
        %dma_start3A_299 = arith.constant 1 : i32
        %dma_start3A_300 = tpu.memref_slice %arg4[%dma_start3A_299, %mul3A_251] : memref<2x320000xi32, #tpu.memory_space<hbm>> -> memref<1x128xi32, #tpu.memory_space<hbm>>
        %dma_start3A_301 = tpu.memref_squeeze %dma_start3A_300 : memref<1x128xi32, #tpu.memory_space<hbm>> -> memref<128xi32, #tpu.memory_space<hbm>>
        %dma_start3A_302 = tpu.memref_slice %arg4[%dma_start3A_299, %mul3A_251] : memref<2x320000xi32, #tpu.memory_space<hbm>> -> memref<1x128xi32, #tpu.memory_space<hbm>>
        %dma_start3A_303 = tpu.memref_squeeze %dma_start3A_302 : memref<1x128xi32, #tpu.memory_space<hbm>> -> memref<128xi32, #tpu.memory_space<hbm>>
        tpu.enqueue_dma source(%dma_start3A_303 : memref<128xi32, #tpu.memory_space<hbm>>) target(%arg12 : memref<128xi32, #tpu.memory_space<vmem>>) target_semaphore(%arg25 : memref<!tpu.dma_semaphore, #tpu.memory_space<semaphore_mem>>)
        %mul3A_304 = arith.constant 32 : i32
        %mul3A_305 = arith.muli %mul3A_304, %select_n3A_275 : i32
        %dma_start3A_306 = tpu.memref_slice %arg3[%mul3A_293, %mul3A_305] : memref<80000x128xf32, #tpu.memory_space<hbm>> -> memref<128x32xf32, #tpu.memory_space<hbm>>
        %dma_start3A_307 = tpu.memref_slice %arg3[%mul3A_293, %mul3A_305] : memref<80000x128xf32, #tpu.memory_space<hbm>> -> memref<128x32xf32, #tpu.memory_space<hbm>>
        tpu.enqueue_dma source(%dma_start3A_307 : memref<128x32xf32, #tpu.memory_space<hbm>>) target(%arg15 : memref<128x32xf32, #tpu.memory_space<vmem>>) target_semaphore(%arg25 : memref<!tpu.dma_semaphore, #tpu.memory_space<semaphore_mem>>)
      } else {
      }
      %add3A_167 = arith.constant 1 : i32
      %add3A_168 = arith.addi %add3A_159, %add3A_167 : i32
      %lt3A_169 = arith.constant 78 : i32
      %lt3A_170 = arith.cmpi slt, %add3A_168, %lt3A_169 : i32
      %convert_element_type3A_171 = arith.extui %lt3A_170 : i1 to i32
      %cond3A_172 = arith.constant 0 : i32
      %cond3A_173 = arith.cmpi ne, %convert_element_type3A_171, %cond3A_172 : i32
      scf.if %cond3A_173 {
        %dma_wait3A_239 = arith.constant 0 : i32
        %dma_wait3A_240 = arith.constant 0 : i32
        %dma_wait3A_241 = tpu.memref_slice %arg4[%dma_wait3A_239, %dma_wait3A_240] : memref<2x320000xi32, #tpu.memory_space<hbm>> -> memref<1x128xi32, #tpu.memory_space<hbm>>
        %dma_wait3A_242 = tpu.memref_squeeze %dma_wait3A_241 : memref<1x128xi32, #tpu.memory_space<hbm>> -> memref<128xi32, #tpu.memory_space<hbm>>
        %dma_wait3A_243 = arith.constant 0 : i32
        %dma_wait3A_244 = tpu.memref_slice %arg4[%dma_wait3A_239, %dma_wait3A_243] : memref<2x320000xi32, #tpu.memory_space<hbm>> -> memref<1x128xi32, #tpu.memory_space<hbm>>
        %dma_wait3A_245 = tpu.memref_squeeze %dma_wait3A_244 : memref<1x128xi32, #tpu.memory_space<hbm>> -> memref<128xi32, #tpu.memory_space<hbm>>
        tpu.wait_dma2 semaphore(%arg24 : memref<!tpu.dma_semaphore, #tpu.memory_space<semaphore_mem>>) src(%dma_wait3A_245 : memref<128xi32, #tpu.memory_space<hbm>>) dst(%arg8 : memref<128xi32, #tpu.memory_space<vmem>>)
        %dma_wait3A_246 = arith.constant 1 : i32
        %dma_wait3A_247 = arith.constant 0 : i32
        %dma_wait3A_248 = tpu.memref_slice %arg4[%dma_wait3A_246, %dma_wait3A_247] : memref<2x320000xi32, #tpu.memory_space<hbm>> -> memref<1x128xi32, #tpu.memory_space<hbm>>
        %dma_wait3A_249 = tpu.memref_squeeze %dma_wait3A_248 : memref<1x128xi32, #tpu.memory_space<hbm>> -> memref<128xi32, #tpu.memory_space<hbm>>
        %dma_wait3A_250 = arith.constant 0 : i32
        %dma_wait3A_251 = tpu.memref_slice %arg4[%dma_wait3A_246, %dma_wait3A_250] : memref<2x320000xi32, #tpu.memory_space<hbm>> -> memref<1x128xi32, #tpu.memory_space<hbm>>
        %dma_wait3A_252 = tpu.memref_squeeze %dma_wait3A_251 : memref<1x128xi32, #tpu.memory_space<hbm>> -> memref<128xi32, #tpu.memory_space<hbm>>
        tpu.wait_dma2 semaphore(%arg24 : memref<!tpu.dma_semaphore, #tpu.memory_space<semaphore_mem>>) src(%dma_wait3A_252 : memref<128xi32, #tpu.memory_space<hbm>>) dst(%arg11 : memref<128xi32, #tpu.memory_space<vmem>>)
        %dma_wait3A_253 = arith.constant 0 : i32
        %dma_wait3A_254 = arith.constant 0 : i32
        %dma_wait3A_255 = tpu.memref_slice %arg3[%dma_wait3A_253, %dma_wait3A_254] : memref<80000x128xf32, #tpu.memory_space<hbm>> -> memref<128x32xf32, #tpu.memory_space<hbm>>
        %dma_wait3A_256 = arith.constant 0 : i32
        %dma_wait3A_257 = arith.constant 0 : i32
        %dma_wait3A_258 = tpu.memref_slice %arg3[%dma_wait3A_256, %dma_wait3A_257] : memref<80000x128xf32, #tpu.memory_space<hbm>> -> memref<128x32xf32, #tpu.memory_space<hbm>>
        tpu.wait_dma2 semaphore(%arg24 : memref<!tpu.dma_semaphore, #tpu.memory_space<semaphore_mem>>) src(%dma_wait3A_258 : memref<128x32xf32, #tpu.memory_space<hbm>>) dst(%arg14 : memref<128x32xf32, #tpu.memory_space<vmem>>)
        %dma_start3A_259 = arith.constant 0 : i32
        %dma_start3A_260 = arith.constant 0 : i32
        %dma_start3A_261 = tpu.memref_slice %arg2[%dma_start3A_259, %dma_start3A_260] : memref<10000x32xf32, #tpu.memory_space<hbm>> -> memref<10000x32xf32, #tpu.memory_space<hbm>>
        tpu.enqueue_indirect_dma source(%dma_start3A_261 : memref<10000x32xf32, #tpu.memory_space<hbm>>) target(%arg14 : memref<128x32xf32, #tpu.memory_space<vmem>>) offsets(%arg8 : memref<128xi32, #tpu.memory_space<vmem>>) semaphore(%arg27 : memref<!tpu.dma_semaphore, #tpu.memory_space<semaphore_mem>>) {add = true}
      } else {
      }
      %dma_wait3A_174 = arith.constant 0 : i32
      %dma_wait3A_175 = arith.constant 0 : i32
      %dma_wait3A_176 = tpu.memref_slice %arg2[%dma_wait3A_174, %dma_wait3A_175] : memref<10000x32xf32, #tpu.memory_space<hbm>> -> memref<10000x32xf32, #tpu.memory_space<hbm>>
      tpu.wait_indirect_dma semaphore(%arg26 : memref<!tpu.dma_semaphore, #tpu.memory_space<semaphore_mem>>) src(%dma_wait3A_176 : memref<10000x32xf32, #tpu.memory_space<hbm>>) dst(%arg13 : memref<128x32xf32, #tpu.memory_space<vmem>>)
      %scan3A_177 = arith.constant 0 : i32
      %scan3A_178 = arith.constant 128 : i32
      %scan3A_179 = arith.addi %scan3A_177, %scan3A_178 : i32
      %scan3A_180 = arith.constant 8 : i32
      scf.for %scan3A_239 = %scan3A_177 to %scan3A_179 step %scan3A_180  : i32 {
        %mul3A_240 = arith.constant 1 : i32
        %mul3A_241 = arith.muli %scan3A_239, %mul3A_240 : i32
        %add3A_242 = arith.constant 0 : i32
        %add3A_243 = arith.addi %add3A_242, %mul3A_241 : i32
        %get3A = arith.index_cast %add3A_243 : i32 to index
        %get3A_244 = arith.constant 0 : index
        %get3A_245 = tpu.vector_load %arg13[%get3A, %get3A_244] {strides = array<i32>} : memref<128x32xf32, #tpu.memory_space<vmem>>, vector<16xf32>,
        %max3A = arith.constant 0.000000e+00 : f32
        %max3A_246 = vector.broadcast %max3A : f32 to vector<16xf32>
        %max3A_247 = arith.maximumf %get3A_245, %max3A_246 : vector<16xf32>
        %swap3A = arith.index_cast %add3A_243 : i32 to index
        %swap3A_248 = arith.constant 0 : index
        %swap3A_249 = tpu.vector_load %arg19[%swap3A, %swap3A_248] {strides = array<i32>} : memref<128x32xf32, #tpu.memory_space<vmem>>, vector<16xf32>,
        tpu.vector_store %arg19[%swap3A, %swap3A_248], %max3A_247 {strides = array<i32>} : memref<128x32xf32, #tpu.memory_space<vmem>>, vector<16xf32>,
        %get3A_250 = arith.index_cast %add3A_243 : i32 to index
        %get3A_251 = arith.constant 16 : index
        %get3A_252 = tpu.vector_load %arg13[%get3A_250, %get3A_251] {strides = array<i32>} : memref<128x32xf32, #tpu.memory_space<vmem>>, vector<16xf32>,
        %max3A_253 = arith.constant 0.000000e+00 : f32
        %max3A_254 = vector.broadcast %max3A_253 : f32 to vector<16xf32>
        %max3A_255 = arith.maximumf %get3A_252, %max3A_254 : vector<16xf32>
        %swap3A_256 = arith.index_cast %add3A_243 : i32 to index
        %swap3A_257 = arith.constant 16 : index
        %swap3A_258 = tpu.vector_load %arg19[%swap3A_256, %swap3A_257] {strides = array<i32>} : memref<128x32xf32, #tpu.memory_space<vmem>>, vector<16xf32>,
        tpu.vector_store %arg19[%swap3A_256, %swap3A_257], %max3A_255 {strides = array<i32>} : memref<128x32xf32, #tpu.memory_space<vmem>>, vector<16xf32>,
        %scan3A_259 = arith.constant 1 : i32
        %scan3A_260 = arith.addi %scan3A_239, %scan3A_259 : i32
        %mul3A_261 = arith.constant 1 : i32
        %mul3A_262 = arith.muli %scan3A_260, %mul3A_261 : i32
        %add3A_263 = arith.constant 0 : i32
        %add3A_264 = arith.addi %add3A_263, %mul3A_262 : i32
        %get3A_265 = arith.index_cast %add3A_264 : i32 to index
        %get3A_266 = arith.constant 0 : index
        %get3A_267 = tpu.vector_load %arg13[%get3A_265, %get3A_266] {strides = array<i32>} : memref<128x32xf32, #tpu.memory_space<vmem>>, vector<16xf32>,
        %max3A_268 = arith.constant 0.000000e+00 : f32
        %max3A_269 = vector.broadcast %max3A_268 : f32 to vector<16xf32>
        %max3A_270 = arith.maximumf %get3A_267, %max3A_269 : vector<16xf32>
        %swap3A_271 = arith.index_cast %add3A_264 : i32 to index
        %swap3A_272 = arith.constant 0 : index
        %swap3A_273 = tpu.vector_load %arg19[%swap3A_271, %swap3A_272] {strides = array<i32>} : memref<128x32xf32, #tpu.memory_space<vmem>>, vector<16xf32>,
        tpu.vector_store %arg19[%swap3A_271, %swap3A_272], %max3A_270 {strides = array<i32>} : memref<128x32xf32, #tpu.memory_space<vmem>>, vector<16xf32>,
        %get3A_274 = arith.index_cast %add3A_264 : i32 to index
        %get3A_275 = arith.constant 16 : index
        %get3A_276 = tpu.vector_load %arg13[%get3A_274, %get3A_275] {strides = array<i32>} : memref<128x32xf32, #tpu.memory_space<vmem>>, vector<16xf32>,
        %max3A_277 = arith.constant 0.000000e+00 : f32
        %max3A_278 = vector.broadcast %max3A_277 : f32 to vector<16xf32>
        %max3A_279 = arith.maximumf %get3A_276, %max3A_278 : vector<16xf32>
        %swap3A_280 = arith.index_cast %add3A_264 : i32 to index
        %swap3A_281 = arith.constant 16 : index
        %swap3A_282 = tpu.vector_load %arg19[%swap3A_280, %swap3A_281] {strides = array<i32>} : memref<128x32xf32, #tpu.memory_space<vmem>>, vector<16xf32>,
        tpu.vector_store %arg19[%swap3A_280, %swap3A_281], %max3A_279 {strides = array<i32>} : memref<128x32xf32, #tpu.memory_space<vmem>>, vector<16xf32>,
        %scan3A_283 = arith.constant 2 : i32
        %scan3A_284 = arith.addi %scan3A_239, %scan3A_283 : i32
        %mul3A_285 = arith.constant 1 : i32
        %mul3A_286 = arith.muli %scan3A_284, %mul3A_285 : i32
        %add3A_287 = arith.constant 0 : i32
        %add3A_288 = arith.addi %add3A_287, %mul3A_286 : i32
        %get3A_289 = arith.index_cast %add3A_288 : i32 to index
        %get3A_290 = arith.constant 0 : index
        %get3A_291 = tpu.vector_load %arg13[%get3A_289, %get3A_290] {strides = array<i32>} : memref<128x32xf32, #tpu.memory_space<vmem>>, vector<16xf32>,
        %max3A_292 = arith.constant 0.000000e+00 : f32
        %max3A_293 = vector.broadcast %max3A_292 : f32 to vector<16xf32>
        %max3A_294 = arith.maximumf %get3A_291, %max3A_293 : vector<16xf32>
        %swap3A_295 = arith.index_cast %add3A_288 : i32 to index
        %swap3A_296 = arith.constant 0 : index
        %swap3A_297 = tpu.vector_load %arg19[%swap3A_295, %swap3A_296] {strides = array<i32>} : memref<128x32xf32, #tpu.memory_space<vmem>>, vector<16xf32>,
        tpu.vector_store %arg19[%swap3A_295, %swap3A_296], %max3A_294 {strides = array<i32>} : memref<128x32xf32, #tpu.memory_space<vmem>>, vector<16xf32>,
        %get3A_298 = arith.index_cast %add3A_288 : i32 to index
        %get3A_299 = arith.constant 16 : index
        %get3A_300 = tpu.vector_load %arg13[%get3A_298, %get3A_299] {strides = array<i32>} : memref<128x32xf32, #tpu.memory_space<vmem>>, vector<16xf32>,
        %max3A_301 = arith.constant 0.000000e+00 : f32
        %max3A_302 = vector.broadcast %max3A_301 : f32 to vector<16xf32>
        %max3A_303 = arith.maximumf %get3A_300, %max3A_302 : vector<16xf32>
        %swap3A_304 = arith.index_cast %add3A_288 : i32 to index
        %swap3A_305 = arith.constant 16 : index
        %swap3A_306 = tpu.vector_load %arg19[%swap3A_304, %swap3A_305] {strides = array<i32>} : memref<128x32xf32, #tpu.memory_space<vmem>>, vector<16xf32>,
        tpu.vector_store %arg19[%swap3A_304, %swap3A_305], %max3A_303 {strides = array<i32>} : memref<128x32xf32, #tpu.memory_space<vmem>>, vector<16xf32>,
        %scan3A_307 = arith.constant 3 : i32
        %scan3A_308 = arith.addi %scan3A_239, %scan3A_307 : i32
        %mul3A_309 = arith.constant 1 : i32
        %mul3A_310 = arith.muli %scan3A_308, %mul3A_309 : i32
        %add3A_311 = arith.constant 0 : i32
        %add3A_312 = arith.addi %add3A_311, %mul3A_310 : i32
        %get3A_313 = arith.index_cast %add3A_312 : i32 to index
        %get3A_314 = arith.constant 0 : index
        %get3A_315 = tpu.vector_load %arg13[%get3A_313, %get3A_314] {strides = array<i32>} : memref<128x32xf32, #tpu.memory_space<vmem>>, vector<16xf32>,
        %max3A_316 = arith.constant 0.000000e+00 : f32
        %max3A_317 = vector.broadcast %max3A_316 : f32 to vector<16xf32>
        %max3A_318 = arith.maximumf %get3A_315, %max3A_317 : vector<16xf32>
        %swap3A_319 = arith.index_cast %add3A_312 : i32 to index
        %swap3A_320 = arith.constant 0 : index
        %swap3A_321 = tpu.vector_load %arg19[%swap3A_319, %swap3A_320] {strides = array<i32>} : memref<128x32xf32, #tpu.memory_space<vmem>>, vector<16xf32>,
        tpu.vector_store %arg19[%swap3A_319, %swap3A_320], %max3A_318 {strides = array<i32>} : memref<128x32xf32, #tpu.memory_space<vmem>>, vector<16xf32>,
        %get3A_322 = arith.index_cast %add3A_312 : i32 to index
        %get3A_323 = arith.constant 16 : index
        %get3A_324 = tpu.vector_load %arg13[%get3A_322, %get3A_323] {strides = array<i32>} : memref<128x32xf32, #tpu.memory_space<vmem>>, vector<16xf32>,
        %max3A_325 = arith.constant 0.000000e+00 : f32
        %max3A_326 = vector.broadcast %max3A_325 : f32 to vector<16xf32>
        %max3A_327 = arith.maximumf %get3A_324, %max3A_326 : vector<16xf32>
        %swap3A_328 = arith.index_cast %add3A_312 : i32 to index
        %swap3A_329 = arith.constant 16 : index
        %swap3A_330 = tpu.vector_load %arg19[%swap3A_328, %swap3A_329] {strides = array<i32>} : memref<128x32xf32, #tpu.memory_space<vmem>>, vector<16xf32>,
        tpu.vector_store %arg19[%swap3A_328, %swap3A_329], %max3A_327 {strides = array<i32>} : memref<128x32xf32, #tpu.memory_space<vmem>>, vector<16xf32>,
        %scan3A_331 = arith.constant 4 : i32
        %scan3A_332 = arith.addi %scan3A_239, %scan3A_331 : i32
        %mul3A_333 = arith.constant 1 : i32
        %mul3A_334 = arith.muli %scan3A_332, %mul3A_333 : i32
        %add3A_335 = arith.constant 0 : i32
        %add3A_336 = arith.addi %add3A_335, %mul3A_334 : i32
        %get3A_337 = arith.index_cast %add3A_336 : i32 to index
        %get3A_338 = arith.constant 0 : index
        %get3A_339 = tpu.vector_load %arg13[%get3A_337, %get3A_338] {strides = array<i32>} : memref<128x32xf32, #tpu.memory_space<vmem>>, vector<16xf32>,
        %max3A_340 = arith.constant 0.000000e+00 : f32
        %max3A_341 = vector.broadcast %max3A_340 : f32 to vector<16xf32>
        %max3A_342 = arith.maximumf %get3A_339, %max3A_341 : vector<16xf32>
        %swap3A_343 = arith.index_cast %add3A_336 : i32 to index
        %swap3A_344 = arith.constant 0 : index
        %swap3A_345 = tpu.vector_load %arg19[%swap3A_343, %swap3A_344] {strides = array<i32>} : memref<128x32xf32, #tpu.memory_space<vmem>>, vector<16xf32>,
        tpu.vector_store %arg19[%swap3A_343, %swap3A_344], %max3A_342 {strides = array<i32>} : memref<128x32xf32, #tpu.memory_space<vmem>>, vector<16xf32>,
        %get3A_346 = arith.index_cast %add3A_336 : i32 to index
        %get3A_347 = arith.constant 16 : index
        %get3A_348 = tpu.vector_load %arg13[%get3A_346, %get3A_347] {strides = array<i32>} : memref<128x32xf32, #tpu.memory_space<vmem>>, vector<16xf32>,
        %max3A_349 = arith.constant 0.000000e+00 : f32
        %max3A_350 = vector.broadcast %max3A_349 : f32 to vector<16xf32>
        %max3A_351 = arith.maximumf %get3A_348, %max3A_350 : vector<16xf32>
        %swap3A_352 = arith.index_cast %add3A_336 : i32 to index
        %swap3A_353 = arith.constant 16 : index
        %swap3A_354 = tpu.vector_load %arg19[%swap3A_352, %swap3A_353] {strides = array<i32>} : memref<128x32xf32, #tpu.memory_space<vmem>>, vector<16xf32>,
        tpu.vector_store %arg19[%swap3A_352, %swap3A_353], %max3A_351 {strides = array<i32>} : memref<128x32xf32, #tpu.memory_space<vmem>>, vector<16xf32>,
        %scan3A_355 = arith.constant 5 : i32
        %scan3A_356 = arith.addi %scan3A_239, %scan3A_355 : i32
        %mul3A_357 = arith.constant 1 : i32
        %mul3A_358 = arith.muli %scan3A_356, %mul3A_357 : i32
        %add3A_359 = arith.constant 0 : i32
        %add3A_360 = arith.addi %add3A_359, %mul3A_358 : i32
        %get3A_361 = arith.index_cast %add3A_360 : i32 to index
        %get3A_362 = arith.constant 0 : index
        %get3A_363 = tpu.vector_load %arg13[%get3A_361, %get3A_362] {strides = array<i32>} : memref<128x32xf32, #tpu.memory_space<vmem>>, vector<16xf32>,
        %max3A_364 = arith.constant 0.000000e+00 : f32
        %max3A_365 = vector.broadcast %max3A_364 : f32 to vector<16xf32>
        %max3A_366 = arith.maximumf %get3A_363, %max3A_365 : vector<16xf32>
        %swap3A_367 = arith.index_cast %add3A_360 : i32 to index
        %swap3A_368 = arith.constant 0 : index
        %swap3A_369 = tpu.vector_load %arg19[%swap3A_367, %swap3A_368] {strides = array<i32>} : memref<128x32xf32, #tpu.memory_space<vmem>>, vector<16xf32>,
        tpu.vector_store %arg19[%swap3A_367, %swap3A_368], %max3A_366 {strides = array<i32>} : memref<128x32xf32, #tpu.memory_space<vmem>>, vector<16xf32>,
        %get3A_370 = arith.index_cast %add3A_360 : i32 to index
        %get3A_371 = arith.constant 16 : index
        %get3A_372 = tpu.vector_load %arg13[%get3A_370, %get3A_371] {strides = array<i32>} : memref<128x32xf32, #tpu.memory_space<vmem>>, vector<16xf32>,
        %max3A_373 = arith.constant 0.000000e+00 : f32
        %max3A_374 = vector.broadcast %max3A_373 : f32 to vector<16xf32>
        %max3A_375 = arith.maximumf %get3A_372, %max3A_374 : vector<16xf32>
        %swap3A_376 = arith.index_cast %add3A_360 : i32 to index
        %swap3A_377 = arith.constant 16 : index
        %swap3A_378 = tpu.vector_load %arg19[%swap3A_376, %swap3A_377] {strides = array<i32>} : memref<128x32xf32, #tpu.memory_space<vmem>>, vector<16xf32>,
        tpu.vector_store %arg19[%swap3A_376, %swap3A_377], %max3A_375 {strides = array<i32>} : memref<128x32xf32, #tpu.memory_space<vmem>>, vector<16xf32>,
        %scan3A_379 = arith.constant 6 : i32
        %scan3A_380 = arith.addi %scan3A_239, %scan3A_379 : i32
        %mul3A_381 = arith.constant 1 : i32
        %mul3A_382 = arith.muli %scan3A_380, %mul3A_381 : i32
        %add3A_383 = arith.constant 0 : i32
        %add3A_384 = arith.addi %add3A_383, %mul3A_382 : i32
        %get3A_385 = arith.index_cast %add3A_384 : i32 to index
        %get3A_386 = arith.constant 0 : index
        %get3A_387 = tpu.vector_load %arg13[%get3A_385, %get3A_386] {strides = array<i32>} : memref<128x32xf32, #tpu.memory_space<vmem>>, vector<16xf32>,
        %max3A_388 = arith.constant 0.000000e+00 : f32
        %max3A_389 = vector.broadcast %max3A_388 : f32 to vector<16xf32>
        %max3A_390 = arith.maximumf %get3A_387, %max3A_389 : vector<16xf32>
        %swap3A_391 = arith.index_cast %add3A_384 : i32 to index
        %swap3A_392 = arith.constant 0 : index
        %swap3A_393 = tpu.vector_load %arg19[%swap3A_391, %swap3A_392] {strides = array<i32>} : memref<128x32xf32, #tpu.memory_space<vmem>>, vector<16xf32>,
        tpu.vector_store %arg19[%swap3A_391, %swap3A_392], %max3A_390 {strides = array<i32>} : memref<128x32xf32, #tpu.memory_space<vmem>>, vector<16xf32>,
        %get3A_394 = arith.index_cast %add3A_384 : i32 to index
        %get3A_395 = arith.constant 16 : index
        %get3A_396 = tpu.vector_load %arg13[%get3A_394, %get3A_395] {strides = array<i32>} : memref<128x32xf32, #tpu.memory_space<vmem>>, vector<16xf32>,
        %max3A_397 = arith.constant 0.000000e+00 : f32
        %max3A_398 = vector.broadcast %max3A_397 : f32 to vector<16xf32>
        %max3A_399 = arith.maximumf %get3A_396, %max3A_398 : vector<16xf32>
        %swap3A_400 = arith.index_cast %add3A_384 : i32 to index
        %swap3A_401 = arith.constant 16 : index
        %swap3A_402 = tpu.vector_load %arg19[%swap3A_400, %swap3A_401] {strides = array<i32>} : memref<128x32xf32, #tpu.memory_space<vmem>>, vector<16xf32>,
        tpu.vector_store %arg19[%swap3A_400, %swap3A_401], %max3A_399 {strides = array<i32>} : memref<128x32xf32, #tpu.memory_space<vmem>>, vector<16xf32>,
        %scan3A_403 = arith.constant 7 : i32
        %scan3A_404 = arith.addi %scan3A_239, %scan3A_403 : i32
        %mul3A_405 = arith.constant 1 : i32
        %mul3A_406 = arith.muli %scan3A_404, %mul3A_405 : i32
        %add3A_407 = arith.constant 0 : i32
        %add3A_408 = arith.addi %add3A_407, %mul3A_406 : i32
        %get3A_409 = arith.index_cast %add3A_408 : i32 to index
        %get3A_410 = arith.constant 0 : index
        %get3A_411 = tpu.vector_load %arg13[%get3A_409, %get3A_410] {strides = array<i32>} : memref<128x32xf32, #tpu.memory_space<vmem>>, vector<16xf32>,
        %max3A_412 = arith.constant 0.000000e+00 : f32
        %max3A_413 = vector.broadcast %max3A_412 : f32 to vector<16xf32>
        %max3A_414 = arith.maximumf %get3A_411, %max3A_413 : vector<16xf32>
        %swap3A_415 = arith.index_cast %add3A_408 : i32 to index
        %swap3A_416 = arith.constant 0 : index
        %swap3A_417 = tpu.vector_load %arg19[%swap3A_415, %swap3A_416] {strides = array<i32>} : memref<128x32xf32, #tpu.memory_space<vmem>>, vector<16xf32>,
        tpu.vector_store %arg19[%swap3A_415, %swap3A_416], %max3A_414 {strides = array<i32>} : memref<128x32xf32, #tpu.memory_space<vmem>>, vector<16xf32>,
        %get3A_418 = arith.index_cast %add3A_408 : i32 to index
        %get3A_419 = arith.constant 16 : index
        %get3A_420 = tpu.vector_load %arg13[%get3A_418, %get3A_419] {strides = array<i32>} : memref<128x32xf32, #tpu.memory_space<vmem>>, vector<16xf32>,
        %max3A_421 = arith.constant 0.000000e+00 : f32
        %max3A_422 = vector.broadcast %max3A_421 : f32 to vector<16xf32>
        %max3A_423 = arith.maximumf %get3A_420, %max3A_422 : vector<16xf32>
        %swap3A_424 = arith.index_cast %add3A_408 : i32 to index
        %swap3A_425 = arith.constant 16 : index
        %swap3A_426 = tpu.vector_load %arg19[%swap3A_424, %swap3A_425] {strides = array<i32>} : memref<128x32xf32, #tpu.memory_space<vmem>>, vector<16xf32>,
        tpu.vector_store %arg19[%swap3A_424, %swap3A_425], %max3A_423 {strides = array<i32>} : memref<128x32xf32, #tpu.memory_space<vmem>>, vector<16xf32>,
      }
      %scan3A_181 = arith.constant 128 : i32
      %dma_start3A_182 = arith.constant 0 : i32
      %dma_start3A_183 = arith.constant 0 : i32
      %dma_start3A_184 = tpu.memref_slice %arg22[%dma_start3A_182, %dma_start3A_183] : memref<10240x32xf32, #tpu.memory_space<vmem_shared>> -> memref<10240x32xf32, #tpu.memory_space<vmem_shared>>
      tpu.enqueue_indirect_dma source(%arg19 : memref<128x32xf32, #tpu.memory_space<vmem>>) target(%dma_start3A_184 : memref<10240x32xf32, #tpu.memory_space<vmem_shared>>) offsets(%arg10 : memref<128xi32, #tpu.memory_space<vmem>>) semaphore(%arg29 : memref<!tpu.dma_semaphore, #tpu.memory_space<semaphore_mem>>) {add = true}
      %add3A_185 = arith.constant 1 : i32
      %add3A_186 = arith.addi %add3A_157, %add3A_185 : i32
      %add3A_187 = arith.constant 2 : i32
      %add3A_188 = arith.addi %add3A_186, %add3A_187 : i32
      %lt3A_189 = arith.constant 78 : i32
      %lt3A_190 = arith.cmpi slt, %add3A_188, %lt3A_189 : i32
      %convert_element_type3A_191 = arith.extui %lt3A_190 : i1 to i32
      %cond3A_192 = arith.constant 0 : i32
      %cond3A_193 = arith.cmpi ne, %convert_element_type3A_191, %cond3A_192 : i32
      scf.if %cond3A_193 {
        %add3A_239 = arith.constant 2 : i32
        %add3A_240 = arith.addi %add3A_186, %add3A_239 : i32
        %ge3A = arith.constant 3 : i32
        %ge3A_241 = arith.cmpi sge, %add3A_240, %ge3A : i32
        %convert_element_type3A_242 = arith.extui %ge3A_241 : i1 to i32
        %cond3A_243 = arith.constant 0 : i32
        %cond3A_244 = arith.cmpi ne, %convert_element_type3A_242, %cond3A_243 : i32
        scf.if %cond3A_244 {
          %dma_wait3A_308 = arith.constant 0 : i32
          %dma_wait3A_309 = arith.constant 0 : i32
          %dma_wait3A_310 = tpu.memref_slice %arg22[%dma_wait3A_308, %dma_wait3A_309] : memref<10240x32xf32, #tpu.memory_space<vmem_shared>> -> memref<10240x32xf32, #tpu.memory_space<vmem_shared>>
          tpu.wait_indirect_dma semaphore(%arg29 : memref<!tpu.dma_semaphore, #tpu.memory_space<semaphore_mem>>) src(%arg19 : memref<128x32xf32, #tpu.memory_space<vmem>>) dst(%dma_wait3A_310 : memref<10240x32xf32, #tpu.memory_space<vmem_shared>>)
        } else {
        }
        %add3A_245 = arith.constant 2 : i32
        %add3A_246 = arith.addi %add3A_186, %add3A_245 : i32
        %mul3A_247 = arith.constant 32 : i32
        %mul3A_248 = arith.muli %mul3A_247, %add3A_246 : i32
        %add3A_249 = arith.addi %add3A, %mul3A_248 : i32
        %mul3A_250 = arith.constant 128 : i32
        %mul3A_251 = arith.muli %add3A_249, %mul3A_250 : i32
        %jit3A_252 = arith.constant 625 : i32
        %div3A_253 = arith.divsi %add3A_249, %jit3A_252 : i32
        %sign3A_254 = arith.constant 0 : i32
        %sign3A_255 = arith.cmpi sgt, %add3A_249, %sign3A_254 : i32
        %sign3A_256 = arith.extui %sign3A_255 : i1 to i32
        %sign3A_257 = arith.constant 0 : i32
        %sign3A_258 = arith.cmpi slt, %add3A_249, %sign3A_257 : i32
        %sign3A_259 = arith.extui %sign3A_258 : i1 to i32
        %sign3A_260 = arith.subi %sign3A_256, %sign3A_259 : i32
        %sign3A_261 = arith.constant 0 : i32
        %sign3A_262 = arith.cmpi sgt, %jit3A_252, %sign3A_261 : i32
        %sign3A_263 = arith.extui %sign3A_262 : i1 to i32
        %sign3A_264 = arith.constant 0 : i32
        %sign3A_265 = arith.cmpi slt, %jit3A_252, %sign3A_264 : i32
        %sign3A_266 = arith.extui %sign3A_265 : i1 to i32
        %sign3A_267 = arith.subi %sign3A_263, %sign3A_266 : i32
        %ne3A_268 = arith.cmpi ne, %sign3A_260, %sign3A_267 : i32
        %rem3A_269 = arith.remsi %add3A_249, %jit3A_252 : i32
        %ne3A_270 = arith.constant 0 : i32
        %ne3A_271 = arith.cmpi ne, %rem3A_269, %ne3A_270 : i32
        %and3A_272 = arith.andi %ne3A_268, %ne3A_271 : i1
        %sub3A_273 = arith.constant 1 : i32
        %sub3A_274 = arith.subi %div3A_253, %sub3A_273 : i32
        %select_n3A_275 = arith.select %and3A_272, %sub3A_274, %div3A_253 : i32
        %jit3A_276 = arith.constant 625 : i32
        %eq3A_277 = arith.constant 0 : i32
        %eq3A_278 = arith.cmpi eq, %jit3A_276, %eq3A_277 : i32
        %jit3A_279 = arith.constant 1 : i32
        %select_n3A_280 = arith.select %eq3A_278, %jit3A_279, %jit3A_276 : i32
        %rem3A_281 = arith.remsi %add3A_249, %select_n3A_280 : i32
        %ne3A_282 = arith.constant 0 : i32
        %ne3A_283 = arith.cmpi ne, %rem3A_281, %ne3A_282 : i32
        %lt3A_284 = arith.constant 0 : i32
        %lt3A_285 = arith.cmpi slt, %rem3A_281, %lt3A_284 : i32
        %lt3A_286 = arith.constant 0 : i32
        %lt3A_287 = arith.cmpi slt, %select_n3A_280, %lt3A_286 : i32
        %ne3A_288 = arith.xori %lt3A_285, %lt3A_287 : i1
        %and3A_289 = arith.andi %ne3A_288, %ne3A_283 : i1
        %add3A_290 = arith.addi %rem3A_281, %select_n3A_280 : i32
        %select_n3A_291 = arith.select %and3A_289, %add3A_290, %rem3A_281 : i32
        %mul3A_292 = arith.constant 128 : i32
        %mul3A_293 = arith.muli %select_n3A_291, %mul3A_292 : i32
        %dma_start3A_294 = arith.constant 0 : i32
        %dma_start3A_295 = tpu.memref_slice %arg4[%dma_start3A_294, %mul3A_251] : memref<2x320000xi32, #tpu.memory_space<hbm>> -> memref<1x128xi32, #tpu.memory_space<hbm>>
        %dma_start3A_296 = tpu.memref_squeeze %dma_start3A_295 : memref<1x128xi32, #tpu.memory_space<hbm>> -> memref<128xi32, #tpu.memory_space<hbm>>
        %dma_start3A_297 = tpu.memref_slice %arg4[%dma_start3A_294, %mul3A_251] : memref<2x320000xi32, #tpu.memory_space<hbm>> -> memref<1x128xi32, #tpu.memory_space<hbm>>
        %dma_start3A_298 = tpu.memref_squeeze %dma_start3A_297 : memref<1x128xi32, #tpu.memory_space<hbm>> -> memref<128xi32, #tpu.memory_space<hbm>>
        tpu.enqueue_dma source(%dma_start3A_298 : memref<128xi32, #tpu.memory_space<hbm>>) target(%arg7 : memref<128xi32, #tpu.memory_space<vmem>>) target_semaphore(%arg23 : memref<!tpu.dma_semaphore, #tpu.memory_space<semaphore_mem>>)
        %dma_start3A_299 = arith.constant 1 : i32
        %dma_start3A_300 = tpu.memref_slice %arg4[%dma_start3A_299, %mul3A_251] : memref<2x320000xi32, #tpu.memory_space<hbm>> -> memref<1x128xi32, #tpu.memory_space<hbm>>
        %dma_start3A_301 = tpu.memref_squeeze %dma_start3A_300 : memref<1x128xi32, #tpu.memory_space<hbm>> -> memref<128xi32, #tpu.memory_space<hbm>>
        %dma_start3A_302 = tpu.memref_slice %arg4[%dma_start3A_299, %mul3A_251] : memref<2x320000xi32, #tpu.memory_space<hbm>> -> memref<1x128xi32, #tpu.memory_space<hbm>>
        %dma_start3A_303 = tpu.memref_squeeze %dma_start3A_302 : memref<1x128xi32, #tpu.memory_space<hbm>> -> memref<128xi32, #tpu.memory_space<hbm>>
        tpu.enqueue_dma source(%dma_start3A_303 : memref<128xi32, #tpu.memory_space<hbm>>) target(%arg10 : memref<128xi32, #tpu.memory_space<vmem>>) target_semaphore(%arg23 : memref<!tpu.dma_semaphore, #tpu.memory_space<semaphore_mem>>)
        %mul3A_304 = arith.constant 32 : i32
        %mul3A_305 = arith.muli %mul3A_304, %select_n3A_275 : i32
        %dma_start3A_306 = tpu.memref_slice %arg3[%mul3A_293, %mul3A_305] : memref<80000x128xf32, #tpu.memory_space<hbm>> -> memref<128x32xf32, #tpu.memory_space<hbm>>
        %dma_start3A_307 = tpu.memref_slice %arg3[%mul3A_293, %mul3A_305] : memref<80000x128xf32, #tpu.memory_space<hbm>> -> memref<128x32xf32, #tpu.memory_space<hbm>>
        tpu.enqueue_dma source(%dma_start3A_307 : memref<128x32xf32, #tpu.memory_space<hbm>>) target(%arg13 : memref<128x32xf32, #tpu.memory_space<vmem>>) target_semaphore(%arg23 : memref<!tpu.dma_semaphore, #tpu.memory_space<semaphore_mem>>)
      } else {
      }
      %add3A_194 = arith.constant 1 : i32
      %add3A_195 = arith.addi %add3A_186, %add3A_194 : i32
      %lt3A_196 = arith.constant 78 : i32
      %lt3A_197 = arith.cmpi slt, %add3A_195, %lt3A_196 : i32
      %convert_element_type3A_198 = arith.extui %lt3A_197 : i1 to i32
      %cond3A_199 = arith.constant 0 : i32
      %cond3A_200 = arith.cmpi ne, %convert_element_type3A_198, %cond3A_199 : i32
      scf.if %cond3A_200 {
        %dma_wait3A_239 = arith.constant 0 : i32
        %dma_wait3A_240 = arith.constant 0 : i32
        %dma_wait3A_241 = tpu.memref_slice %arg4[%dma_wait3A_239, %dma_wait3A_240] : memref<2x320000xi32, #tpu.memory_space<hbm>> -> memref<1x128xi32, #tpu.memory_space<hbm>>
        %dma_wait3A_242 = tpu.memref_squeeze %dma_wait3A_241 : memref<1x128xi32, #tpu.memory_space<hbm>> -> memref<128xi32, #tpu.memory_space<hbm>>
        %dma_wait3A_243 = arith.constant 0 : i32
        %dma_wait3A_244 = tpu.memref_slice %arg4[%dma_wait3A_239, %dma_wait3A_243] : memref<2x320000xi32, #tpu.memory_space<hbm>> -> memref<1x128xi32, #tpu.memory_space<hbm>>
        %dma_wait3A_245 = tpu.memref_squeeze %dma_wait3A_244 : memref<1x128xi32, #tpu.memory_space<hbm>> -> memref<128xi32, #tpu.memory_space<hbm>>
        tpu.wait_dma2 semaphore(%arg25 : memref<!tpu.dma_semaphore, #tpu.memory_space<semaphore_mem>>) src(%dma_wait3A_245 : memref<128xi32, #tpu.memory_space<hbm>>) dst(%arg9 : memref<128xi32, #tpu.memory_space<vmem>>)
        %dma_wait3A_246 = arith.constant 1 : i32
        %dma_wait3A_247 = arith.constant 0 : i32
        %dma_wait3A_248 = tpu.memref_slice %arg4[%dma_wait3A_246, %dma_wait3A_247] : memref<2x320000xi32, #tpu.memory_space<hbm>> -> memref<1x128xi32, #tpu.memory_space<hbm>>
        %dma_wait3A_249 = tpu.memref_squeeze %dma_wait3A_248 : memref<1x128xi32, #tpu.memory_space<hbm>> -> memref<128xi32, #tpu.memory_space<hbm>>
        %dma_wait3A_250 = arith.constant 0 : i32
        %dma_wait3A_251 = tpu.memref_slice %arg4[%dma_wait3A_246, %dma_wait3A_250] : memref<2x320000xi32, #tpu.memory_space<hbm>> -> memref<1x128xi32, #tpu.memory_space<hbm>>
        %dma_wait3A_252 = tpu.memref_squeeze %dma_wait3A_251 : memref<1x128xi32, #tpu.memory_space<hbm>> -> memref<128xi32, #tpu.memory_space<hbm>>
        tpu.wait_dma2 semaphore(%arg25 : memref<!tpu.dma_semaphore, #tpu.memory_space<semaphore_mem>>) src(%dma_wait3A_252 : memref<128xi32, #tpu.memory_space<hbm>>) dst(%arg12 : memref<128xi32, #tpu.memory_space<vmem>>)
        %dma_wait3A_253 = arith.constant 0 : i32
        %dma_wait3A_254 = arith.constant 0 : i32
        %dma_wait3A_255 = tpu.memref_slice %arg3[%dma_wait3A_253, %dma_wait3A_254] : memref<80000x128xf32, #tpu.memory_space<hbm>> -> memref<128x32xf32, #tpu.memory_space<hbm>>
        %dma_wait3A_256 = arith.constant 0 : i32
        %dma_wait3A_257 = arith.constant 0 : i32
        %dma_wait3A_258 = tpu.memref_slice %arg3[%dma_wait3A_256, %dma_wait3A_257] : memref<80000x128xf32, #tpu.memory_space<hbm>> -> memref<128x32xf32, #tpu.memory_space<hbm>>
        tpu.wait_dma2 semaphore(%arg25 : memref<!tpu.dma_semaphore, #tpu.memory_space<semaphore_mem>>) src(%dma_wait3A_258 : memref<128x32xf32, #tpu.memory_space<hbm>>) dst(%arg15 : memref<128x32xf32, #tpu.memory_space<vmem>>)
        %dma_start3A_259 = arith.constant 0 : i32
        %dma_start3A_260 = arith.constant 0 : i32
        %dma_start3A_261 = tpu.memref_slice %arg2[%dma_start3A_259, %dma_start3A_260] : memref<10000x32xf32, #tpu.memory_space<hbm>> -> memref<10000x32xf32, #tpu.memory_space<hbm>>
        tpu.enqueue_indirect_dma source(%dma_start3A_261 : memref<10000x32xf32, #tpu.memory_space<hbm>>) target(%arg15 : memref<128x32xf32, #tpu.memory_space<vmem>>) offsets(%arg9 : memref<128xi32, #tpu.memory_space<vmem>>) semaphore(%arg28 : memref<!tpu.dma_semaphore, #tpu.memory_space<semaphore_mem>>) {add = true}
      } else {
      }
      %dma_wait3A_201 = arith.constant 0 : i32
      %dma_wait3A_202 = arith.constant 0 : i32
      %dma_wait3A_203 = tpu.memref_slice %arg2[%dma_wait3A_201, %dma_wait3A_202] : memref<10000x32xf32, #tpu.memory_space<hbm>> -> memref<10000x32xf32, #tpu.memory_space<hbm>>
      tpu.wait_indirect_dma semaphore(%arg27 : memref<!tpu.dma_semaphore, #tpu.memory_space<semaphore_mem>>) src(%dma_wait3A_203 : memref<10000x32xf32, #tpu.memory_space<hbm>>) dst(%arg14 : memref<128x32xf32, #tpu.memory_space<vmem>>)
      %scan3A_204 = arith.constant 0 : i32
      %scan3A_205 = arith.constant 128 : i32
      %scan3A_206 = arith.addi %scan3A_204, %scan3A_205 : i32
      %scan3A_207 = arith.constant 8 : i32
      scf.for %scan3A_239 = %scan3A_204 to %scan3A_206 step %scan3A_207  : i32 {
        %mul3A_240 = arith.constant 1 : i32
        %mul3A_241 = arith.muli %scan3A_239, %mul3A_240 : i32
        %add3A_242 = arith.constant 0 : i32
        %add3A_243 = arith.addi %add3A_242, %mul3A_241 : i32
        %get3A = arith.index_cast %add3A_243 : i32 to index
        %get3A_244 = arith.constant 0 : index
        %get3A_245 = tpu.vector_load %arg14[%get3A, %get3A_244] {strides = array<i32>} : memref<128x32xf32, #tpu.memory_space<vmem>>, vector<16xf32>,
        %max3A = arith.constant 0.000000e+00 : f32
        %max3A_246 = vector.broadcast %max3A : f32 to vector<16xf32>
        %max3A_247 = arith.maximumf %get3A_245, %max3A_246 : vector<16xf32>
        %swap3A = arith.index_cast %add3A_243 : i32 to index
        %swap3A_248 = arith.constant 0 : index
        %swap3A_249 = tpu.vector_load %arg20[%swap3A, %swap3A_248] {strides = array<i32>} : memref<128x32xf32, #tpu.memory_space<vmem>>, vector<16xf32>,
        tpu.vector_store %arg20[%swap3A, %swap3A_248], %max3A_247 {strides = array<i32>} : memref<128x32xf32, #tpu.memory_space<vmem>>, vector<16xf32>,
        %get3A_250 = arith.index_cast %add3A_243 : i32 to index
        %get3A_251 = arith.constant 16 : index
        %get3A_252 = tpu.vector_load %arg14[%get3A_250, %get3A_251] {strides = array<i32>} : memref<128x32xf32, #tpu.memory_space<vmem>>, vector<16xf32>,
        %max3A_253 = arith.constant 0.000000e+00 : f32
        %max3A_254 = vector.broadcast %max3A_253 : f32 to vector<16xf32>
        %max3A_255 = arith.maximumf %get3A_252, %max3A_254 : vector<16xf32>
        %swap3A_256 = arith.index_cast %add3A_243 : i32 to index
        %swap3A_257 = arith.constant 16 : index
        %swap3A_258 = tpu.vector_load %arg20[%swap3A_256, %swap3A_257] {strides = array<i32>} : memref<128x32xf32, #tpu.memory_space<vmem>>, vector<16xf32>,
        tpu.vector_store %arg20[%swap3A_256, %swap3A_257], %max3A_255 {strides = array<i32>} : memref<128x32xf32, #tpu.memory_space<vmem>>, vector<16xf32>,
        %scan3A_259 = arith.constant 1 : i32
        %scan3A_260 = arith.addi %scan3A_239, %scan3A_259 : i32
        %mul3A_261 = arith.constant 1 : i32
        %mul3A_262 = arith.muli %scan3A_260, %mul3A_261 : i32
        %add3A_263 = arith.constant 0 : i32
        %add3A_264 = arith.addi %add3A_263, %mul3A_262 : i32
        %get3A_265 = arith.index_cast %add3A_264 : i32 to index
        %get3A_266 = arith.constant 0 : index
        %get3A_267 = tpu.vector_load %arg14[%get3A_265, %get3A_266] {strides = array<i32>} : memref<128x32xf32, #tpu.memory_space<vmem>>, vector<16xf32>,
        %max3A_268 = arith.constant 0.000000e+00 : f32
        %max3A_269 = vector.broadcast %max3A_268 : f32 to vector<16xf32>
        %max3A_270 = arith.maximumf %get3A_267, %max3A_269 : vector<16xf32>
        %swap3A_271 = arith.index_cast %add3A_264 : i32 to index
        %swap3A_272 = arith.constant 0 : index
        %swap3A_273 = tpu.vector_load %arg20[%swap3A_271, %swap3A_272] {strides = array<i32>} : memref<128x32xf32, #tpu.memory_space<vmem>>, vector<16xf32>,
        tpu.vector_store %arg20[%swap3A_271, %swap3A_272], %max3A_270 {strides = array<i32>} : memref<128x32xf32, #tpu.memory_space<vmem>>, vector<16xf32>,
        %get3A_274 = arith.index_cast %add3A_264 : i32 to index
        %get3A_275 = arith.constant 16 : index
        %get3A_276 = tpu.vector_load %arg14[%get3A_274, %get3A_275] {strides = array<i32>} : memref<128x32xf32, #tpu.memory_space<vmem>>, vector<16xf32>,
        %max3A_277 = arith.constant 0.000000e+00 : f32
        %max3A_278 = vector.broadcast %max3A_277 : f32 to vector<16xf32>
        %max3A_279 = arith.maximumf %get3A_276, %max3A_278 : vector<16xf32>
        %swap3A_280 = arith.index_cast %add3A_264 : i32 to index
        %swap3A_281 = arith.constant 16 : index
        %swap3A_282 = tpu.vector_load %arg20[%swap3A_280, %swap3A_281] {strides = array<i32>} : memref<128x32xf32, #tpu.memory_space<vmem>>, vector<16xf32>,
        tpu.vector_store %arg20[%swap3A_280, %swap3A_281], %max3A_279 {strides = array<i32>} : memref<128x32xf32, #tpu.memory_space<vmem>>, vector<16xf32>,
        %scan3A_283 = arith.constant 2 : i32
        %scan3A_284 = arith.addi %scan3A_239, %scan3A_283 : i32
        %mul3A_285 = arith.constant 1 : i32
        %mul3A_286 = arith.muli %scan3A_284, %mul3A_285 : i32
        %add3A_287 = arith.constant 0 : i32
        %add3A_288 = arith.addi %add3A_287, %mul3A_286 : i32
        %get3A_289 = arith.index_cast %add3A_288 : i32 to index
        %get3A_290 = arith.constant 0 : index
        %get3A_291 = tpu.vector_load %arg14[%get3A_289, %get3A_290] {strides = array<i32>} : memref<128x32xf32, #tpu.memory_space<vmem>>, vector<16xf32>,
        %max3A_292 = arith.constant 0.000000e+00 : f32
        %max3A_293 = vector.broadcast %max3A_292 : f32 to vector<16xf32>
        %max3A_294 = arith.maximumf %get3A_291, %max3A_293 : vector<16xf32>
        %swap3A_295 = arith.index_cast %add3A_288 : i32 to index
        %swap3A_296 = arith.constant 0 : index
        %swap3A_297 = tpu.vector_load %arg20[%swap3A_295, %swap3A_296] {strides = array<i32>} : memref<128x32xf32, #tpu.memory_space<vmem>>, vector<16xf32>,
        tpu.vector_store %arg20[%swap3A_295, %swap3A_296], %max3A_294 {strides = array<i32>} : memref<128x32xf32, #tpu.memory_space<vmem>>, vector<16xf32>,
        %get3A_298 = arith.index_cast %add3A_288 : i32 to index
        %get3A_299 = arith.constant 16 : index
        %get3A_300 = tpu.vector_load %arg14[%get3A_298, %get3A_299] {strides = array<i32>} : memref<128x32xf32, #tpu.memory_space<vmem>>, vector<16xf32>,
        %max3A_301 = arith.constant 0.000000e+00 : f32
        %max3A_302 = vector.broadcast %max3A_301 : f32 to vector<16xf32>
        %max3A_303 = arith.maximumf %get3A_300, %max3A_302 : vector<16xf32>
        %swap3A_304 = arith.index_cast %add3A_288 : i32 to index
        %swap3A_305 = arith.constant 16 : index
        %swap3A_306 = tpu.vector_load %arg20[%swap3A_304, %swap3A_305] {strides = array<i32>} : memref<128x32xf32, #tpu.memory_space<vmem>>, vector<16xf32>,
        tpu.vector_store %arg20[%swap3A_304, %swap3A_305], %max3A_303 {strides = array<i32>} : memref<128x32xf32, #tpu.memory_space<vmem>>, vector<16xf32>,
        %scan3A_307 = arith.constant 3 : i32
        %scan3A_308 = arith.addi %scan3A_239, %scan3A_307 : i32
        %mul3A_309 = arith.constant 1 : i32
        %mul3A_310 = arith.muli %scan3A_308, %mul3A_309 : i32
        %add3A_311 = arith.constant 0 : i32
        %add3A_312 = arith.addi %add3A_311, %mul3A_310 : i32
        %get3A_313 = arith.index_cast %add3A_312 : i32 to index
        %get3A_314 = arith.constant 0 : index
        %get3A_315 = tpu.vector_load %arg14[%get3A_313, %get3A_314] {strides = array<i32>} : memref<128x32xf32, #tpu.memory_space<vmem>>, vector<16xf32>,
        %max3A_316 = arith.constant 0.000000e+00 : f32
        %max3A_317 = vector.broadcast %max3A_316 : f32 to vector<16xf32>
        %max3A_318 = arith.maximumf %get3A_315, %max3A_317 : vector<16xf32>
        %swap3A_319 = arith.index_cast %add3A_312 : i32 to index
        %swap3A_320 = arith.constant 0 : index
        %swap3A_321 = tpu.vector_load %arg20[%swap3A_319, %swap3A_320] {strides = array<i32>} : memref<128x32xf32, #tpu.memory_space<vmem>>, vector<16xf32>,
        tpu.vector_store %arg20[%swap3A_319, %swap3A_320], %max3A_318 {strides = array<i32>} : memref<128x32xf32, #tpu.memory_space<vmem>>, vector<16xf32>,
        %get3A_322 = arith.index_cast %add3A_312 : i32 to index
        %get3A_323 = arith.constant 16 : index
        %get3A_324 = tpu.vector_load %arg14[%get3A_322, %get3A_323] {strides = array<i32>} : memref<128x32xf32, #tpu.memory_space<vmem>>, vector<16xf32>,
        %max3A_325 = arith.constant 0.000000e+00 : f32
        %max3A_326 = vector.broadcast %max3A_325 : f32 to vector<16xf32>
        %max3A_327 = arith.maximumf %get3A_324, %max3A_326 : vector<16xf32>
        %swap3A_328 = arith.index_cast %add3A_312 : i32 to index
        %swap3A_329 = arith.constant 16 : index
        %swap3A_330 = tpu.vector_load %arg20[%swap3A_328, %swap3A_329] {strides = array<i32>} : memref<128x32xf32, #tpu.memory_space<vmem>>, vector<16xf32>,
        tpu.vector_store %arg20[%swap3A_328, %swap3A_329], %max3A_327 {strides = array<i32>} : memref<128x32xf32, #tpu.memory_space<vmem>>, vector<16xf32>,
        %scan3A_331 = arith.constant 4 : i32
        %scan3A_332 = arith.addi %scan3A_239, %scan3A_331 : i32
        %mul3A_333 = arith.constant 1 : i32
        %mul3A_334 = arith.muli %scan3A_332, %mul3A_333 : i32
        %add3A_335 = arith.constant 0 : i32
        %add3A_336 = arith.addi %add3A_335, %mul3A_334 : i32
        %get3A_337 = arith.index_cast %add3A_336 : i32 to index
        %get3A_338 = arith.constant 0 : index
        %get3A_339 = tpu.vector_load %arg14[%get3A_337, %get3A_338] {strides = array<i32>} : memref<128x32xf32, #tpu.memory_space<vmem>>, vector<16xf32>,
        %max3A_340 = arith.constant 0.000000e+00 : f32
        %max3A_341 = vector.broadcast %max3A_340 : f32 to vector<16xf32>
        %max3A_342 = arith.maximumf %get3A_339, %max3A_341 : vector<16xf32>
        %swap3A_343 = arith.index_cast %add3A_336 : i32 to index
        %swap3A_344 = arith.constant 0 : index
        %swap3A_345 = tpu.vector_load %arg20[%swap3A_343, %swap3A_344] {strides = array<i32>} : memref<128x32xf32, #tpu.memory_space<vmem>>, vector<16xf32>,
        tpu.vector_store %arg20[%swap3A_343, %swap3A_344], %max3A_342 {strides = array<i32>} : memref<128x32xf32, #tpu.memory_space<vmem>>, vector<16xf32>,
        %get3A_346 = arith.index_cast %add3A_336 : i32 to index
        %get3A_347 = arith.constant 16 : index
        %get3A_348 = tpu.vector_load %arg14[%get3A_346, %get3A_347] {strides = array<i32>} : memref<128x32xf32, #tpu.memory_space<vmem>>, vector<16xf32>,
        %max3A_349 = arith.constant 0.000000e+00 : f32
        %max3A_350 = vector.broadcast %max3A_349 : f32 to vector<16xf32>
        %max3A_351 = arith.maximumf %get3A_348, %max3A_350 : vector<16xf32>
        %swap3A_352 = arith.index_cast %add3A_336 : i32 to index
        %swap3A_353 = arith.constant 16 : index
        %swap3A_354 = tpu.vector_load %arg20[%swap3A_352, %swap3A_353] {strides = array<i32>} : memref<128x32xf32, #tpu.memory_space<vmem>>, vector<16xf32>,
        tpu.vector_store %arg20[%swap3A_352, %swap3A_353], %max3A_351 {strides = array<i32>} : memref<128x32xf32, #tpu.memory_space<vmem>>, vector<16xf32>,
        %scan3A_355 = arith.constant 5 : i32
        %scan3A_356 = arith.addi %scan3A_239, %scan3A_355 : i32
        %mul3A_357 = arith.constant 1 : i32
        %mul3A_358 = arith.muli %scan3A_356, %mul3A_357 : i32
        %add3A_359 = arith.constant 0 : i32
        %add3A_360 = arith.addi %add3A_359, %mul3A_358 : i32
        %get3A_361 = arith.index_cast %add3A_360 : i32 to index
        %get3A_362 = arith.constant 0 : index
        %get3A_363 = tpu.vector_load %arg14[%get3A_361, %get3A_362] {strides = array<i32>} : memref<128x32xf32, #tpu.memory_space<vmem>>, vector<16xf32>,
        %max3A_364 = arith.constant 0.000000e+00 : f32
        %max3A_365 = vector.broadcast %max3A_364 : f32 to vector<16xf32>
        %max3A_366 = arith.maximumf %get3A_363, %max3A_365 : vector<16xf32>
        %swap3A_367 = arith.index_cast %add3A_360 : i32 to index
        %swap3A_368 = arith.constant 0 : index
        %swap3A_369 = tpu.vector_load %arg20[%swap3A_367, %swap3A_368] {strides = array<i32>} : memref<128x32xf32, #tpu.memory_space<vmem>>, vector<16xf32>,
        tpu.vector_store %arg20[%swap3A_367, %swap3A_368], %max3A_366 {strides = array<i32>} : memref<128x32xf32, #tpu.memory_space<vmem>>, vector<16xf32>,
        %get3A_370 = arith.index_cast %add3A_360 : i32 to index
        %get3A_371 = arith.constant 16 : index
        %get3A_372 = tpu.vector_load %arg14[%get3A_370, %get3A_371] {strides = array<i32>} : memref<128x32xf32, #tpu.memory_space<vmem>>, vector<16xf32>,
        %max3A_373 = arith.constant 0.000000e+00 : f32
        %max3A_374 = vector.broadcast %max3A_373 : f32 to vector<16xf32>
        %max3A_375 = arith.maximumf %get3A_372, %max3A_374 : vector<16xf32>
        %swap3A_376 = arith.index_cast %add3A_360 : i32 to index
        %swap3A_377 = arith.constant 16 : index
        %swap3A_378 = tpu.vector_load %arg20[%swap3A_376, %swap3A_377] {strides = array<i32>} : memref<128x32xf32, #tpu.memory_space<vmem>>, vector<16xf32>,
        tpu.vector_store %arg20[%swap3A_376, %swap3A_377], %max3A_375 {strides = array<i32>} : memref<128x32xf32, #tpu.memory_space<vmem>>, vector<16xf32>,
        %scan3A_379 = arith.constant 6 : i32
        %scan3A_380 = arith.addi %scan3A_239, %scan3A_379 : i32
        %mul3A_381 = arith.constant 1 : i32
        %mul3A_382 = arith.muli %scan3A_380, %mul3A_381 : i32
        %add3A_383 = arith.constant 0 : i32
        %add3A_384 = arith.addi %add3A_383, %mul3A_382 : i32
        %get3A_385 = arith.index_cast %add3A_384 : i32 to index
        %get3A_386 = arith.constant 0 : index
        %get3A_387 = tpu.vector_load %arg14[%get3A_385, %get3A_386] {strides = array<i32>} : memref<128x32xf32, #tpu.memory_space<vmem>>, vector<16xf32>,
        %max3A_388 = arith.constant 0.000000e+00 : f32
        %max3A_389 = vector.broadcast %max3A_388 : f32 to vector<16xf32>
        %max3A_390 = arith.maximumf %get3A_387, %max3A_389 : vector<16xf32>
        %swap3A_391 = arith.index_cast %add3A_384 : i32 to index
        %swap3A_392 = arith.constant 0 : index
        %swap3A_393 = tpu.vector_load %arg20[%swap3A_391, %swap3A_392] {strides = array<i32>} : memref<128x32xf32, #tpu.memory_space<vmem>>, vector<16xf32>,
        tpu.vector_store %arg20[%swap3A_391, %swap3A_392], %max3A_390 {strides = array<i32>} : memref<128x32xf32, #tpu.memory_space<vmem>>, vector<16xf32>,
        %get3A_394 = arith.index_cast %add3A_384 : i32 to index
        %get3A_395 = arith.constant 16 : index
        %get3A_396 = tpu.vector_load %arg14[%get3A_394, %get3A_395] {strides = array<i32>} : memref<128x32xf32, #tpu.memory_space<vmem>>, vector<16xf32>,
        %max3A_397 = arith.constant 0.000000e+00 : f32
        %max3A_398 = vector.broadcast %max3A_397 : f32 to vector<16xf32>
        %max3A_399 = arith.maximumf %get3A_396, %max3A_398 : vector<16xf32>
        %swap3A_400 = arith.index_cast %add3A_384 : i32 to index
        %swap3A_401 = arith.constant 16 : index
        %swap3A_402 = tpu.vector_load %arg20[%swap3A_400, %swap3A_401] {strides = array<i32>} : memref<128x32xf32, #tpu.memory_space<vmem>>, vector<16xf32>,
        tpu.vector_store %arg20[%swap3A_400, %swap3A_401], %max3A_399 {strides = array<i32>} : memref<128x32xf32, #tpu.memory_space<vmem>>, vector<16xf32>,
        %scan3A_403 = arith.constant 7 : i32
        %scan3A_404 = arith.addi %scan3A_239, %scan3A_403 : i32
        %mul3A_405 = arith.constant 1 : i32
        %mul3A_406 = arith.muli %scan3A_404, %mul3A_405 : i32
        %add3A_407 = arith.constant 0 : i32
        %add3A_408 = arith.addi %add3A_407, %mul3A_406 : i32
        %get3A_409 = arith.index_cast %add3A_408 : i32 to index
        %get3A_410 = arith.constant 0 : index
        %get3A_411 = tpu.vector_load %arg14[%get3A_409, %get3A_410] {strides = array<i32>} : memref<128x32xf32, #tpu.memory_space<vmem>>, vector<16xf32>,
        %max3A_412 = arith.constant 0.000000e+00 : f32
        %max3A_413 = vector.broadcast %max3A_412 : f32 to vector<16xf32>
        %max3A_414 = arith.maximumf %get3A_411, %max3A_413 : vector<16xf32>
        %swap3A_415 = arith.index_cast %add3A_408 : i32 to index
        %swap3A_416 = arith.constant 0 : index
        %swap3A_417 = tpu.vector_load %arg20[%swap3A_415, %swap3A_416] {strides = array<i32>} : memref<128x32xf32, #tpu.memory_space<vmem>>, vector<16xf32>,
        tpu.vector_store %arg20[%swap3A_415, %swap3A_416], %max3A_414 {strides = array<i32>} : memref<128x32xf32, #tpu.memory_space<vmem>>, vector<16xf32>,
        %get3A_418 = arith.index_cast %add3A_408 : i32 to index
        %get3A_419 = arith.constant 16 : index
        %get3A_420 = tpu.vector_load %arg14[%get3A_418, %get3A_419] {strides = array<i32>} : memref<128x32xf32, #tpu.memory_space<vmem>>, vector<16xf32>,
        %max3A_421 = arith.constant 0.000000e+00 : f32
        %max3A_422 = vector.broadcast %max3A_421 : f32 to vector<16xf32>
        %max3A_423 = arith.maximumf %get3A_420, %max3A_422 : vector<16xf32>
        %swap3A_424 = arith.index_cast %add3A_408 : i32 to index
        %swap3A_425 = arith.constant 16 : index
        %swap3A_426 = tpu.vector_load %arg20[%swap3A_424, %swap3A_425] {strides = array<i32>} : memref<128x32xf32, #tpu.memory_space<vmem>>, vector<16xf32>,
        tpu.vector_store %arg20[%swap3A_424, %swap3A_425], %max3A_423 {strides = array<i32>} : memref<128x32xf32, #tpu.memory_space<vmem>>, vector<16xf32>,
      }
      %scan3A_208 = arith.constant 128 : i32
      %dma_start3A_209 = arith.constant 0 : i32
      %dma_start3A_210 = arith.constant 0 : i32
      %dma_start3A_211 = tpu.memref_slice %arg22[%dma_start3A_209, %dma_start3A_210] : memref<10240x32xf32, #tpu.memory_space<vmem_shared>> -> memref<10240x32xf32, #tpu.memory_space<vmem_shared>>
      tpu.enqueue_indirect_dma source(%arg20 : memref<128x32xf32, #tpu.memory_space<vmem>>) target(%dma_start3A_211 : memref<10240x32xf32, #tpu.memory_space<vmem_shared>>) offsets(%arg11 : memref<128xi32, #tpu.memory_space<vmem>>) semaphore(%arg30 : memref<!tpu.dma_semaphore, #tpu.memory_space<semaphore_mem>>) {add = true}
      %add3A_212 = arith.constant 2 : i32
      %add3A_213 = arith.addi %add3A_157, %add3A_212 : i32
      %add3A_214 = arith.constant 2 : i32
      %add3A_215 = arith.addi %add3A_213, %add3A_214 : i32
      %lt3A_216 = arith.constant 78 : i32
      %lt3A_217 = arith.cmpi slt, %add3A_215, %lt3A_216 : i32
      %convert_element_type3A_218 = arith.extui %lt3A_217 : i1 to i32
      %cond3A_219 = arith.constant 0 : i32
      %cond3A_220 = arith.cmpi ne, %convert_element_type3A_218, %cond3A_219 : i32
      scf.if %cond3A_220 {
        %add3A_239 = arith.constant 2 : i32
        %add3A_240 = arith.addi %add3A_213, %add3A_239 : i32
        %ge3A = arith.constant 3 : i32
        %ge3A_241 = arith.cmpi sge, %add3A_240, %ge3A : i32
        %convert_element_type3A_242 = arith.extui %ge3A_241 : i1 to i32
        %cond3A_243 = arith.constant 0 : i32
        %cond3A_244 = arith.cmpi ne, %convert_element_type3A_242, %cond3A_243 : i32
        scf.if %cond3A_244 {
          %dma_wait3A_308 = arith.constant 0 : i32
          %dma_wait3A_309 = arith.constant 0 : i32
          %dma_wait3A_310 = tpu.memref_slice %arg22[%dma_wait3A_308, %dma_wait3A_309] : memref<10240x32xf32, #tpu.memory_space<vmem_shared>> -> memref<10240x32xf32, #tpu.memory_space<vmem_shared>>
          tpu.wait_indirect_dma semaphore(%arg30 : memref<!tpu.dma_semaphore, #tpu.memory_space<semaphore_mem>>) src(%arg20 : memref<128x32xf32, #tpu.memory_space<vmem>>) dst(%dma_wait3A_310 : memref<10240x32xf32, #tpu.memory_space<vmem_shared>>)
        } else {
        }
        %add3A_245 = arith.constant 2 : i32
        %add3A_246 = arith.addi %add3A_213, %add3A_245 : i32
        %mul3A_247 = arith.constant 32 : i32
        %mul3A_248 = arith.muli %mul3A_247, %add3A_246 : i32
        %add3A_249 = arith.addi %add3A, %mul3A_248 : i32
        %mul3A_250 = arith.constant 128 : i32
        %mul3A_251 = arith.muli %add3A_249, %mul3A_250 : i32
        %jit3A_252 = arith.constant 625 : i32
        %div3A_253 = arith.divsi %add3A_249, %jit3A_252 : i32
        %sign3A_254 = arith.constant 0 : i32
        %sign3A_255 = arith.cmpi sgt, %add3A_249, %sign3A_254 : i32
        %sign3A_256 = arith.extui %sign3A_255 : i1 to i32
        %sign3A_257 = arith.constant 0 : i32
        %sign3A_258 = arith.cmpi slt, %add3A_249, %sign3A_257 : i32
        %sign3A_259 = arith.extui %sign3A_258 : i1 to i32
        %sign3A_260 = arith.subi %sign3A_256, %sign3A_259 : i32
        %sign3A_261 = arith.constant 0 : i32
        %sign3A_262 = arith.cmpi sgt, %jit3A_252, %sign3A_261 : i32
        %sign3A_263 = arith.extui %sign3A_262 : i1 to i32
        %sign3A_264 = arith.constant 0 : i32
        %sign3A_265 = arith.cmpi slt, %jit3A_252, %sign3A_264 : i32
        %sign3A_266 = arith.extui %sign3A_265 : i1 to i32
        %sign3A_267 = arith.subi %sign3A_263, %sign3A_266 : i32
        %ne3A_268 = arith.cmpi ne, %sign3A_260, %sign3A_267 : i32
        %rem3A_269 = arith.remsi %add3A_249, %jit3A_252 : i32
        %ne3A_270 = arith.constant 0 : i32
        %ne3A_271 = arith.cmpi ne, %rem3A_269, %ne3A_270 : i32
        %and3A_272 = arith.andi %ne3A_268, %ne3A_271 : i1
        %sub3A_273 = arith.constant 1 : i32
        %sub3A_274 = arith.subi %div3A_253, %sub3A_273 : i32
        %select_n3A_275 = arith.select %and3A_272, %sub3A_274, %div3A_253 : i32
        %jit3A_276 = arith.constant 625 : i32
        %eq3A_277 = arith.constant 0 : i32
        %eq3A_278 = arith.cmpi eq, %jit3A_276, %eq3A_277 : i32
        %jit3A_279 = arith.constant 1 : i32
        %select_n3A_280 = arith.select %eq3A_278, %jit3A_279, %jit3A_276 : i32
        %rem3A_281 = arith.remsi %add3A_249, %select_n3A_280 : i32
        %ne3A_282 = arith.constant 0 : i32
        %ne3A_283 = arith.cmpi ne, %rem3A_281, %ne3A_282 : i32
        %lt3A_284 = arith.constant 0 : i32
        %lt3A_285 = arith.cmpi slt, %rem3A_281, %lt3A_284 : i32
        %lt3A_286 = arith.constant 0 : i32
        %lt3A_287 = arith.cmpi slt, %select_n3A_280, %lt3A_286 : i32
        %ne3A_288 = arith.xori %lt3A_285, %lt3A_287 : i1
        %and3A_289 = arith.andi %ne3A_288, %ne3A_283 : i1
        %add3A_290 = arith.addi %rem3A_281, %select_n3A_280 : i32
        %select_n3A_291 = arith.select %and3A_289, %add3A_290, %rem3A_281 : i32
        %mul3A_292 = arith.constant 128 : i32
        %mul3A_293 = arith.muli %select_n3A_291, %mul3A_292 : i32
        %dma_start3A_294 = arith.constant 0 : i32
        %dma_start3A_295 = tpu.memref_slice %arg4[%dma_start3A_294, %mul3A_251] : memref<2x320000xi32, #tpu.memory_space<hbm>> -> memref<1x128xi32, #tpu.memory_space<hbm>>
        %dma_start3A_296 = tpu.memref_squeeze %dma_start3A_295 : memref<1x128xi32, #tpu.memory_space<hbm>> -> memref<128xi32, #tpu.memory_space<hbm>>
        %dma_start3A_297 = tpu.memref_slice %arg4[%dma_start3A_294, %mul3A_251] : memref<2x320000xi32, #tpu.memory_space<hbm>> -> memref<1x128xi32, #tpu.memory_space<hbm>>
        %dma_start3A_298 = tpu.memref_squeeze %dma_start3A_297 : memref<1x128xi32, #tpu.memory_space<hbm>> -> memref<128xi32, #tpu.memory_space<hbm>>
        tpu.enqueue_dma source(%dma_start3A_298 : memref<128xi32, #tpu.memory_space<hbm>>) target(%arg8 : memref<128xi32, #tpu.memory_space<vmem>>) target_semaphore(%arg24 : memref<!tpu.dma_semaphore, #tpu.memory_space<semaphore_mem>>)
        %dma_start3A_299 = arith.constant 1 : i32
        %dma_start3A_300 = tpu.memref_slice %arg4[%dma_start3A_299, %mul3A_251] : memref<2x320000xi32, #tpu.memory_space<hbm>> -> memref<1x128xi32, #tpu.memory_space<hbm>>
        %dma_start3A_301 = tpu.memref_squeeze %dma_start3A_300 : memref<1x128xi32, #tpu.memory_space<hbm>> -> memref<128xi32, #tpu.memory_space<hbm>>
        %dma_start3A_302 = tpu.memref_slice %arg4[%dma_start3A_299, %mul3A_251] : memref<2x320000xi32, #tpu.memory_space<hbm>> -> memref<1x128xi32, #tpu.memory_space<hbm>>
        %dma_start3A_303 = tpu.memref_squeeze %dma_start3A_302 : memref<1x128xi32, #tpu.memory_space<hbm>> -> memref<128xi32, #tpu.memory_space<hbm>>
        tpu.enqueue_dma source(%dma_start3A_303 : memref<128xi32, #tpu.memory_space<hbm>>) target(%arg11 : memref<128xi32, #tpu.memory_space<vmem>>) target_semaphore(%arg24 : memref<!tpu.dma_semaphore, #tpu.memory_space<semaphore_mem>>)
        %mul3A_304 = arith.constant 32 : i32
        %mul3A_305 = arith.muli %mul3A_304, %select_n3A_275 : i32
        %dma_start3A_306 = tpu.memref_slice %arg3[%mul3A_293, %mul3A_305] : memref<80000x128xf32, #tpu.memory_space<hbm>> -> memref<128x32xf32, #tpu.memory_space<hbm>>
        %dma_start3A_307 = tpu.memref_slice %arg3[%mul3A_293, %mul3A_305] : memref<80000x128xf32, #tpu.memory_space<hbm>> -> memref<128x32xf32, #tpu.memory_space<hbm>>
        tpu.enqueue_dma source(%dma_start3A_307 : memref<128x32xf32, #tpu.memory_space<hbm>>) target(%arg14 : memref<128x32xf32, #tpu.memory_space<vmem>>) target_semaphore(%arg24 : memref<!tpu.dma_semaphore, #tpu.memory_space<semaphore_mem>>)
      } else {
      }
      %add3A_221 = arith.constant 1 : i32
      %add3A_222 = arith.addi %add3A_213, %add3A_221 : i32
      %lt3A_223 = arith.constant 78 : i32
      %lt3A_224 = arith.cmpi slt, %add3A_222, %lt3A_223 : i32
      %convert_element_type3A_225 = arith.extui %lt3A_224 : i1 to i32
      %cond3A_226 = arith.constant 0 : i32
      %cond3A_227 = arith.cmpi ne, %convert_element_type3A_225, %cond3A_226 : i32
      scf.if %cond3A_227 {
        %dma_wait3A_239 = arith.constant 0 : i32
        %dma_wait3A_240 = arith.constant 0 : i32
        %dma_wait3A_241 = tpu.memref_slice %arg4[%dma_wait3A_239, %dma_wait3A_240] : memref<2x320000xi32, #tpu.memory_space<hbm>> -> memref<1x128xi32, #tpu.memory_space<hbm>>
        %dma_wait3A_242 = tpu.memref_squeeze %dma_wait3A_241 : memref<1x128xi32, #tpu.memory_space<hbm>> -> memref<128xi32, #tpu.memory_space<hbm>>
        %dma_wait3A_243 = arith.constant 0 : i32
        %dma_wait3A_244 = tpu.memref_slice %arg4[%dma_wait3A_239, %dma_wait3A_243] : memref<2x320000xi32, #tpu.memory_space<hbm>> -> memref<1x128xi32, #tpu.memory_space<hbm>>
        %dma_wait3A_245 = tpu.memref_squeeze %dma_wait3A_244 : memref<1x128xi32, #tpu.memory_space<hbm>> -> memref<128xi32, #tpu.memory_space<hbm>>
        tpu.wait_dma2 semaphore(%arg23 : memref<!tpu.dma_semaphore, #tpu.memory_space<semaphore_mem>>) src(%dma_wait3A_245 : memref<128xi32, #tpu.memory_space<hbm>>) dst(%arg7 : memref<128xi32, #tpu.memory_space<vmem>>)
        %dma_wait3A_246 = arith.constant 1 : i32
        %dma_wait3A_247 = arith.constant 0 : i32
        %dma_wait3A_248 = tpu.memref_slice %arg4[%dma_wait3A_246, %dma_wait3A_247] : memref<2x320000xi32, #tpu.memory_space<hbm>> -> memref<1x128xi32, #tpu.memory_space<hbm>>
        %dma_wait3A_249 = tpu.memref_squeeze %dma_wait3A_248 : memref<1x128xi32, #tpu.memory_space<hbm>> -> memref<128xi32, #tpu.memory_space<hbm>>
        %dma_wait3A_250 = arith.constant 0 : i32
        %dma_wait3A_251 = tpu.memref_slice %arg4[%dma_wait3A_246, %dma_wait3A_250] : memref<2x320000xi32, #tpu.memory_space<hbm>> -> memref<1x128xi32, #tpu.memory_space<hbm>>
        %dma_wait3A_252 = tpu.memref_squeeze %dma_wait3A_251 : memref<1x128xi32, #tpu.memory_space<hbm>> -> memref<128xi32, #tpu.memory_space<hbm>>
        tpu.wait_dma2 semaphore(%arg23 : memref<!tpu.dma_semaphore, #tpu.memory_space<semaphore_mem>>) src(%dma_wait3A_252 : memref<128xi32, #tpu.memory_space<hbm>>) dst(%arg10 : memref<128xi32, #tpu.memory_space<vmem>>)
        %dma_wait3A_253 = arith.constant 0 : i32
        %dma_wait3A_254 = arith.constant 0 : i32
        %dma_wait3A_255 = tpu.memref_slice %arg3[%dma_wait3A_253, %dma_wait3A_254] : memref<80000x128xf32, #tpu.memory_space<hbm>> -> memref<128x32xf32, #tpu.memory_space<hbm>>
        %dma_wait3A_256 = arith.constant 0 : i32
        %dma_wait3A_257 = arith.constant 0 : i32
        %dma_wait3A_258 = tpu.memref_slice %arg3[%dma_wait3A_256, %dma_wait3A_257] : memref<80000x128xf32, #tpu.memory_space<hbm>> -> memref<128x32xf32, #tpu.memory_space<hbm>>
        tpu.wait_dma2 semaphore(%arg23 : memref<!tpu.dma_semaphore, #tpu.memory_space<semaphore_mem>>) src(%dma_wait3A_258 : memref<128x32xf32, #tpu.memory_space<hbm>>) dst(%arg13 : memref<128x32xf32, #tpu.memory_space<vmem>>)
        %dma_start3A_259 = arith.constant 0 : i32
        %dma_start3A_260 = arith.constant 0 : i32
        %dma_start3A_261 = tpu.memref_slice %arg2[%dma_start3A_259, %dma_start3A_260] : memref<10000x32xf32, #tpu.memory_space<hbm>> -> memref<10000x32xf32, #tpu.memory_space<hbm>>
        tpu.enqueue_indirect_dma source(%dma_start3A_261 : memref<10000x32xf32, #tpu.memory_space<hbm>>) target(%arg13 : memref<128x32xf32, #tpu.memory_space<vmem>>) offsets(%arg7 : memref<128xi32, #tpu.memory_space<vmem>>) semaphore(%arg26 : memref<!tpu.dma_semaphore, #tpu.memory_space<semaphore_mem>>) {add = true}
      } else {
      }
      %dma_wait3A_228 = arith.constant 0 : i32
      %dma_wait3A_229 = arith.constant 0 : i32
      %dma_wait3A_230 = tpu.memref_slice %arg2[%dma_wait3A_228, %dma_wait3A_229] : memref<10000x32xf32, #tpu.memory_space<hbm>> -> memref<10000x32xf32, #tpu.memory_space<hbm>>
      tpu.wait_indirect_dma semaphore(%arg28 : memref<!tpu.dma_semaphore, #tpu.memory_space<semaphore_mem>>) src(%dma_wait3A_230 : memref<10000x32xf32, #tpu.memory_space<hbm>>) dst(%arg15 : memref<128x32xf32, #tpu.memory_space<vmem>>)
      %scan3A_231 = arith.constant 0 : i32
      %scan3A_232 = arith.constant 128 : i32
      %scan3A_233 = arith.addi %scan3A_231, %scan3A_232 : i32
      %scan3A_234 = arith.constant 8 : i32
      scf.for %scan3A_239 = %scan3A_231 to %scan3A_233 step %scan3A_234  : i32 {
        %mul3A_240 = arith.constant 1 : i32
        %mul3A_241 = arith.muli %scan3A_239, %mul3A_240 : i32
        %add3A_242 = arith.constant 0 : i32
        %add3A_243 = arith.addi %add3A_242, %mul3A_241 : i32
        %get3A = arith.index_cast %add3A_243 : i32 to index
        %get3A_244 = arith.constant 0 : index
        %get3A_245 = tpu.vector_load %arg15[%get3A, %get3A_244] {strides = array<i32>} : memref<128x32xf32, #tpu.memory_space<vmem>>, vector<16xf32>,
        %max3A = arith.constant 0.000000e+00 : f32
        %max3A_246 = vector.broadcast %max3A : f32 to vector<16xf32>
        %max3A_247 = arith.maximumf %get3A_245, %max3A_246 : vector<16xf32>
        %swap3A = arith.index_cast %add3A_243 : i32 to index
        %swap3A_248 = arith.constant 0 : index
        %swap3A_249 = tpu.vector_load %arg21[%swap3A, %swap3A_248] {strides = array<i32>} : memref<128x32xf32, #tpu.memory_space<vmem>>, vector<16xf32>,
        tpu.vector_store %arg21[%swap3A, %swap3A_248], %max3A_247 {strides = array<i32>} : memref<128x32xf32, #tpu.memory_space<vmem>>, vector<16xf32>,
        %get3A_250 = arith.index_cast %add3A_243 : i32 to index
        %get3A_251 = arith.constant 16 : index
        %get3A_252 = tpu.vector_load %arg15[%get3A_250, %get3A_251] {strides = array<i32>} : memref<128x32xf32, #tpu.memory_space<vmem>>, vector<16xf32>,
        %max3A_253 = arith.constant 0.000000e+00 : f32
        %max3A_254 = vector.broadcast %max3A_253 : f32 to vector<16xf32>
        %max3A_255 = arith.maximumf %get3A_252, %max3A_254 : vector<16xf32>
        %swap3A_256 = arith.index_cast %add3A_243 : i32 to index
        %swap3A_257 = arith.constant 16 : index
        %swap3A_258 = tpu.vector_load %arg21[%swap3A_256, %swap3A_257] {strides = array<i32>} : memref<128x32xf32, #tpu.memory_space<vmem>>, vector<16xf32>,
        tpu.vector_store %arg21[%swap3A_256, %swap3A_257], %max3A_255 {strides = array<i32>} : memref<128x32xf32, #tpu.memory_space<vmem>>, vector<16xf32>,
        %scan3A_259 = arith.constant 1 : i32
        %scan3A_260 = arith.addi %scan3A_239, %scan3A_259 : i32
        %mul3A_261 = arith.constant 1 : i32
        %mul3A_262 = arith.muli %scan3A_260, %mul3A_261 : i32
        %add3A_263 = arith.constant 0 : i32
        %add3A_264 = arith.addi %add3A_263, %mul3A_262 : i32
        %get3A_265 = arith.index_cast %add3A_264 : i32 to index
        %get3A_266 = arith.constant 0 : index
        %get3A_267 = tpu.vector_load %arg15[%get3A_265, %get3A_266] {strides = array<i32>} : memref<128x32xf32, #tpu.memory_space<vmem>>, vector<16xf32>,
        %max3A_268 = arith.constant 0.000000e+00 : f32
        %max3A_269 = vector.broadcast %max3A_268 : f32 to vector<16xf32>
        %max3A_270 = arith.maximumf %get3A_267, %max3A_269 : vector<16xf32>
        %swap3A_271 = arith.index_cast %add3A_264 : i32 to index
        %swap3A_272 = arith.constant 0 : index
        %swap3A_273 = tpu.vector_load %arg21[%swap3A_271, %swap3A_272] {strides = array<i32>} : memref<128x32xf32, #tpu.memory_space<vmem>>, vector<16xf32>,
        tpu.vector_store %arg21[%swap3A_271, %swap3A_272], %max3A_270 {strides = array<i32>} : memref<128x32xf32, #tpu.memory_space<vmem>>, vector<16xf32>,
        %get3A_274 = arith.index_cast %add3A_264 : i32 to index
        %get3A_275 = arith.constant 16 : index
        %get3A_276 = tpu.vector_load %arg15[%get3A_274, %get3A_275] {strides = array<i32>} : memref<128x32xf32, #tpu.memory_space<vmem>>, vector<16xf32>,
        %max3A_277 = arith.constant 0.000000e+00 : f32
        %max3A_278 = vector.broadcast %max3A_277 : f32 to vector<16xf32>
        %max3A_279 = arith.maximumf %get3A_276, %max3A_278 : vector<16xf32>
        %swap3A_280 = arith.index_cast %add3A_264 : i32 to index
        %swap3A_281 = arith.constant 16 : index
        %swap3A_282 = tpu.vector_load %arg21[%swap3A_280, %swap3A_281] {strides = array<i32>} : memref<128x32xf32, #tpu.memory_space<vmem>>, vector<16xf32>,
        tpu.vector_store %arg21[%swap3A_280, %swap3A_281], %max3A_279 {strides = array<i32>} : memref<128x32xf32, #tpu.memory_space<vmem>>, vector<16xf32>,
        %scan3A_283 = arith.constant 2 : i32
        %scan3A_284 = arith.addi %scan3A_239, %scan3A_283 : i32
        %mul3A_285 = arith.constant 1 : i32
        %mul3A_286 = arith.muli %scan3A_284, %mul3A_285 : i32
        %add3A_287 = arith.constant 0 : i32
        %add3A_288 = arith.addi %add3A_287, %mul3A_286 : i32
        %get3A_289 = arith.index_cast %add3A_288 : i32 to index
        %get3A_290 = arith.constant 0 : index
        %get3A_291 = tpu.vector_load %arg15[%get3A_289, %get3A_290] {strides = array<i32>} : memref<128x32xf32, #tpu.memory_space<vmem>>, vector<16xf32>,
        %max3A_292 = arith.constant 0.000000e+00 : f32
        %max3A_293 = vector.broadcast %max3A_292 : f32 to vector<16xf32>
        %max3A_294 = arith.maximumf %get3A_291, %max3A_293 : vector<16xf32>
        %swap3A_295 = arith.index_cast %add3A_288 : i32 to index
        %swap3A_296 = arith.constant 0 : index
        %swap3A_297 = tpu.vector_load %arg21[%swap3A_295, %swap3A_296] {strides = array<i32>} : memref<128x32xf32, #tpu.memory_space<vmem>>, vector<16xf32>,
        tpu.vector_store %arg21[%swap3A_295, %swap3A_296], %max3A_294 {strides = array<i32>} : memref<128x32xf32, #tpu.memory_space<vmem>>, vector<16xf32>,
        %get3A_298 = arith.index_cast %add3A_288 : i32 to index
        %get3A_299 = arith.constant 16 : index
        %get3A_300 = tpu.vector_load %arg15[%get3A_298, %get3A_299] {strides = array<i32>} : memref<128x32xf32, #tpu.memory_space<vmem>>, vector<16xf32>,
        %max3A_301 = arith.constant 0.000000e+00 : f32
        %max3A_302 = vector.broadcast %max3A_301 : f32 to vector<16xf32>
        %max3A_303 = arith.maximumf %get3A_300, %max3A_302 : vector<16xf32>
        %swap3A_304 = arith.index_cast %add3A_288 : i32 to index
        %swap3A_305 = arith.constant 16 : index
        %swap3A_306 = tpu.vector_load %arg21[%swap3A_304, %swap3A_305] {strides = array<i32>} : memref<128x32xf32, #tpu.memory_space<vmem>>, vector<16xf32>,
        tpu.vector_store %arg21[%swap3A_304, %swap3A_305], %max3A_303 {strides = array<i32>} : memref<128x32xf32, #tpu.memory_space<vmem>>, vector<16xf32>,
        %scan3A_307 = arith.constant 3 : i32
        %scan3A_308 = arith.addi %scan3A_239, %scan3A_307 : i32
        %mul3A_309 = arith.constant 1 : i32
        %mul3A_310 = arith.muli %scan3A_308, %mul3A_309 : i32
        %add3A_311 = arith.constant 0 : i32
        %add3A_312 = arith.addi %add3A_311, %mul3A_310 : i32
        %get3A_313 = arith.index_cast %add3A_312 : i32 to index
        %get3A_314 = arith.constant 0 : index
        %get3A_315 = tpu.vector_load %arg15[%get3A_313, %get3A_314] {strides = array<i32>} : memref<128x32xf32, #tpu.memory_space<vmem>>, vector<16xf32>,
        %max3A_316 = arith.constant 0.000000e+00 : f32
        %max3A_317 = vector.broadcast %max3A_316 : f32 to vector<16xf32>
        %max3A_318 = arith.maximumf %get3A_315, %max3A_317 : vector<16xf32>
        %swap3A_319 = arith.index_cast %add3A_312 : i32 to index
        %swap3A_320 = arith.constant 0 : index
        %swap3A_321 = tpu.vector_load %arg21[%swap3A_319, %swap3A_320] {strides = array<i32>} : memref<128x32xf32, #tpu.memory_space<vmem>>, vector<16xf32>,
        tpu.vector_store %arg21[%swap3A_319, %swap3A_320], %max3A_318 {strides = array<i32>} : memref<128x32xf32, #tpu.memory_space<vmem>>, vector<16xf32>,
        %get3A_322 = arith.index_cast %add3A_312 : i32 to index
        %get3A_323 = arith.constant 16 : index
        %get3A_324 = tpu.vector_load %arg15[%get3A_322, %get3A_323] {strides = array<i32>} : memref<128x32xf32, #tpu.memory_space<vmem>>, vector<16xf32>,
        %max3A_325 = arith.constant 0.000000e+00 : f32
        %max3A_326 = vector.broadcast %max3A_325 : f32 to vector<16xf32>
        %max3A_327 = arith.maximumf %get3A_324, %max3A_326 : vector<16xf32>
        %swap3A_328 = arith.index_cast %add3A_312 : i32 to index
        %swap3A_329 = arith.constant 16 : index
        %swap3A_330 = tpu.vector_load %arg21[%swap3A_328, %swap3A_329] {strides = array<i32>} : memref<128x32xf32, #tpu.memory_space<vmem>>, vector<16xf32>,
        tpu.vector_store %arg21[%swap3A_328, %swap3A_329], %max3A_327 {strides = array<i32>} : memref<128x32xf32, #tpu.memory_space<vmem>>, vector<16xf32>,
        %scan3A_331 = arith.constant 4 : i32
        %scan3A_332 = arith.addi %scan3A_239, %scan3A_331 : i32
        %mul3A_333 = arith.constant 1 : i32
        %mul3A_334 = arith.muli %scan3A_332, %mul3A_333 : i32
        %add3A_335 = arith.constant 0 : i32
        %add3A_336 = arith.addi %add3A_335, %mul3A_334 : i32
        %get3A_337 = arith.index_cast %add3A_336 : i32 to index
        %get3A_338 = arith.constant 0 : index
        %get3A_339 = tpu.vector_load %arg15[%get3A_337, %get3A_338] {strides = array<i32>} : memref<128x32xf32, #tpu.memory_space<vmem>>, vector<16xf32>,
        %max3A_340 = arith.constant 0.000000e+00 : f32
        %max3A_341 = vector.broadcast %max3A_340 : f32 to vector<16xf32>
        %max3A_342 = arith.maximumf %get3A_339, %max3A_341 : vector<16xf32>
        %swap3A_343 = arith.index_cast %add3A_336 : i32 to index
        %swap3A_344 = arith.constant 0 : index
        %swap3A_345 = tpu.vector_load %arg21[%swap3A_343, %swap3A_344] {strides = array<i32>} : memref<128x32xf32, #tpu.memory_space<vmem>>, vector<16xf32>,
        tpu.vector_store %arg21[%swap3A_343, %swap3A_344], %max3A_342 {strides = array<i32>} : memref<128x32xf32, #tpu.memory_space<vmem>>, vector<16xf32>,
        %get3A_346 = arith.index_cast %add3A_336 : i32 to index
        %get3A_347 = arith.constant 16 : index
        %get3A_348 = tpu.vector_load %arg15[%get3A_346, %get3A_347] {strides = array<i32>} : memref<128x32xf32, #tpu.memory_space<vmem>>, vector<16xf32>,
        %max3A_349 = arith.constant 0.000000e+00 : f32
        %max3A_350 = vector.broadcast %max3A_349 : f32 to vector<16xf32>
        %max3A_351 = arith.maximumf %get3A_348, %max3A_350 : vector<16xf32>
        %swap3A_352 = arith.index_cast %add3A_336 : i32 to index
        %swap3A_353 = arith.constant 16 : index
        %swap3A_354 = tpu.vector_load %arg21[%swap3A_352, %swap3A_353] {strides = array<i32>} : memref<128x32xf32, #tpu.memory_space<vmem>>, vector<16xf32>,
        tpu.vector_store %arg21[%swap3A_352, %swap3A_353], %max3A_351 {strides = array<i32>} : memref<128x32xf32, #tpu.memory_space<vmem>>, vector<16xf32>,
        %scan3A_355 = arith.constant 5 : i32
        %scan3A_356 = arith.addi %scan3A_239, %scan3A_355 : i32
        %mul3A_357 = arith.constant 1 : i32
        %mul3A_358 = arith.muli %scan3A_356, %mul3A_357 : i32
        %add3A_359 = arith.constant 0 : i32
        %add3A_360 = arith.addi %add3A_359, %mul3A_358 : i32
        %get3A_361 = arith.index_cast %add3A_360 : i32 to index
        %get3A_362 = arith.constant 0 : index
        %get3A_363 = tpu.vector_load %arg15[%get3A_361, %get3A_362] {strides = array<i32>} : memref<128x32xf32, #tpu.memory_space<vmem>>, vector<16xf32>,
        %max3A_364 = arith.constant 0.000000e+00 : f32
        %max3A_365 = vector.broadcast %max3A_364 : f32 to vector<16xf32>
        %max3A_366 = arith.maximumf %get3A_363, %max3A_365 : vector<16xf32>
        %swap3A_367 = arith.index_cast %add3A_360 : i32 to index
        %swap3A_368 = arith.constant 0 : index
        %swap3A_369 = tpu.vector_load %arg21[%swap3A_367, %swap3A_368] {strides = array<i32>} : memref<128x32xf32, #tpu.memory_space<vmem>>, vector<16xf32>,
        tpu.vector_store %arg21[%swap3A_367, %swap3A_368], %max3A_366 {strides = array<i32>} : memref<128x32xf32, #tpu.memory_space<vmem>>, vector<16xf32>,
        %get3A_370 = arith.index_cast %add3A_360 : i32 to index
        %get3A_371 = arith.constant 16 : index
        %get3A_372 = tpu.vector_load %arg15[%get3A_370, %get3A_371] {strides = array<i32>} : memref<128x32xf32, #tpu.memory_space<vmem>>, vector<16xf32>,
        %max3A_373 = arith.constant 0.000000e+00 : f32
        %max3A_374 = vector.broadcast %max3A_373 : f32 to vector<16xf32>
        %max3A_375 = arith.maximumf %get3A_372, %max3A_374 : vector<16xf32>
        %swap3A_376 = arith.index_cast %add3A_360 : i32 to index
        %swap3A_377 = arith.constant 16 : index
        %swap3A_378 = tpu.vector_load %arg21[%swap3A_376, %swap3A_377] {strides = array<i32>} : memref<128x32xf32, #tpu.memory_space<vmem>>, vector<16xf32>,
        tpu.vector_store %arg21[%swap3A_376, %swap3A_377], %max3A_375 {strides = array<i32>} : memref<128x32xf32, #tpu.memory_space<vmem>>, vector<16xf32>,
        %scan3A_379 = arith.constant 6 : i32
        %scan3A_380 = arith.addi %scan3A_239, %scan3A_379 : i32
        %mul3A_381 = arith.constant 1 : i32
        %mul3A_382 = arith.muli %scan3A_380, %mul3A_381 : i32
        %add3A_383 = arith.constant 0 : i32
        %add3A_384 = arith.addi %add3A_383, %mul3A_382 : i32
        %get3A_385 = arith.index_cast %add3A_384 : i32 to index
        %get3A_386 = arith.constant 0 : index
        %get3A_387 = tpu.vector_load %arg15[%get3A_385, %get3A_386] {strides = array<i32>} : memref<128x32xf32, #tpu.memory_space<vmem>>, vector<16xf32>,
        %max3A_388 = arith.constant 0.000000e+00 : f32
        %max3A_389 = vector.broadcast %max3A_388 : f32 to vector<16xf32>
        %max3A_390 = arith.maximumf %get3A_387, %max3A_389 : vector<16xf32>
        %swap3A_391 = arith.index_cast %add3A_384 : i32 to index
        %swap3A_392 = arith.constant 0 : index
        %swap3A_393 = tpu.vector_load %arg21[%swap3A_391, %swap3A_392] {strides = array<i32>} : memref<128x32xf32, #tpu.memory_space<vmem>>, vector<16xf32>,
        tpu.vector_store %arg21[%swap3A_391, %swap3A_392], %max3A_390 {strides = array<i32>} : memref<128x32xf32, #tpu.memory_space<vmem>>, vector<16xf32>,
        %get3A_394 = arith.index_cast %add3A_384 : i32 to index
        %get3A_395 = arith.constant 16 : index
        %get3A_396 = tpu.vector_load %arg15[%get3A_394, %get3A_395] {strides = array<i32>} : memref<128x32xf32, #tpu.memory_space<vmem>>, vector<16xf32>,
        %max3A_397 = arith.constant 0.000000e+00 : f32
        %max3A_398 = vector.broadcast %max3A_397 : f32 to vector<16xf32>
        %max3A_399 = arith.maximumf %get3A_396, %max3A_398 : vector<16xf32>
        %swap3A_400 = arith.index_cast %add3A_384 : i32 to index
        %swap3A_401 = arith.constant 16 : index
        %swap3A_402 = tpu.vector_load %arg21[%swap3A_400, %swap3A_401] {strides = array<i32>} : memref<128x32xf32, #tpu.memory_space<vmem>>, vector<16xf32>,
        tpu.vector_store %arg21[%swap3A_400, %swap3A_401], %max3A_399 {strides = array<i32>} : memref<128x32xf32, #tpu.memory_space<vmem>>, vector<16xf32>,
        %scan3A_403 = arith.constant 7 : i32
        %scan3A_404 = arith.addi %scan3A_239, %scan3A_403 : i32
        %mul3A_405 = arith.constant 1 : i32
        %mul3A_406 = arith.muli %scan3A_404, %mul3A_405 : i32
        %add3A_407 = arith.constant 0 : i32
        %add3A_408 = arith.addi %add3A_407, %mul3A_406 : i32
        %get3A_409 = arith.index_cast %add3A_408 : i32 to index
        %get3A_410 = arith.constant 0 : index
        %get3A_411 = tpu.vector_load %arg15[%get3A_409, %get3A_410] {strides = array<i32>} : memref<128x32xf32, #tpu.memory_space<vmem>>, vector<16xf32>,
        %max3A_412 = arith.constant 0.000000e+00 : f32
        %max3A_413 = vector.broadcast %max3A_412 : f32 to vector<16xf32>
        %max3A_414 = arith.maximumf %get3A_411, %max3A_413 : vector<16xf32>
        %swap3A_415 = arith.index_cast %add3A_408 : i32 to index
        %swap3A_416 = arith.constant 0 : index
        %swap3A_417 = tpu.vector_load %arg21[%swap3A_415, %swap3A_416] {strides = array<i32>} : memref<128x32xf32, #tpu.memory_space<vmem>>, vector<16xf32>,
        tpu.vector_store %arg21[%swap3A_415, %swap3A_416], %max3A_414 {strides = array<i32>} : memref<128x32xf32, #tpu.memory_space<vmem>>, vector<16xf32>,
        %get3A_418 = arith.index_cast %add3A_408 : i32 to index
        %get3A_419 = arith.constant 16 : index
        %get3A_420 = tpu.vector_load %arg15[%get3A_418, %get3A_419] {strides = array<i32>} : memref<128x32xf32, #tpu.memory_space<vmem>>, vector<16xf32>,
        %max3A_421 = arith.constant 0.000000e+00 : f32
        %max3A_422 = vector.broadcast %max3A_421 : f32 to vector<16xf32>
        %max3A_423 = arith.maximumf %get3A_420, %max3A_422 : vector<16xf32>
        %swap3A_424 = arith.index_cast %add3A_408 : i32 to index
        %swap3A_425 = arith.constant 16 : index
        %swap3A_426 = tpu.vector_load %arg21[%swap3A_424, %swap3A_425] {strides = array<i32>} : memref<128x32xf32, #tpu.memory_space<vmem>>, vector<16xf32>,
        tpu.vector_store %arg21[%swap3A_424, %swap3A_425], %max3A_423 {strides = array<i32>} : memref<128x32xf32, #tpu.memory_space<vmem>>, vector<16xf32>,
      }
      %scan3A_235 = arith.constant 128 : i32
      %dma_start3A_236 = arith.constant 0 : i32
      %dma_start3A_237 = arith.constant 0 : i32
      %dma_start3A_238 = tpu.memref_slice %arg22[%dma_start3A_236, %dma_start3A_237] : memref<10240x32xf32, #tpu.memory_space<vmem_shared>> -> memref<10240x32xf32, #tpu.memory_space<vmem_shared>>
      tpu.enqueue_indirect_dma source(%arg21 : memref<128x32xf32, #tpu.memory_space<vmem>>) target(%dma_start3A_238 : memref<10240x32xf32, #tpu.memory_space<vmem_shared>>) offsets(%arg12 : memref<128xi32, #tpu.memory_space<vmem>>) semaphore(%arg31 : memref<!tpu.dma_semaphore, #tpu.memory_space<semaphore_mem>>) {add = true}
    }
    %scan3A_137 = arith.constant 26 : i32
    %dma_wait3A_138 = arith.constant 0 : i32
    %dma_wait3A_139 = arith.constant 0 : i32
    %dma_wait3A_140 = tpu.memref_slice %arg22[%dma_wait3A_138, %dma_wait3A_139] : memref<10240x32xf32, #tpu.memory_space<vmem_shared>> -> memref<10240x32xf32, #tpu.memory_space<vmem_shared>>
    tpu.wait_indirect_dma semaphore(%arg29 : memref<!tpu.dma_semaphore, #tpu.memory_space<semaphore_mem>>) src(%arg19 : memref<128x32xf32, #tpu.memory_space<vmem>>) dst(%dma_wait3A_140 : memref<10240x32xf32, #tpu.memory_space<vmem_shared>>)
    %dma_wait3A_141 = arith.constant 0 : i32
    %dma_wait3A_142 = arith.constant 0 : i32
    %dma_wait3A_143 = tpu.memref_slice %arg22[%dma_wait3A_141, %dma_wait3A_142] : memref<10240x32xf32, #tpu.memory_space<vmem_shared>> -> memref<10240x32xf32, #tpu.memory_space<vmem_shared>>
    tpu.wait_indirect_dma semaphore(%arg30 : memref<!tpu.dma_semaphore, #tpu.memory_space<semaphore_mem>>) src(%arg20 : memref<128x32xf32, #tpu.memory_space<vmem>>) dst(%dma_wait3A_143 : memref<10240x32xf32, #tpu.memory_space<vmem_shared>>)
    %dma_wait3A_144 = arith.constant 0 : i32
    %dma_wait3A_145 = arith.constant 0 : i32
    %dma_wait3A_146 = tpu.memref_slice %arg22[%dma_wait3A_144, %dma_wait3A_145] : memref<10240x32xf32, #tpu.memory_space<vmem_shared>> -> memref<10240x32xf32, #tpu.memory_space<vmem_shared>>
    tpu.wait_indirect_dma semaphore(%arg31 : memref<!tpu.dma_semaphore, #tpu.memory_space<semaphore_mem>>) src(%arg21 : memref<128x32xf32, #tpu.memory_space<vmem>>) dst(%dma_wait3A_146 : memref<10240x32xf32, #tpu.memory_space<vmem_shared>>)
    %add3A_147 = arith.constant 2496 : i32
    %add3A_148 = arith.addi %add3A, %add3A_147 : i32
    %lt3A_149 = arith.constant 2500 : i32
    %lt3A_150 = arith.cmpi slt, %add3A_148, %lt3A_149 : i32
    %convert_element_type3A = arith.extui %lt3A_150 : i1 to i32
    %cond3A = arith.constant 0 : i32
    %cond3A_151 = arith.cmpi ne, %convert_element_type3A, %cond3A : i32
    scf.if %cond3A_151 {
      %add3A_153 = arith.constant 2496 : i32
      %add3A_154 = arith.addi %add3A, %add3A_153 : i32
      %mul3A_155 = arith.constant 128 : i32
      %mul3A_156 = arith.muli %add3A_154, %mul3A_155 : i32
      %jit3A_157 = arith.constant 625 : i32
      %div3A_158 = arith.divsi %add3A_154, %jit3A_157 : i32
      %sign3A_159 = arith.constant 0 : i32
      %sign3A_160 = arith.cmpi sgt, %add3A_154, %sign3A_159 : i32
      %sign3A_161 = arith.extui %sign3A_160 : i1 to i32
      %sign3A_162 = arith.constant 0 : i32
      %sign3A_163 = arith.cmpi slt, %add3A_154, %sign3A_162 : i32
      %sign3A_164 = arith.extui %sign3A_163 : i1 to i32
      %sign3A_165 = arith.subi %sign3A_161, %sign3A_164 : i32
      %sign3A_166 = arith.constant 0 : i32
      %sign3A_167 = arith.cmpi sgt, %jit3A_157, %sign3A_166 : i32
      %sign3A_168 = arith.extui %sign3A_167 : i1 to i32
      %sign3A_169 = arith.constant 0 : i32
      %sign3A_170 = arith.cmpi slt, %jit3A_157, %sign3A_169 : i32
      %sign3A_171 = arith.extui %sign3A_170 : i1 to i32
      %sign3A_172 = arith.subi %sign3A_168, %sign3A_171 : i32
      %ne3A_173 = arith.cmpi ne, %sign3A_165, %sign3A_172 : i32
      %rem3A_174 = arith.remsi %add3A_154, %jit3A_157 : i32
      %ne3A_175 = arith.constant 0 : i32
      %ne3A_176 = arith.cmpi ne, %rem3A_174, %ne3A_175 : i32
      %and3A_177 = arith.andi %ne3A_173, %ne3A_176 : i1
      %sub3A_178 = arith.constant 1 : i32
      %sub3A_179 = arith.subi %div3A_158, %sub3A_178 : i32
      %select_n3A_180 = arith.select %and3A_177, %sub3A_179, %div3A_158 : i32
      %jit3A_181 = arith.constant 625 : i32
      %eq3A_182 = arith.constant 0 : i32
      %eq3A_183 = arith.cmpi eq, %jit3A_181, %eq3A_182 : i32
      %jit3A_184 = arith.constant 1 : i32
      %select_n3A_185 = arith.select %eq3A_183, %jit3A_184, %jit3A_181 : i32
      %rem3A_186 = arith.remsi %add3A_154, %select_n3A_185 : i32
      %ne3A_187 = arith.constant 0 : i32
      %ne3A_188 = arith.cmpi ne, %rem3A_186, %ne3A_187 : i32
      %lt3A_189 = arith.constant 0 : i32
      %lt3A_190 = arith.cmpi slt, %rem3A_186, %lt3A_189 : i32
      %lt3A_191 = arith.constant 0 : i32
      %lt3A_192 = arith.cmpi slt, %select_n3A_185, %lt3A_191 : i32
      %ne3A_193 = arith.xori %lt3A_190, %lt3A_192 : i1
      %and3A_194 = arith.andi %ne3A_193, %ne3A_188 : i1
      %add3A_195 = arith.addi %rem3A_186, %select_n3A_185 : i32
      %select_n3A_196 = arith.select %and3A_194, %add3A_195, %rem3A_186 : i32
      %mul3A_197 = arith.constant 128 : i32
      %mul3A_198 = arith.muli %select_n3A_196, %mul3A_197 : i32
      %run_scoped3A = arith.constant 0 : i32
      "tpu.region"() ({
        %run_scoped3A_213 = tpu.sem_alloc : memref<!tpu.dma_semaphore, #tpu.memory_space<semaphore_mem>>
        %dma_start3A_214 = tpu.memref_slice %arg4[%run_scoped3A, %mul3A_156] : memref<2x320000xi32, #tpu.memory_space<hbm>> -> memref<1x128xi32, #tpu.memory_space<hbm>>
        %dma_start3A_215 = tpu.memref_squeeze %dma_start3A_214 : memref<1x128xi32, #tpu.memory_space<hbm>> -> memref<128xi32, #tpu.memory_space<hbm>>
        %dma_start3A_216 = tpu.memref_slice %arg4[%run_scoped3A, %mul3A_156] : memref<2x320000xi32, #tpu.memory_space<hbm>> -> memref<1x128xi32, #tpu.memory_space<hbm>>
        %dma_start3A_217 = tpu.memref_squeeze %dma_start3A_216 : memref<1x128xi32, #tpu.memory_space<hbm>> -> memref<128xi32, #tpu.memory_space<hbm>>
        tpu.enqueue_dma source(%dma_start3A_217 : memref<128xi32, #tpu.memory_space<hbm>>) target(%arg7 : memref<128xi32, #tpu.memory_space<vmem>>) target_semaphore(%run_scoped3A_213 : memref<!tpu.dma_semaphore, #tpu.memory_space<semaphore_mem>>)
        %dma_wait3A_218 = tpu.memref_slice %arg4[%run_scoped3A, %mul3A_156] : memref<2x320000xi32, #tpu.memory_space<hbm>> -> memref<1x128xi32, #tpu.memory_space<hbm>>
        %dma_wait3A_219 = tpu.memref_squeeze %dma_wait3A_218 : memref<1x128xi32, #tpu.memory_space<hbm>> -> memref<128xi32, #tpu.memory_space<hbm>>
        %dma_wait3A_220 = tpu.memref_slice %arg4[%run_scoped3A, %mul3A_156] : memref<2x320000xi32, #tpu.memory_space<hbm>> -> memref<1x128xi32, #tpu.memory_space<hbm>>
        %dma_wait3A_221 = tpu.memref_squeeze %dma_wait3A_220 : memref<1x128xi32, #tpu.memory_space<hbm>> -> memref<128xi32, #tpu.memory_space<hbm>>
        tpu.wait_dma2 semaphore(%run_scoped3A_213 : memref<!tpu.dma_semaphore, #tpu.memory_space<semaphore_mem>>) src(%dma_wait3A_221 : memref<128xi32, #tpu.memory_space<hbm>>) dst(%arg7 : memref<128xi32, #tpu.memory_space<vmem>>)
        tpu.yield
      }) : () -> ()
      %run_scoped3A_199 = arith.constant 1 : i32
      "tpu.region"() ({
        %run_scoped3A_213 = tpu.sem_alloc : memref<!tpu.dma_semaphore, #tpu.memory_space<semaphore_mem>>
        %dma_start3A_214 = tpu.memref_slice %arg4[%run_scoped3A_199, %mul3A_156] : memref<2x320000xi32, #tpu.memory_space<hbm>> -> memref<1x128xi32, #tpu.memory_space<hbm>>
        %dma_start3A_215 = tpu.memref_squeeze %dma_start3A_214 : memref<1x128xi32, #tpu.memory_space<hbm>> -> memref<128xi32, #tpu.memory_space<hbm>>
        %dma_start3A_216 = tpu.memref_slice %arg4[%run_scoped3A_199, %mul3A_156] : memref<2x320000xi32, #tpu.memory_space<hbm>> -> memref<1x128xi32, #tpu.memory_space<hbm>>
        %dma_start3A_217 = tpu.memref_squeeze %dma_start3A_216 : memref<1x128xi32, #tpu.memory_space<hbm>> -> memref<128xi32, #tpu.memory_space<hbm>>
        tpu.enqueue_dma source(%dma_start3A_217 : memref<128xi32, #tpu.memory_space<hbm>>) target(%arg10 : memref<128xi32, #tpu.memory_space<vmem>>) target_semaphore(%run_scoped3A_213 : memref<!tpu.dma_semaphore, #tpu.memory_space<semaphore_mem>>)
        %dma_wait3A_218 = tpu.memref_slice %arg4[%run_scoped3A_199, %mul3A_156] : memref<2x320000xi32, #tpu.memory_space<hbm>> -> memref<1x128xi32, #tpu.memory_space<hbm>>
        %dma_wait3A_219 = tpu.memref_squeeze %dma_wait3A_218 : memref<1x128xi32, #tpu.memory_space<hbm>> -> memref<128xi32, #tpu.memory_space<hbm>>
        %dma_wait3A_220 = tpu.memref_slice %arg4[%run_scoped3A_199, %mul3A_156] : memref<2x320000xi32, #tpu.memory_space<hbm>> -> memref<1x128xi32, #tpu.memory_space<hbm>>
        %dma_wait3A_221 = tpu.memref_squeeze %dma_wait3A_220 : memref<1x128xi32, #tpu.memory_space<hbm>> -> memref<128xi32, #tpu.memory_space<hbm>>
        tpu.wait_dma2 semaphore(%run_scoped3A_213 : memref<!tpu.dma_semaphore, #tpu.memory_space<semaphore_mem>>) src(%dma_wait3A_221 : memref<128xi32, #tpu.memory_space<hbm>>) dst(%arg10 : memref<128xi32, #tpu.memory_space<vmem>>)
        tpu.yield
      }) : () -> ()
      %mul3A_200 = arith.constant 32 : i32
      %mul3A_201 = arith.muli %mul3A_200, %select_n3A_180 : i32
      "tpu.region"() ({
        %run_scoped3A_213 = tpu.sem_alloc : memref<!tpu.dma_semaphore, #tpu.memory_space<semaphore_mem>>
        %dma_start3A_214 = tpu.memref_slice %arg3[%mul3A_198, %mul3A_201] : memref<80000x128xf32, #tpu.memory_space<hbm>> -> memref<128x32xf32, #tpu.memory_space<hbm>>
        %dma_start3A_215 = tpu.memref_slice %arg3[%mul3A_198, %mul3A_201] : memref<80000x128xf32, #tpu.memory_space<hbm>> -> memref<128x32xf32, #tpu.memory_space<hbm>>
        tpu.enqueue_dma source(%dma_start3A_215 : memref<128x32xf32, #tpu.memory_space<hbm>>) target(%arg13 : memref<128x32xf32, #tpu.memory_space<vmem>>) target_semaphore(%run_scoped3A_213 : memref<!tpu.dma_semaphore, #tpu.memory_space<semaphore_mem>>)
        %dma_wait3A_216 = tpu.memref_slice %arg3[%mul3A_198, %mul3A_201] : memref<80000x128xf32, #tpu.memory_space<hbm>> -> memref<128x32xf32, #tpu.memory_space<hbm>>
        %dma_wait3A_217 = tpu.memref_slice %arg3[%mul3A_198, %mul3A_201] : memref<80000x128xf32, #tpu.memory_space<hbm>> -> memref<128x32xf32, #tpu.memory_space<hbm>>
        tpu.wait_dma2 semaphore(%run_scoped3A_213 : memref<!tpu.dma_semaphore, #tpu.memory_space<semaphore_mem>>) src(%dma_wait3A_217 : memref<128x32xf32, #tpu.memory_space<hbm>>) dst(%arg13 : memref<128x32xf32, #tpu.memory_space<vmem>>)
        tpu.yield
      }) : () -> ()
      %dma_start3A_202 = arith.constant 0 : i32
      %dma_start3A_203 = arith.constant 0 : i32
      %dma_start3A_204 = tpu.memref_slice %arg2[%dma_start3A_202, %dma_start3A_203] : memref<10000x32xf32, #tpu.memory_space<hbm>> -> memref<10000x32xf32, #tpu.memory_space<hbm>>
      tpu.enqueue_indirect_dma source(%dma_start3A_204 : memref<10000x32xf32, #tpu.memory_space<hbm>>) target(%arg13 : memref<128x32xf32, #tpu.memory_space<vmem>>) offsets(%arg7 : memref<128xi32, #tpu.memory_space<vmem>>) semaphore(%arg26 : memref<!tpu.dma_semaphore, #tpu.memory_space<semaphore_mem>>) {add = true}
      %dma_wait3A_205 = arith.constant 0 : i32
      %dma_wait3A_206 = arith.constant 0 : i32
      %dma_wait3A_207 = tpu.memref_slice %arg2[%dma_wait3A_205, %dma_wait3A_206] : memref<10000x32xf32, #tpu.memory_space<hbm>> -> memref<10000x32xf32, #tpu.memory_space<hbm>>
      tpu.wait_indirect_dma semaphore(%arg26 : memref<!tpu.dma_semaphore, #tpu.memory_space<semaphore_mem>>) src(%dma_wait3A_207 : memref<10000x32xf32, #tpu.memory_space<hbm>>) dst(%arg13 : memref<128x32xf32, #tpu.memory_space<vmem>>)
      %scan3A_208 = arith.constant 0 : i32
      %scan3A_209 = arith.constant 128 : i32
      %scan3A_210 = arith.addi %scan3A_208, %scan3A_209 : i32
      %scan3A_211 = arith.constant 8 : i32
      scf.for %scan3A_213 = %scan3A_208 to %scan3A_210 step %scan3A_211  : i32 {
        %mul3A_214 = arith.constant 1 : i32
        %mul3A_215 = arith.muli %scan3A_213, %mul3A_214 : i32
        %add3A_216 = arith.constant 0 : i32
        %add3A_217 = arith.addi %add3A_216, %mul3A_215 : i32
        %get3A = arith.index_cast %add3A_217 : i32 to index
        %get3A_218 = arith.constant 0 : index
        %get3A_219 = tpu.vector_load %arg13[%get3A, %get3A_218] {strides = array<i32>} : memref<128x32xf32, #tpu.memory_space<vmem>>, vector<16xf32>,
        %max3A = arith.constant 0.000000e+00 : f32
        %max3A_220 = vector.broadcast %max3A : f32 to vector<16xf32>
        %max3A_221 = arith.maximumf %get3A_219, %max3A_220 : vector<16xf32>
        %swap3A = arith.index_cast %add3A_217 : i32 to index
        %swap3A_222 = arith.constant 0 : index
        %swap3A_223 = tpu.vector_load %arg19[%swap3A, %swap3A_222] {strides = array<i32>} : memref<128x32xf32, #tpu.memory_space<vmem>>, vector<16xf32>,
        tpu.vector_store %arg19[%swap3A, %swap3A_222], %max3A_221 {strides = array<i32>} : memref<128x32xf32, #tpu.memory_space<vmem>>, vector<16xf32>,
        %get3A_224 = arith.index_cast %add3A_217 : i32 to index
        %get3A_225 = arith.constant 16 : index
        %get3A_226 = tpu.vector_load %arg13[%get3A_224, %get3A_225] {strides = array<i32>} : memref<128x32xf32, #tpu.memory_space<vmem>>, vector<16xf32>,
        %max3A_227 = arith.constant 0.000000e+00 : f32
        %max3A_228 = vector.broadcast %max3A_227 : f32 to vector<16xf32>
        %max3A_229 = arith.maximumf %get3A_226, %max3A_228 : vector<16xf32>
        %swap3A_230 = arith.index_cast %add3A_217 : i32 to index
        %swap3A_231 = arith.constant 16 : index
        %swap3A_232 = tpu.vector_load %arg19[%swap3A_230, %swap3A_231] {strides = array<i32>} : memref<128x32xf32, #tpu.memory_space<vmem>>, vector<16xf32>,
        tpu.vector_store %arg19[%swap3A_230, %swap3A_231], %max3A_229 {strides = array<i32>} : memref<128x32xf32, #tpu.memory_space<vmem>>, vector<16xf32>,
        %scan3A_233 = arith.constant 1 : i32
        %scan3A_234 = arith.addi %scan3A_213, %scan3A_233 : i32
        %mul3A_235 = arith.constant 1 : i32
        %mul3A_236 = arith.muli %scan3A_234, %mul3A_235 : i32
        %add3A_237 = arith.constant 0 : i32
        %add3A_238 = arith.addi %add3A_237, %mul3A_236 : i32
        %get3A_239 = arith.index_cast %add3A_238 : i32 to index
        %get3A_240 = arith.constant 0 : index
        %get3A_241 = tpu.vector_load %arg13[%get3A_239, %get3A_240] {strides = array<i32>} : memref<128x32xf32, #tpu.memory_space<vmem>>, vector<16xf32>,
        %max3A_242 = arith.constant 0.000000e+00 : f32
        %max3A_243 = vector.broadcast %max3A_242 : f32 to vector<16xf32>
        %max3A_244 = arith.maximumf %get3A_241, %max3A_243 : vector<16xf32>
        %swap3A_245 = arith.index_cast %add3A_238 : i32 to index
        %swap3A_246 = arith.constant 0 : index
        %swap3A_247 = tpu.vector_load %arg19[%swap3A_245, %swap3A_246] {strides = array<i32>} : memref<128x32xf32, #tpu.memory_space<vmem>>, vector<16xf32>,
        tpu.vector_store %arg19[%swap3A_245, %swap3A_246], %max3A_244 {strides = array<i32>} : memref<128x32xf32, #tpu.memory_space<vmem>>, vector<16xf32>,
        %get3A_248 = arith.index_cast %add3A_238 : i32 to index
        %get3A_249 = arith.constant 16 : index
        %get3A_250 = tpu.vector_load %arg13[%get3A_248, %get3A_249] {strides = array<i32>} : memref<128x32xf32, #tpu.memory_space<vmem>>, vector<16xf32>,
        %max3A_251 = arith.constant 0.000000e+00 : f32
        %max3A_252 = vector.broadcast %max3A_251 : f32 to vector<16xf32>
        %max3A_253 = arith.maximumf %get3A_250, %max3A_252 : vector<16xf32>
        %swap3A_254 = arith.index_cast %add3A_238 : i32 to index
        %swap3A_255 = arith.constant 16 : index
        %swap3A_256 = tpu.vector_load %arg19[%swap3A_254, %swap3A_255] {strides = array<i32>} : memref<128x32xf32, #tpu.memory_space<vmem>>, vector<16xf32>,
        tpu.vector_store %arg19[%swap3A_254, %swap3A_255], %max3A_253 {strides = array<i32>} : memref<128x32xf32, #tpu.memory_space<vmem>>, vector<16xf32>,
        %scan3A_257 = arith.constant 2 : i32
        %scan3A_258 = arith.addi %scan3A_213, %scan3A_257 : i32
        %mul3A_259 = arith.constant 1 : i32
        %mul3A_260 = arith.muli %scan3A_258, %mul3A_259 : i32
        %add3A_261 = arith.constant 0 : i32
        %add3A_262 = arith.addi %add3A_261, %mul3A_260 : i32
        %get3A_263 = arith.index_cast %add3A_262 : i32 to index
        %get3A_264 = arith.constant 0 : index
        %get3A_265 = tpu.vector_load %arg13[%get3A_263, %get3A_264] {strides = array<i32>} : memref<128x32xf32, #tpu.memory_space<vmem>>, vector<16xf32>,
        %max3A_266 = arith.constant 0.000000e+00 : f32
        %max3A_267 = vector.broadcast %max3A_266 : f32 to vector<16xf32>
        %max3A_268 = arith.maximumf %get3A_265, %max3A_267 : vector<16xf32>
        %swap3A_269 = arith.index_cast %add3A_262 : i32 to index
        %swap3A_270 = arith.constant 0 : index
        %swap3A_271 = tpu.vector_load %arg19[%swap3A_269, %swap3A_270] {strides = array<i32>} : memref<128x32xf32, #tpu.memory_space<vmem>>, vector<16xf32>,
        tpu.vector_store %arg19[%swap3A_269, %swap3A_270], %max3A_268 {strides = array<i32>} : memref<128x32xf32, #tpu.memory_space<vmem>>, vector<16xf32>,
        %get3A_272 = arith.index_cast %add3A_262 : i32 to index
        %get3A_273 = arith.constant 16 : index
        %get3A_274 = tpu.vector_load %arg13[%get3A_272, %get3A_273] {strides = array<i32>} : memref<128x32xf32, #tpu.memory_space<vmem>>, vector<16xf32>,
        %max3A_275 = arith.constant 0.000000e+00 : f32
        %max3A_276 = vector.broadcast %max3A_275 : f32 to vector<16xf32>
        %max3A_277 = arith.maximumf %get3A_274, %max3A_276 : vector<16xf32>
        %swap3A_278 = arith.index_cast %add3A_262 : i32 to index
        %swap3A_279 = arith.constant 16 : index
        %swap3A_280 = tpu.vector_load %arg19[%swap3A_278, %swap3A_279] {strides = array<i32>} : memref<128x32xf32, #tpu.memory_space<vmem>>, vector<16xf32>,
        tpu.vector_store %arg19[%swap3A_278, %swap3A_279], %max3A_277 {strides = array<i32>} : memref<128x32xf32, #tpu.memory_space<vmem>>, vector<16xf32>,
        %scan3A_281 = arith.constant 3 : i32
        %scan3A_282 = arith.addi %scan3A_213, %scan3A_281 : i32
        %mul3A_283 = arith.constant 1 : i32
        %mul3A_284 = arith.muli %scan3A_282, %mul3A_283 : i32
        %add3A_285 = arith.constant 0 : i32
        %add3A_286 = arith.addi %add3A_285, %mul3A_284 : i32
        %get3A_287 = arith.index_cast %add3A_286 : i32 to index
        %get3A_288 = arith.constant 0 : index
        %get3A_289 = tpu.vector_load %arg13[%get3A_287, %get3A_288] {strides = array<i32>} : memref<128x32xf32, #tpu.memory_space<vmem>>, vector<16xf32>,
        %max3A_290 = arith.constant 0.000000e+00 : f32
        %max3A_291 = vector.broadcast %max3A_290 : f32 to vector<16xf32>
        %max3A_292 = arith.maximumf %get3A_289, %max3A_291 : vector<16xf32>
        %swap3A_293 = arith.index_cast %add3A_286 : i32 to index
        %swap3A_294 = arith.constant 0 : index
        %swap3A_295 = tpu.vector_load %arg19[%swap3A_293, %swap3A_294] {strides = array<i32>} : memref<128x32xf32, #tpu.memory_space<vmem>>, vector<16xf32>,
        tpu.vector_store %arg19[%swap3A_293, %swap3A_294], %max3A_292 {strides = array<i32>} : memref<128x32xf32, #tpu.memory_space<vmem>>, vector<16xf32>,
        %get3A_296 = arith.index_cast %add3A_286 : i32 to index
        %get3A_297 = arith.constant 16 : index
        %get3A_298 = tpu.vector_load %arg13[%get3A_296, %get3A_297] {strides = array<i32>} : memref<128x32xf32, #tpu.memory_space<vmem>>, vector<16xf32>,
        %max3A_299 = arith.constant 0.000000e+00 : f32
        %max3A_300 = vector.broadcast %max3A_299 : f32 to vector<16xf32>
        %max3A_301 = arith.maximumf %get3A_298, %max3A_300 : vector<16xf32>
        %swap3A_302 = arith.index_cast %add3A_286 : i32 to index
        %swap3A_303 = arith.constant 16 : index
        %swap3A_304 = tpu.vector_load %arg19[%swap3A_302, %swap3A_303] {strides = array<i32>} : memref<128x32xf32, #tpu.memory_space<vmem>>, vector<16xf32>,
        tpu.vector_store %arg19[%swap3A_302, %swap3A_303], %max3A_301 {strides = array<i32>} : memref<128x32xf32, #tpu.memory_space<vmem>>, vector<16xf32>,
        %scan3A_305 = arith.constant 4 : i32
        %scan3A_306 = arith.addi %scan3A_213, %scan3A_305 : i32
        %mul3A_307 = arith.constant 1 : i32
        %mul3A_308 = arith.muli %scan3A_306, %mul3A_307 : i32
        %add3A_309 = arith.constant 0 : i32
        %add3A_310 = arith.addi %add3A_309, %mul3A_308 : i32
        %get3A_311 = arith.index_cast %add3A_310 : i32 to index
        %get3A_312 = arith.constant 0 : index
        %get3A_313 = tpu.vector_load %arg13[%get3A_311, %get3A_312] {strides = array<i32>} : memref<128x32xf32, #tpu.memory_space<vmem>>, vector<16xf32>,
        %max3A_314 = arith.constant 0.000000e+00 : f32
        %max3A_315 = vector.broadcast %max3A_314 : f32 to vector<16xf32>
        %max3A_316 = arith.maximumf %get3A_313, %max3A_315 : vector<16xf32>
        %swap3A_317 = arith.index_cast %add3A_310 : i32 to index
        %swap3A_318 = arith.constant 0 : index
        %swap3A_319 = tpu.vector_load %arg19[%swap3A_317, %swap3A_318] {strides = array<i32>} : memref<128x32xf32, #tpu.memory_space<vmem>>, vector<16xf32>,
        tpu.vector_store %arg19[%swap3A_317, %swap3A_318], %max3A_316 {strides = array<i32>} : memref<128x32xf32, #tpu.memory_space<vmem>>, vector<16xf32>,
        %get3A_320 = arith.index_cast %add3A_310 : i32 to index
        %get3A_321 = arith.constant 16 : index
        %get3A_322 = tpu.vector_load %arg13[%get3A_320, %get3A_321] {strides = array<i32>} : memref<128x32xf32, #tpu.memory_space<vmem>>, vector<16xf32>,
        %max3A_323 = arith.constant 0.000000e+00 : f32
        %max3A_324 = vector.broadcast %max3A_323 : f32 to vector<16xf32>
        %max3A_325 = arith.maximumf %get3A_322, %max3A_324 : vector<16xf32>
        %swap3A_326 = arith.index_cast %add3A_310 : i32 to index
        %swap3A_327 = arith.constant 16 : index
        %swap3A_328 = tpu.vector_load %arg19[%swap3A_326, %swap3A_327] {strides = array<i32>} : memref<128x32xf32, #tpu.memory_space<vmem>>, vector<16xf32>,
        tpu.vector_store %arg19[%swap3A_326, %swap3A_327], %max3A_325 {strides = array<i32>} : memref<128x32xf32, #tpu.memory_space<vmem>>, vector<16xf32>,
        %scan3A_329 = arith.constant 5 : i32
        %scan3A_330 = arith.addi %scan3A_213, %scan3A_329 : i32
        %mul3A_331 = arith.constant 1 : i32
        %mul3A_332 = arith.muli %scan3A_330, %mul3A_331 : i32
        %add3A_333 = arith.constant 0 : i32
        %add3A_334 = arith.addi %add3A_333, %mul3A_332 : i32
        %get3A_335 = arith.index_cast %add3A_334 : i32 to index
        %get3A_336 = arith.constant 0 : index
        %get3A_337 = tpu.vector_load %arg13[%get3A_335, %get3A_336] {strides = array<i32>} : memref<128x32xf32, #tpu.memory_space<vmem>>, vector<16xf32>,
        %max3A_338 = arith.constant 0.000000e+00 : f32
        %max3A_339 = vector.broadcast %max3A_338 : f32 to vector<16xf32>
        %max3A_340 = arith.maximumf %get3A_337, %max3A_339 : vector<16xf32>
        %swap3A_341 = arith.index_cast %add3A_334 : i32 to index
        %swap3A_342 = arith.constant 0 : index
        %swap3A_343 = tpu.vector_load %arg19[%swap3A_341, %swap3A_342] {strides = array<i32>} : memref<128x32xf32, #tpu.memory_space<vmem>>, vector<16xf32>,
        tpu.vector_store %arg19[%swap3A_341, %swap3A_342], %max3A_340 {strides = array<i32>} : memref<128x32xf32, #tpu.memory_space<vmem>>, vector<16xf32>,
        %get3A_344 = arith.index_cast %add3A_334 : i32 to index
        %get3A_345 = arith.constant 16 : index
        %get3A_346 = tpu.vector_load %arg13[%get3A_344, %get3A_345] {strides = array<i32>} : memref<128x32xf32, #tpu.memory_space<vmem>>, vector<16xf32>,
        %max3A_347 = arith.constant 0.000000e+00 : f32
        %max3A_348 = vector.broadcast %max3A_347 : f32 to vector<16xf32>
        %max3A_349 = arith.maximumf %get3A_346, %max3A_348 : vector<16xf32>
        %swap3A_350 = arith.index_cast %add3A_334 : i32 to index
        %swap3A_351 = arith.constant 16 : index
        %swap3A_352 = tpu.vector_load %arg19[%swap3A_350, %swap3A_351] {strides = array<i32>} : memref<128x32xf32, #tpu.memory_space<vmem>>, vector<16xf32>,
        tpu.vector_store %arg19[%swap3A_350, %swap3A_351], %max3A_349 {strides = array<i32>} : memref<128x32xf32, #tpu.memory_space<vmem>>, vector<16xf32>,
        %scan3A_353 = arith.constant 6 : i32
        %scan3A_354 = arith.addi %scan3A_213, %scan3A_353 : i32
        %mul3A_355 = arith.constant 1 : i32
        %mul3A_356 = arith.muli %scan3A_354, %mul3A_355 : i32
        %add3A_357 = arith.constant 0 : i32
        %add3A_358 = arith.addi %add3A_357, %mul3A_356 : i32
        %get3A_359 = arith.index_cast %add3A_358 : i32 to index
        %get3A_360 = arith.constant 0 : index
        %get3A_361 = tpu.vector_load %arg13[%get3A_359, %get3A_360] {strides = array<i32>} : memref<128x32xf32, #tpu.memory_space<vmem>>, vector<16xf32>,
        %max3A_362 = arith.constant 0.000000e+00 : f32
        %max3A_363 = vector.broadcast %max3A_362 : f32 to vector<16xf32>
        %max3A_364 = arith.maximumf %get3A_361, %max3A_363 : vector<16xf32>
        %swap3A_365 = arith.index_cast %add3A_358 : i32 to index
        %swap3A_366 = arith.constant 0 : index
        %swap3A_367 = tpu.vector_load %arg19[%swap3A_365, %swap3A_366] {strides = array<i32>} : memref<128x32xf32, #tpu.memory_space<vmem>>, vector<16xf32>,
        tpu.vector_store %arg19[%swap3A_365, %swap3A_366], %max3A_364 {strides = array<i32>} : memref<128x32xf32, #tpu.memory_space<vmem>>, vector<16xf32>,
        %get3A_368 = arith.index_cast %add3A_358 : i32 to index
        %get3A_369 = arith.constant 16 : index
        %get3A_370 = tpu.vector_load %arg13[%get3A_368, %get3A_369] {strides = array<i32>} : memref<128x32xf32, #tpu.memory_space<vmem>>, vector<16xf32>,
        %max3A_371 = arith.constant 0.000000e+00 : f32
        %max3A_372 = vector.broadcast %max3A_371 : f32 to vector<16xf32>
        %max3A_373 = arith.maximumf %get3A_370, %max3A_372 : vector<16xf32>
        %swap3A_374 = arith.index_cast %add3A_358 : i32 to index
        %swap3A_375 = arith.constant 16 : index
        %swap3A_376 = tpu.vector_load %arg19[%swap3A_374, %swap3A_375] {strides = array<i32>} : memref<128x32xf32, #tpu.memory_space<vmem>>, vector<16xf32>,
        tpu.vector_store %arg19[%swap3A_374, %swap3A_375], %max3A_373 {strides = array<i32>} : memref<128x32xf32, #tpu.memory_space<vmem>>, vector<16xf32>,
        %scan3A_377 = arith.constant 7 : i32
        %scan3A_378 = arith.addi %scan3A_213, %scan3A_377 : i32
        %mul3A_379 = arith.constant 1 : i32
        %mul3A_380 = arith.muli %scan3A_378, %mul3A_379 : i32
        %add3A_381 = arith.constant 0 : i32
        %add3A_382 = arith.addi %add3A_381, %mul3A_380 : i32
        %get3A_383 = arith.index_cast %add3A_382 : i32 to index
        %get3A_384 = arith.constant 0 : index
        %get3A_385 = tpu.vector_load %arg13[%get3A_383, %get3A_384] {strides = array<i32>} : memref<128x32xf32, #tpu.memory_space<vmem>>, vector<16xf32>,
        %max3A_386 = arith.constant 0.000000e+00 : f32
        %max3A_387 = vector.broadcast %max3A_386 : f32 to vector<16xf32>
        %max3A_388 = arith.maximumf %get3A_385, %max3A_387 : vector<16xf32>
        %swap3A_389 = arith.index_cast %add3A_382 : i32 to index
        %swap3A_390 = arith.constant 0 : index
        %swap3A_391 = tpu.vector_load %arg19[%swap3A_389, %swap3A_390] {strides = array<i32>} : memref<128x32xf32, #tpu.memory_space<vmem>>, vector<16xf32>,
        tpu.vector_store %arg19[%swap3A_389, %swap3A_390], %max3A_388 {strides = array<i32>} : memref<128x32xf32, #tpu.memory_space<vmem>>, vector<16xf32>,
        %get3A_392 = arith.index_cast %add3A_382 : i32 to index
        %get3A_393 = arith.constant 16 : index
        %get3A_394 = tpu.vector_load %arg13[%get3A_392, %get3A_393] {strides = array<i32>} : memref<128x32xf32, #tpu.memory_space<vmem>>, vector<16xf32>,
        %max3A_395 = arith.constant 0.000000e+00 : f32
        %max3A_396 = vector.broadcast %max3A_395 : f32 to vector<16xf32>
        %max3A_397 = arith.maximumf %get3A_394, %max3A_396 : vector<16xf32>
        %swap3A_398 = arith.index_cast %add3A_382 : i32 to index
        %swap3A_399 = arith.constant 16 : index
        %swap3A_400 = tpu.vector_load %arg19[%swap3A_398, %swap3A_399] {strides = array<i32>} : memref<128x32xf32, #tpu.memory_space<vmem>>, vector<16xf32>,
        tpu.vector_store %arg19[%swap3A_398, %swap3A_399], %max3A_397 {strides = array<i32>} : memref<128x32xf32, #tpu.memory_space<vmem>>, vector<16xf32>,
      }
      %scan3A_212 = arith.constant 128 : i32
      "tpu.region"() ({
        %run_scoped3A_213 = tpu.sem_alloc : memref<!tpu.dma_semaphore, #tpu.memory_space<semaphore_mem>>
        %dma_start3A_214 = arith.constant 0 : i32
        %dma_start3A_215 = arith.constant 0 : i32
        %dma_start3A_216 = tpu.memref_slice %arg22[%dma_start3A_214, %dma_start3A_215] : memref<10240x32xf32, #tpu.memory_space<vmem_shared>> -> memref<10240x32xf32, #tpu.memory_space<vmem_shared>>
        tpu.enqueue_indirect_dma source(%arg19 : memref<128x32xf32, #tpu.memory_space<vmem>>) target(%dma_start3A_216 : memref<10240x32xf32, #tpu.memory_space<vmem_shared>>) offsets(%arg10 : memref<128xi32, #tpu.memory_space<vmem>>) semaphore(%run_scoped3A_213 : memref<!tpu.dma_semaphore, #tpu.memory_space<semaphore_mem>>) {add = true}
        %dma_wait3A_217 = arith.constant 0 : i32
        %dma_wait3A_218 = arith.constant 0 : i32
        %dma_wait3A_219 = tpu.memref_slice %arg22[%dma_wait3A_217, %dma_wait3A_218] : memref<10240x32xf32, #tpu.memory_space<vmem_shared>> -> memref<10240x32xf32, #tpu.memory_space<vmem_shared>>
        tpu.wait_indirect_dma semaphore(%run_scoped3A_213 : memref<!tpu.dma_semaphore, #tpu.memory_space<semaphore_mem>>) src(%arg19 : memref<128x32xf32, #tpu.memory_space<vmem>>) dst(%dma_wait3A_219 : memref<10240x32xf32, #tpu.memory_space<vmem_shared>>)
        tpu.yield
      }) : () -> ()
    } else {
    }
    %barrier3A_152 = arith.constant 0 : index
    tpu.barrier barrier_id(%barrier3A_152)
    "tpu.region"() ({
      %run_scoped3A = tpu.sem_alloc : memref<!tpu.dma_semaphore, #tpu.memory_space<semaphore_mem>>
      %dma_start3A_153 = arith.constant 0 : i32
      %dma_start3A_154 = tpu.memref_slice %arg6[%arg0, %mul3A_2, %dma_start3A_153] : memref<2x10240x32xf32, #tpu.memory_space<hbm>> -> memref<1x640x32xf32, #tpu.memory_space<hbm>>
      %dma_start3A_155 = tpu.memref_squeeze %dma_start3A_154 : memref<1x640x32xf32, #tpu.memory_space<hbm>> -> memref<640x32xf32, #tpu.memory_space<hbm>>
      %dma_start3A_156 = arith.constant 0 : i32
      %dma_start3A_157 = tpu.memref_slice %arg22[%mul3A_2, %dma_start3A_156] : memref<10240x32xf32, #tpu.memory_space<vmem_shared>> -> memref<640x32xf32, #tpu.memory_space<vmem_shared>>
      tpu.enqueue_dma source(%dma_start3A_157 : memref<640x32xf32, #tpu.memory_space<vmem_shared>>) target(%dma_start3A_155 : memref<640x32xf32, #tpu.memory_space<hbm>>) target_semaphore(%run_scoped3A : memref<!tpu.dma_semaphore, #tpu.memory_space<semaphore_mem>>)
      %dma_wait3A_158 = arith.constant 0 : i32
      %dma_wait3A_159 = tpu.memref_slice %arg6[%arg0, %mul3A_2, %dma_wait3A_158] : memref<2x10240x32xf32, #tpu.memory_space<hbm>> -> memref<1x640x32xf32, #tpu.memory_space<hbm>>
      %dma_wait3A_160 = tpu.memref_squeeze %dma_wait3A_159 : memref<1x640x32xf32, #tpu.memory_space<hbm>> -> memref<640x32xf32, #tpu.memory_space<hbm>>
      %dma_wait3A_161 = arith.constant 0 : i32
      %dma_wait3A_162 = tpu.memref_slice %arg22[%mul3A_2, %dma_wait3A_161] : memref<10240x32xf32, #tpu.memory_space<vmem_shared>> -> memref<640x32xf32, #tpu.memory_space<vmem_shared>>
      tpu.wait_dma2 semaphore(%run_scoped3A : memref<!tpu.dma_semaphore, #tpu.memory_space<semaphore_mem>>) src(%dma_wait3A_162 : memref<640x32xf32, #tpu.memory_space<vmem_shared>>) dst(%dma_wait3A_160 : memref<640x32xf32, #tpu.memory_space<hbm>>)
      tpu.yield
    }) : () -> ()
    return
  }
}

#map = affine_map<(d0, d1) -> (0, 0)>
#map1 = affine_map<(d0, d1) -> (0, 0, 0)>
module attributes {stable_mosaic.version = 14 : i64} {
  func.func @_segsum_msg(%arg0: i32, %arg1: i32, %arg2: memref<80000x128xf32, #tpu.memory_space<hbm>>, %arg3: memref<2x320000xi32, #tpu.memory_space<hbm>>, %arg4: memref<10240x32xf32, #tpu.memory_space<hbm>>, %arg5: memref<2x10240x32xf32, #tpu.memory_space<hbm>>, %arg6: memref<128xi32, #tpu.memory_space<vmem>>, %arg7: memref<128xi32, #tpu.memory_space<vmem>>, %arg8: memref<128xi32, #tpu.memory_space<vmem>>, %arg9: memref<128x32xf32, #tpu.memory_space<vmem>>, %arg10: memref<128x32xf32, #tpu.memory_space<vmem>>, %arg11: memref<128x32xf32, #tpu.memory_space<vmem>>, %arg12: memref<10240x32xf32, #tpu.memory_space<vmem_shared>>, %arg13: memref<!tpu.dma_semaphore, #tpu.memory_space<semaphore_mem>>, %arg14: memref<!tpu.dma_semaphore, #tpu.memory_space<semaphore_mem>>, %arg15: memref<!tpu.dma_semaphore, #tpu.memory_space<semaphore_mem>>, %arg16: memref<!tpu.dma_semaphore, #tpu.memory_space<semaphore_mem>>, %arg17: memref<!tpu.dma_semaphore, #tpu.memory_space<semaphore_mem>>, %arg18: memref<!tpu.dma_semaphore, #tpu.memory_space<semaphore_mem>>) attributes {dimension_semantics = [#tpu.dimension_semantics<core_parallel>, #tpu.dimension_semantics<subcore_parallel>], iteration_bounds = array<i64: 2, 16>, scalar_prefetch = 0 : i64, scratch_operands = 13 : i64, tpu.core_type = #tpu.core_type<sc_vector_subcore>, window_params = [{transform_indices = #map}, {transform_indices = #map}, {transform_indices = #map}, {transform_indices = #map1}]} {
    %mul3A = arith.constant 2 : i32
    %mul3A_0 = arith.muli %arg1, %mul3A : i32
    %add3A = arith.addi %mul3A_0, %arg0 : i32
    %mul3A_1 = arith.constant 640 : i32
    %mul3A_2 = arith.muli %arg1, %mul3A_1 : i32
    "tpu.region"() ({
      %run_scoped3A = tpu.sem_alloc : memref<!tpu.dma_semaphore, #tpu.memory_space<semaphore_mem>>
      %dma_start3A_120 = arith.constant 0 : i32
      %dma_start3A_121 = tpu.memref_slice %arg12[%mul3A_2, %dma_start3A_120] : memref<10240x32xf32, #tpu.memory_space<vmem_shared>> -> memref<640x32xf32, #tpu.memory_space<vmem_shared>>
      %dma_start3A_122 = arith.constant 0 : i32
      %dma_start3A_123 = tpu.memref_slice %arg4[%mul3A_2, %dma_start3A_122] : memref<10240x32xf32, #tpu.memory_space<hbm>> -> memref<640x32xf32, #tpu.memory_space<hbm>>
      tpu.enqueue_dma source(%dma_start3A_123 : memref<640x32xf32, #tpu.memory_space<hbm>>) target(%dma_start3A_121 : memref<640x32xf32, #tpu.memory_space<vmem_shared>>) target_semaphore(%run_scoped3A : memref<!tpu.dma_semaphore, #tpu.memory_space<semaphore_mem>>)
      %dma_wait3A_124 = arith.constant 0 : i32
      %dma_wait3A_125 = tpu.memref_slice %arg12[%mul3A_2, %dma_wait3A_124] : memref<10240x32xf32, #tpu.memory_space<vmem_shared>> -> memref<640x32xf32, #tpu.memory_space<vmem_shared>>
      %dma_wait3A_126 = arith.constant 0 : i32
      %dma_wait3A_127 = tpu.memref_slice %arg4[%mul3A_2, %dma_wait3A_126] : memref<10240x32xf32, #tpu.memory_space<hbm>> -> memref<640x32xf32, #tpu.memory_space<hbm>>
      tpu.wait_dma2 semaphore(%run_scoped3A : memref<!tpu.dma_semaphore, #tpu.memory_space<semaphore_mem>>) src(%dma_wait3A_127 : memref<640x32xf32, #tpu.memory_space<hbm>>) dst(%dma_wait3A_125 : memref<640x32xf32, #tpu.memory_space<vmem_shared>>)
      tpu.yield
    }) : () -> ()
    %barrier3A = arith.constant 0 : index
    tpu.barrier barrier_id(%barrier3A)
    %add3A_3 = arith.constant 0 : i32
    %add3A_4 = arith.addi %add3A, %add3A_3 : i32
    %mul3A_5 = arith.constant 128 : i32
    %mul3A_6 = arith.muli %add3A_4, %mul3A_5 : i32
    %jit3A = arith.constant 625 : i32
    %div3A = arith.divsi %add3A_4, %jit3A : i32
    %sign3A = arith.constant 0 : i32
    %sign3A_7 = arith.cmpi sgt, %add3A_4, %sign3A : i32
    %sign3A_8 = arith.extui %sign3A_7 : i1 to i32
    %sign3A_9 = arith.constant 0 : i32
    %sign3A_10 = arith.cmpi slt, %add3A_4, %sign3A_9 : i32
    %sign3A_11 = arith.extui %sign3A_10 : i1 to i32
    %sign3A_12 = arith.subi %sign3A_8, %sign3A_11 : i32
    %sign3A_13 = arith.constant 0 : i32
    %sign3A_14 = arith.cmpi sgt, %jit3A, %sign3A_13 : i32
    %sign3A_15 = arith.extui %sign3A_14 : i1 to i32
    %sign3A_16 = arith.constant 0 : i32
    %sign3A_17 = arith.cmpi slt, %jit3A, %sign3A_16 : i32
    %sign3A_18 = arith.extui %sign3A_17 : i1 to i32
    %sign3A_19 = arith.subi %sign3A_15, %sign3A_18 : i32
    %ne3A = arith.cmpi ne, %sign3A_12, %sign3A_19 : i32
    %rem3A = arith.remsi %add3A_4, %jit3A : i32
    %ne3A_20 = arith.constant 0 : i32
    %ne3A_21 = arith.cmpi ne, %rem3A, %ne3A_20 : i32
    %and3A = arith.andi %ne3A, %ne3A_21 : i1
    %sub3A = arith.constant 1 : i32
    %sub3A_22 = arith.subi %div3A, %sub3A : i32
    %select_n3A = arith.select %and3A, %sub3A_22, %div3A : i32
    %jit3A_23 = arith.constant 625 : i32
    %eq3A = arith.constant 0 : i32
    %eq3A_24 = arith.cmpi eq, %jit3A_23, %eq3A : i32
    %jit3A_25 = arith.constant 1 : i32
    %select_n3A_26 = arith.select %eq3A_24, %jit3A_25, %jit3A_23 : i32
    %rem3A_27 = arith.remsi %add3A_4, %select_n3A_26 : i32
    %ne3A_28 = arith.constant 0 : i32
    %ne3A_29 = arith.cmpi ne, %rem3A_27, %ne3A_28 : i32
    %lt3A = arith.constant 0 : i32
    %lt3A_30 = arith.cmpi slt, %rem3A_27, %lt3A : i32
    %lt3A_31 = arith.constant 0 : i32
    %lt3A_32 = arith.cmpi slt, %select_n3A_26, %lt3A_31 : i32
    %ne3A_33 = arith.xori %lt3A_30, %lt3A_32 : i1
    %and3A_34 = arith.andi %ne3A_33, %ne3A_29 : i1
    %add3A_35 = arith.addi %rem3A_27, %select_n3A_26 : i32
    %select_n3A_36 = arith.select %and3A_34, %add3A_35, %rem3A_27 : i32
    %mul3A_37 = arith.constant 128 : i32
    %mul3A_38 = arith.muli %select_n3A_36, %mul3A_37 : i32
    %dma_start3A = arith.constant 1 : i32
    %dma_start3A_39 = tpu.memref_slice %arg3[%dma_start3A, %mul3A_6] : memref<2x320000xi32, #tpu.memory_space<hbm>> -> memref<1x128xi32, #tpu.memory_space<hbm>>
    %dma_start3A_40 = tpu.memref_squeeze %dma_start3A_39 : memref<1x128xi32, #tpu.memory_space<hbm>> -> memref<128xi32, #tpu.memory_space<hbm>>
    %dma_start3A_41 = tpu.memref_slice %arg3[%dma_start3A, %mul3A_6] : memref<2x320000xi32, #tpu.memory_space<hbm>> -> memref<1x128xi32, #tpu.memory_space<hbm>>
    %dma_start3A_42 = tpu.memref_squeeze %dma_start3A_41 : memref<1x128xi32, #tpu.memory_space<hbm>> -> memref<128xi32, #tpu.memory_space<hbm>>
    tpu.enqueue_dma source(%dma_start3A_42 : memref<128xi32, #tpu.memory_space<hbm>>) target(%arg6 : memref<128xi32, #tpu.memory_space<vmem>>) target_semaphore(%arg13 : memref<!tpu.dma_semaphore, #tpu.memory_space<semaphore_mem>>)
    %mul3A_43 = arith.constant 32 : i32
    %mul3A_44 = arith.muli %mul3A_43, %select_n3A : i32
    %dma_start3A_45 = tpu.memref_slice %arg2[%mul3A_38, %mul3A_44] : memref<80000x128xf32, #tpu.memory_space<hbm>> -> memref<128x32xf32, #tpu.memory_space<hbm>>
    %dma_start3A_46 = tpu.memref_slice %arg2[%mul3A_38, %mul3A_44] : memref<80000x128xf32, #tpu.memory_space<hbm>> -> memref<128x32xf32, #tpu.memory_space<hbm>>
    tpu.enqueue_dma source(%dma_start3A_46 : memref<128x32xf32, #tpu.memory_space<hbm>>) target(%arg9 : memref<128x32xf32, #tpu.memory_space<vmem>>) target_semaphore(%arg13 : memref<!tpu.dma_semaphore, #tpu.memory_space<semaphore_mem>>)
    %add3A_47 = arith.constant 32 : i32
    %add3A_48 = arith.addi %add3A, %add3A_47 : i32
    %mul3A_49 = arith.constant 128 : i32
    %mul3A_50 = arith.muli %add3A_48, %mul3A_49 : i32
    %jit3A_51 = arith.constant 625 : i32
    %div3A_52 = arith.divsi %add3A_48, %jit3A_51 : i32
    %sign3A_53 = arith.constant 0 : i32
    %sign3A_54 = arith.cmpi sgt, %add3A_48, %sign3A_53 : i32
    %sign3A_55 = arith.extui %sign3A_54 : i1 to i32
    %sign3A_56 = arith.constant 0 : i32
    %sign3A_57 = arith.cmpi slt, %add3A_48, %sign3A_56 : i32
    %sign3A_58 = arith.extui %sign3A_57 : i1 to i32
    %sign3A_59 = arith.subi %sign3A_55, %sign3A_58 : i32
    %sign3A_60 = arith.constant 0 : i32
    %sign3A_61 = arith.cmpi sgt, %jit3A_51, %sign3A_60 : i32
    %sign3A_62 = arith.extui %sign3A_61 : i1 to i32
    %sign3A_63 = arith.constant 0 : i32
    %sign3A_64 = arith.cmpi slt, %jit3A_51, %sign3A_63 : i32
    %sign3A_65 = arith.extui %sign3A_64 : i1 to i32
    %sign3A_66 = arith.subi %sign3A_62, %sign3A_65 : i32
    %ne3A_67 = arith.cmpi ne, %sign3A_59, %sign3A_66 : i32
    %rem3A_68 = arith.remsi %add3A_48, %jit3A_51 : i32
    %ne3A_69 = arith.constant 0 : i32
    %ne3A_70 = arith.cmpi ne, %rem3A_68, %ne3A_69 : i32
    %and3A_71 = arith.andi %ne3A_67, %ne3A_70 : i1
    %sub3A_72 = arith.constant 1 : i32
    %sub3A_73 = arith.subi %div3A_52, %sub3A_72 : i32
    %select_n3A_74 = arith.select %and3A_71, %sub3A_73, %div3A_52 : i32
    %jit3A_75 = arith.constant 625 : i32
    %eq3A_76 = arith.constant 0 : i32
    %eq3A_77 = arith.cmpi eq, %jit3A_75, %eq3A_76 : i32
    %jit3A_78 = arith.constant 1 : i32
    %select_n3A_79 = arith.select %eq3A_77, %jit3A_78, %jit3A_75 : i32
    %rem3A_80 = arith.remsi %add3A_48, %select_n3A_79 : i32
    %ne3A_81 = arith.constant 0 : i32
    %ne3A_82 = arith.cmpi ne, %rem3A_80, %ne3A_81 : i32
    %lt3A_83 = arith.constant 0 : i32
    %lt3A_84 = arith.cmpi slt, %rem3A_80, %lt3A_83 : i32
    %lt3A_85 = arith.constant 0 : i32
    %lt3A_86 = arith.cmpi slt, %select_n3A_79, %lt3A_85 : i32
    %ne3A_87 = arith.xori %lt3A_84, %lt3A_86 : i1
    %and3A_88 = arith.andi %ne3A_87, %ne3A_82 : i1
    %add3A_89 = arith.addi %rem3A_80, %select_n3A_79 : i32
    %select_n3A_90 = arith.select %and3A_88, %add3A_89, %rem3A_80 : i32
    %mul3A_91 = arith.constant 128 : i32
    %mul3A_92 = arith.muli %select_n3A_90, %mul3A_91 : i32
    %dma_start3A_93 = arith.constant 1 : i32
    %dma_start3A_94 = tpu.memref_slice %arg3[%dma_start3A_93, %mul3A_50] : memref<2x320000xi32, #tpu.memory_space<hbm>> -> memref<1x128xi32, #tpu.memory_space<hbm>>
    %dma_start3A_95 = tpu.memref_squeeze %dma_start3A_94 : memref<1x128xi32, #tpu.memory_space<hbm>> -> memref<128xi32, #tpu.memory_space<hbm>>
    %dma_start3A_96 = tpu.memref_slice %arg3[%dma_start3A_93, %mul3A_50] : memref<2x320000xi32, #tpu.memory_space<hbm>> -> memref<1x128xi32, #tpu.memory_space<hbm>>
    %dma_start3A_97 = tpu.memref_squeeze %dma_start3A_96 : memref<1x128xi32, #tpu.memory_space<hbm>> -> memref<128xi32, #tpu.memory_space<hbm>>
    tpu.enqueue_dma source(%dma_start3A_97 : memref<128xi32, #tpu.memory_space<hbm>>) target(%arg7 : memref<128xi32, #tpu.memory_space<vmem>>) target_semaphore(%arg14 : memref<!tpu.dma_semaphore, #tpu.memory_space<semaphore_mem>>)
    %mul3A_98 = arith.constant 32 : i32
    %mul3A_99 = arith.muli %mul3A_98, %select_n3A_74 : i32
    %dma_start3A_100 = tpu.memref_slice %arg2[%mul3A_92, %mul3A_99] : memref<80000x128xf32, #tpu.memory_space<hbm>> -> memref<128x32xf32, #tpu.memory_space<hbm>>
    %dma_start3A_101 = tpu.memref_slice %arg2[%mul3A_92, %mul3A_99] : memref<80000x128xf32, #tpu.memory_space<hbm>> -> memref<128x32xf32, #tpu.memory_space<hbm>>
    tpu.enqueue_dma source(%dma_start3A_101 : memref<128x32xf32, #tpu.memory_space<hbm>>) target(%arg10 : memref<128x32xf32, #tpu.memory_space<vmem>>) target_semaphore(%arg14 : memref<!tpu.dma_semaphore, #tpu.memory_space<semaphore_mem>>)
    %scan3A = arith.constant 0 : i32
    %scan3A_102 = arith.constant 26 : i32
    %scan3A_103 = arith.addi %scan3A, %scan3A_102 : i32
    %scan3A_104 = arith.constant 1 : i32
    scf.for %scan3A_120 = %scan3A to %scan3A_103 step %scan3A_104  : i32 {
      %mul3A_121 = arith.constant 3 : i32
      %mul3A_122 = arith.muli %scan3A_120, %mul3A_121 : i32
      %add3A_123 = arith.constant 0 : i32
      %add3A_124 = arith.addi %add3A_123, %mul3A_122 : i32
      %add3A_125 = arith.constant 0 : i32
      %add3A_126 = arith.addi %add3A_124, %add3A_125 : i32
      %add3A_127 = arith.constant 2 : i32
      %add3A_128 = arith.addi %add3A_126, %add3A_127 : i32
      %lt3A_129 = arith.constant 78 : i32
      %lt3A_130 = arith.cmpi slt, %add3A_128, %lt3A_129 : i32
      %convert_element_type3A_131 = arith.extui %lt3A_130 : i1 to i32
      %cond3A_132 = arith.constant 0 : i32
      %cond3A_133 = arith.cmpi ne, %convert_element_type3A_131, %cond3A_132 : i32
      scf.if %cond3A_133 {
        %add3A_200 = arith.constant 2 : i32
        %add3A_201 = arith.addi %add3A_126, %add3A_200 : i32
        %ge3A = arith.constant 3 : i32
        %ge3A_202 = arith.cmpi sge, %add3A_201, %ge3A : i32
        %convert_element_type3A_203 = arith.extui %ge3A_202 : i1 to i32
        %cond3A_204 = arith.constant 0 : i32
        %cond3A_205 = arith.cmpi ne, %convert_element_type3A_203, %cond3A_204 : i32
        scf.if %cond3A_205 {
          %dma_wait3A_264 = arith.constant 0 : i32
          %dma_wait3A_265 = arith.constant 0 : i32
          %dma_wait3A_266 = tpu.memref_slice %arg12[%dma_wait3A_264, %dma_wait3A_265] : memref<10240x32xf32, #tpu.memory_space<vmem_shared>> -> memref<10240x32xf32, #tpu.memory_space<vmem_shared>>
          tpu.wait_indirect_dma semaphore(%arg18 : memref<!tpu.dma_semaphore, #tpu.memory_space<semaphore_mem>>) src(%arg11 : memref<128x32xf32, #tpu.memory_space<vmem>>) dst(%dma_wait3A_266 : memref<10240x32xf32, #tpu.memory_space<vmem_shared>>)
        } else {
        }
        %add3A_206 = arith.constant 2 : i32
        %add3A_207 = arith.addi %add3A_126, %add3A_206 : i32
        %mul3A_208 = arith.constant 32 : i32
        %mul3A_209 = arith.muli %mul3A_208, %add3A_207 : i32
        %add3A_210 = arith.addi %add3A, %mul3A_209 : i32
        %mul3A_211 = arith.constant 128 : i32
        %mul3A_212 = arith.muli %add3A_210, %mul3A_211 : i32
        %jit3A_213 = arith.constant 625 : i32
        %div3A_214 = arith.divsi %add3A_210, %jit3A_213 : i32
        %sign3A_215 = arith.constant 0 : i32
        %sign3A_216 = arith.cmpi sgt, %add3A_210, %sign3A_215 : i32
        %sign3A_217 = arith.extui %sign3A_216 : i1 to i32
        %sign3A_218 = arith.constant 0 : i32
        %sign3A_219 = arith.cmpi slt, %add3A_210, %sign3A_218 : i32
        %sign3A_220 = arith.extui %sign3A_219 : i1 to i32
        %sign3A_221 = arith.subi %sign3A_217, %sign3A_220 : i32
        %sign3A_222 = arith.constant 0 : i32
        %sign3A_223 = arith.cmpi sgt, %jit3A_213, %sign3A_222 : i32
        %sign3A_224 = arith.extui %sign3A_223 : i1 to i32
        %sign3A_225 = arith.constant 0 : i32
        %sign3A_226 = arith.cmpi slt, %jit3A_213, %sign3A_225 : i32
        %sign3A_227 = arith.extui %sign3A_226 : i1 to i32
        %sign3A_228 = arith.subi %sign3A_224, %sign3A_227 : i32
        %ne3A_229 = arith.cmpi ne, %sign3A_221, %sign3A_228 : i32
        %rem3A_230 = arith.remsi %add3A_210, %jit3A_213 : i32
        %ne3A_231 = arith.constant 0 : i32
        %ne3A_232 = arith.cmpi ne, %rem3A_230, %ne3A_231 : i32
        %and3A_233 = arith.andi %ne3A_229, %ne3A_232 : i1
        %sub3A_234 = arith.constant 1 : i32
        %sub3A_235 = arith.subi %div3A_214, %sub3A_234 : i32
        %select_n3A_236 = arith.select %and3A_233, %sub3A_235, %div3A_214 : i32
        %jit3A_237 = arith.constant 625 : i32
        %eq3A_238 = arith.constant 0 : i32
        %eq3A_239 = arith.cmpi eq, %jit3A_237, %eq3A_238 : i32
        %jit3A_240 = arith.constant 1 : i32
        %select_n3A_241 = arith.select %eq3A_239, %jit3A_240, %jit3A_237 : i32
        %rem3A_242 = arith.remsi %add3A_210, %select_n3A_241 : i32
        %ne3A_243 = arith.constant 0 : i32
        %ne3A_244 = arith.cmpi ne, %rem3A_242, %ne3A_243 : i32
        %lt3A_245 = arith.constant 0 : i32
        %lt3A_246 = arith.cmpi slt, %rem3A_242, %lt3A_245 : i32
        %lt3A_247 = arith.constant 0 : i32
        %lt3A_248 = arith.cmpi slt, %select_n3A_241, %lt3A_247 : i32
        %ne3A_249 = arith.xori %lt3A_246, %lt3A_248 : i1
        %and3A_250 = arith.andi %ne3A_249, %ne3A_244 : i1
        %add3A_251 = arith.addi %rem3A_242, %select_n3A_241 : i32
        %select_n3A_252 = arith.select %and3A_250, %add3A_251, %rem3A_242 : i32
        %mul3A_253 = arith.constant 128 : i32
        %mul3A_254 = arith.muli %select_n3A_252, %mul3A_253 : i32
        %dma_start3A_255 = arith.constant 1 : i32
        %dma_start3A_256 = tpu.memref_slice %arg3[%dma_start3A_255, %mul3A_212] : memref<2x320000xi32, #tpu.memory_space<hbm>> -> memref<1x128xi32, #tpu.memory_space<hbm>>
        %dma_start3A_257 = tpu.memref_squeeze %dma_start3A_256 : memref<1x128xi32, #tpu.memory_space<hbm>> -> memref<128xi32, #tpu.memory_space<hbm>>
        %dma_start3A_258 = tpu.memref_slice %arg3[%dma_start3A_255, %mul3A_212] : memref<2x320000xi32, #tpu.memory_space<hbm>> -> memref<1x128xi32, #tpu.memory_space<hbm>>
        %dma_start3A_259 = tpu.memref_squeeze %dma_start3A_258 : memref<1x128xi32, #tpu.memory_space<hbm>> -> memref<128xi32, #tpu.memory_space<hbm>>
        tpu.enqueue_dma source(%dma_start3A_259 : memref<128xi32, #tpu.memory_space<hbm>>) target(%arg8 : memref<128xi32, #tpu.memory_space<vmem>>) target_semaphore(%arg15 : memref<!tpu.dma_semaphore, #tpu.memory_space<semaphore_mem>>)
        %mul3A_260 = arith.constant 32 : i32
        %mul3A_261 = arith.muli %mul3A_260, %select_n3A_236 : i32
        %dma_start3A_262 = tpu.memref_slice %arg2[%mul3A_254, %mul3A_261] : memref<80000x128xf32, #tpu.memory_space<hbm>> -> memref<128x32xf32, #tpu.memory_space<hbm>>
        %dma_start3A_263 = tpu.memref_slice %arg2[%mul3A_254, %mul3A_261] : memref<80000x128xf32, #tpu.memory_space<hbm>> -> memref<128x32xf32, #tpu.memory_space<hbm>>
        tpu.enqueue_dma source(%dma_start3A_263 : memref<128x32xf32, #tpu.memory_space<hbm>>) target(%arg11 : memref<128x32xf32, #tpu.memory_space<vmem>>) target_semaphore(%arg15 : memref<!tpu.dma_semaphore, #tpu.memory_space<semaphore_mem>>)
      } else {
      }
      %dma_wait3A_134 = arith.constant 1 : i32
      %dma_wait3A_135 = arith.constant 0 : i32
      %dma_wait3A_136 = tpu.memref_slice %arg3[%dma_wait3A_134, %dma_wait3A_135] : memref<2x320000xi32, #tpu.memory_space<hbm>> -> memref<1x128xi32, #tpu.memory_space<hbm>>
      %dma_wait3A_137 = tpu.memref_squeeze %dma_wait3A_136 : memref<1x128xi32, #tpu.memory_space<hbm>> -> memref<128xi32, #tpu.memory_space<hbm>>
      %dma_wait3A_138 = arith.constant 0 : i32
      %dma_wait3A_139 = tpu.memref_slice %arg3[%dma_wait3A_134, %dma_wait3A_138] : memref<2x320000xi32, #tpu.memory_space<hbm>> -> memref<1x128xi32, #tpu.memory_space<hbm>>
      %dma_wait3A_140 = tpu.memref_squeeze %dma_wait3A_139 : memref<1x128xi32, #tpu.memory_space<hbm>> -> memref<128xi32, #tpu.memory_space<hbm>>
      tpu.wait_dma2 semaphore(%arg13 : memref<!tpu.dma_semaphore, #tpu.memory_space<semaphore_mem>>) src(%dma_wait3A_140 : memref<128xi32, #tpu.memory_space<hbm>>) dst(%arg6 : memref<128xi32, #tpu.memory_space<vmem>>)
      %dma_wait3A_141 = arith.constant 0 : i32
      %dma_wait3A_142 = arith.constant 0 : i32
      %dma_wait3A_143 = tpu.memref_slice %arg2[%dma_wait3A_141, %dma_wait3A_142] : memref<80000x128xf32, #tpu.memory_space<hbm>> -> memref<128x32xf32, #tpu.memory_space<hbm>>
      %dma_wait3A_144 = arith.constant 0 : i32
      %dma_wait3A_145 = arith.constant 0 : i32
      %dma_wait3A_146 = tpu.memref_slice %arg2[%dma_wait3A_144, %dma_wait3A_145] : memref<80000x128xf32, #tpu.memory_space<hbm>> -> memref<128x32xf32, #tpu.memory_space<hbm>>
      tpu.wait_dma2 semaphore(%arg13 : memref<!tpu.dma_semaphore, #tpu.memory_space<semaphore_mem>>) src(%dma_wait3A_146 : memref<128x32xf32, #tpu.memory_space<hbm>>) dst(%arg9 : memref<128x32xf32, #tpu.memory_space<vmem>>)
      %dma_start3A_147 = arith.constant 0 : i32
      %dma_start3A_148 = arith.constant 0 : i32
      %dma_start3A_149 = tpu.memref_slice %arg12[%dma_start3A_147, %dma_start3A_148] : memref<10240x32xf32, #tpu.memory_space<vmem_shared>> -> memref<10240x32xf32, #tpu.memory_space<vmem_shared>>
      tpu.enqueue_indirect_dma source(%arg9 : memref<128x32xf32, #tpu.memory_space<vmem>>) target(%dma_start3A_149 : memref<10240x32xf32, #tpu.memory_space<vmem_shared>>) offsets(%arg6 : memref<128xi32, #tpu.memory_space<vmem>>) semaphore(%arg16 : memref<!tpu.dma_semaphore, #tpu.memory_space<semaphore_mem>>) {add = true}
      %add3A_150 = arith.constant 1 : i32
      %add3A_151 = arith.addi %add3A_124, %add3A_150 : i32
      %add3A_152 = arith.constant 2 : i32
      %add3A_153 = arith.addi %add3A_151, %add3A_152 : i32
      %lt3A_154 = arith.constant 78 : i32
      %lt3A_155 = arith.cmpi slt, %add3A_153, %lt3A_154 : i32
      %convert_element_type3A_156 = arith.extui %lt3A_155 : i1 to i32
      %cond3A_157 = arith.constant 0 : i32
      %cond3A_158 = arith.cmpi ne, %convert_element_type3A_156, %cond3A_157 : i32
      scf.if %cond3A_158 {
        %add3A_200 = arith.constant 2 : i32
        %add3A_201 = arith.addi %add3A_151, %add3A_200 : i32
        %ge3A = arith.constant 3 : i32
        %ge3A_202 = arith.cmpi sge, %add3A_201, %ge3A : i32
        %convert_element_type3A_203 = arith.extui %ge3A_202 : i1 to i32
        %cond3A_204 = arith.constant 0 : i32
        %cond3A_205 = arith.cmpi ne, %convert_element_type3A_203, %cond3A_204 : i32
        scf.if %cond3A_205 {
          %dma_wait3A_264 = arith.constant 0 : i32
          %dma_wait3A_265 = arith.constant 0 : i32
          %dma_wait3A_266 = tpu.memref_slice %arg12[%dma_wait3A_264, %dma_wait3A_265] : memref<10240x32xf32, #tpu.memory_space<vmem_shared>> -> memref<10240x32xf32, #tpu.memory_space<vmem_shared>>
          tpu.wait_indirect_dma semaphore(%arg16 : memref<!tpu.dma_semaphore, #tpu.memory_space<semaphore_mem>>) src(%arg9 : memref<128x32xf32, #tpu.memory_space<vmem>>) dst(%dma_wait3A_266 : memref<10240x32xf32, #tpu.memory_space<vmem_shared>>)
        } else {
        }
        %add3A_206 = arith.constant 2 : i32
        %add3A_207 = arith.addi %add3A_151, %add3A_206 : i32
        %mul3A_208 = arith.constant 32 : i32
        %mul3A_209 = arith.muli %mul3A_208, %add3A_207 : i32
        %add3A_210 = arith.addi %add3A, %mul3A_209 : i32
        %mul3A_211 = arith.constant 128 : i32
        %mul3A_212 = arith.muli %add3A_210, %mul3A_211 : i32
        %jit3A_213 = arith.constant 625 : i32
        %div3A_214 = arith.divsi %add3A_210, %jit3A_213 : i32
        %sign3A_215 = arith.constant 0 : i32
        %sign3A_216 = arith.cmpi sgt, %add3A_210, %sign3A_215 : i32
        %sign3A_217 = arith.extui %sign3A_216 : i1 to i32
        %sign3A_218 = arith.constant 0 : i32
        %sign3A_219 = arith.cmpi slt, %add3A_210, %sign3A_218 : i32
        %sign3A_220 = arith.extui %sign3A_219 : i1 to i32
        %sign3A_221 = arith.subi %sign3A_217, %sign3A_220 : i32
        %sign3A_222 = arith.constant 0 : i32
        %sign3A_223 = arith.cmpi sgt, %jit3A_213, %sign3A_222 : i32
        %sign3A_224 = arith.extui %sign3A_223 : i1 to i32
        %sign3A_225 = arith.constant 0 : i32
        %sign3A_226 = arith.cmpi slt, %jit3A_213, %sign3A_225 : i32
        %sign3A_227 = arith.extui %sign3A_226 : i1 to i32
        %sign3A_228 = arith.subi %sign3A_224, %sign3A_227 : i32
        %ne3A_229 = arith.cmpi ne, %sign3A_221, %sign3A_228 : i32
        %rem3A_230 = arith.remsi %add3A_210, %jit3A_213 : i32
        %ne3A_231 = arith.constant 0 : i32
        %ne3A_232 = arith.cmpi ne, %rem3A_230, %ne3A_231 : i32
        %and3A_233 = arith.andi %ne3A_229, %ne3A_232 : i1
        %sub3A_234 = arith.constant 1 : i32
        %sub3A_235 = arith.subi %div3A_214, %sub3A_234 : i32
        %select_n3A_236 = arith.select %and3A_233, %sub3A_235, %div3A_214 : i32
        %jit3A_237 = arith.constant 625 : i32
        %eq3A_238 = arith.constant 0 : i32
        %eq3A_239 = arith.cmpi eq, %jit3A_237, %eq3A_238 : i32
        %jit3A_240 = arith.constant 1 : i32
        %select_n3A_241 = arith.select %eq3A_239, %jit3A_240, %jit3A_237 : i32
        %rem3A_242 = arith.remsi %add3A_210, %select_n3A_241 : i32
        %ne3A_243 = arith.constant 0 : i32
        %ne3A_244 = arith.cmpi ne, %rem3A_242, %ne3A_243 : i32
        %lt3A_245 = arith.constant 0 : i32
        %lt3A_246 = arith.cmpi slt, %rem3A_242, %lt3A_245 : i32
        %lt3A_247 = arith.constant 0 : i32
        %lt3A_248 = arith.cmpi slt, %select_n3A_241, %lt3A_247 : i32
        %ne3A_249 = arith.xori %lt3A_246, %lt3A_248 : i1
        %and3A_250 = arith.andi %ne3A_249, %ne3A_244 : i1
        %add3A_251 = arith.addi %rem3A_242, %select_n3A_241 : i32
        %select_n3A_252 = arith.select %and3A_250, %add3A_251, %rem3A_242 : i32
        %mul3A_253 = arith.constant 128 : i32
        %mul3A_254 = arith.muli %select_n3A_252, %mul3A_253 : i32
        %dma_start3A_255 = arith.constant 1 : i32
        %dma_start3A_256 = tpu.memref_slice %arg3[%dma_start3A_255, %mul3A_212] : memref<2x320000xi32, #tpu.memory_space<hbm>> -> memref<1x128xi32, #tpu.memory_space<hbm>>
        %dma_start3A_257 = tpu.memref_squeeze %dma_start3A_256 : memref<1x128xi32, #tpu.memory_space<hbm>> -> memref<128xi32, #tpu.memory_space<hbm>>
        %dma_start3A_258 = tpu.memref_slice %arg3[%dma_start3A_255, %mul3A_212] : memref<2x320000xi32, #tpu.memory_space<hbm>> -> memref<1x128xi32, #tpu.memory_space<hbm>>
        %dma_start3A_259 = tpu.memref_squeeze %dma_start3A_258 : memref<1x128xi32, #tpu.memory_space<hbm>> -> memref<128xi32, #tpu.memory_space<hbm>>
        tpu.enqueue_dma source(%dma_start3A_259 : memref<128xi32, #tpu.memory_space<hbm>>) target(%arg6 : memref<128xi32, #tpu.memory_space<vmem>>) target_semaphore(%arg13 : memref<!tpu.dma_semaphore, #tpu.memory_space<semaphore_mem>>)
        %mul3A_260 = arith.constant 32 : i32
        %mul3A_261 = arith.muli %mul3A_260, %select_n3A_236 : i32
        %dma_start3A_262 = tpu.memref_slice %arg2[%mul3A_254, %mul3A_261] : memref<80000x128xf32, #tpu.memory_space<hbm>> -> memref<128x32xf32, #tpu.memory_space<hbm>>
        %dma_start3A_263 = tpu.memref_slice %arg2[%mul3A_254, %mul3A_261] : memref<80000x128xf32, #tpu.memory_space<hbm>> -> memref<128x32xf32, #tpu.memory_space<hbm>>
        tpu.enqueue_dma source(%dma_start3A_263 : memref<128x32xf32, #tpu.memory_space<hbm>>) target(%arg9 : memref<128x32xf32, #tpu.memory_space<vmem>>) target_semaphore(%arg13 : memref<!tpu.dma_semaphore, #tpu.memory_space<semaphore_mem>>)
      } else {
      }
      %dma_wait3A_159 = arith.constant 1 : i32
      %dma_wait3A_160 = arith.constant 0 : i32
      %dma_wait3A_161 = tpu.memref_slice %arg3[%dma_wait3A_159, %dma_wait3A_160] : memref<2x320000xi32, #tpu.memory_space<hbm>> -> memref<1x128xi32, #tpu.memory_space<hbm>>
      %dma_wait3A_162 = tpu.memref_squeeze %dma_wait3A_161 : memref<1x128xi32, #tpu.memory_space<hbm>> -> memref<128xi32, #tpu.memory_space<hbm>>
      %dma_wait3A_163 = arith.constant 0 : i32
      %dma_wait3A_164 = tpu.memref_slice %arg3[%dma_wait3A_159, %dma_wait3A_163] : memref<2x320000xi32, #tpu.memory_space<hbm>> -> memref<1x128xi32, #tpu.memory_space<hbm>>
      %dma_wait3A_165 = tpu.memref_squeeze %dma_wait3A_164 : memref<1x128xi32, #tpu.memory_space<hbm>> -> memref<128xi32, #tpu.memory_space<hbm>>
      tpu.wait_dma2 semaphore(%arg14 : memref<!tpu.dma_semaphore, #tpu.memory_space<semaphore_mem>>) src(%dma_wait3A_165 : memref<128xi32, #tpu.memory_space<hbm>>) dst(%arg7 : memref<128xi32, #tpu.memory_space<vmem>>)
      %dma_wait3A_166 = arith.constant 0 : i32
      %dma_wait3A_167 = arith.constant 0 : i32
      %dma_wait3A_168 = tpu.memref_slice %arg2[%dma_wait3A_166, %dma_wait3A_167] : memref<80000x128xf32, #tpu.memory_space<hbm>> -> memref<128x32xf32, #tpu.memory_space<hbm>>
      %dma_wait3A_169 = arith.constant 0 : i32
      %dma_wait3A_170 = arith.constant 0 : i32
      %dma_wait3A_171 = tpu.memref_slice %arg2[%dma_wait3A_169, %dma_wait3A_170] : memref<80000x128xf32, #tpu.memory_space<hbm>> -> memref<128x32xf32, #tpu.memory_space<hbm>>
      tpu.wait_dma2 semaphore(%arg14 : memref<!tpu.dma_semaphore, #tpu.memory_space<semaphore_mem>>) src(%dma_wait3A_171 : memref<128x32xf32, #tpu.memory_space<hbm>>) dst(%arg10 : memref<128x32xf32, #tpu.memory_space<vmem>>)
      %dma_start3A_172 = arith.constant 0 : i32
      %dma_start3A_173 = arith.constant 0 : i32
      %dma_start3A_174 = tpu.memref_slice %arg12[%dma_start3A_172, %dma_start3A_173] : memref<10240x32xf32, #tpu.memory_space<vmem_shared>> -> memref<10240x32xf32, #tpu.memory_space<vmem_shared>>
      tpu.enqueue_indirect_dma source(%arg10 : memref<128x32xf32, #tpu.memory_space<vmem>>) target(%dma_start3A_174 : memref<10240x32xf32, #tpu.memory_space<vmem_shared>>) offsets(%arg7 : memref<128xi32, #tpu.memory_space<vmem>>) semaphore(%arg17 : memref<!tpu.dma_semaphore, #tpu.memory_space<semaphore_mem>>) {add = true}
      %add3A_175 = arith.constant 2 : i32
      %add3A_176 = arith.addi %add3A_124, %add3A_175 : i32
      %add3A_177 = arith.constant 2 : i32
      %add3A_178 = arith.addi %add3A_176, %add3A_177 : i32
      %lt3A_179 = arith.constant 78 : i32
      %lt3A_180 = arith.cmpi slt, %add3A_178, %lt3A_179 : i32
      %convert_element_type3A_181 = arith.extui %lt3A_180 : i1 to i32
      %cond3A_182 = arith.constant 0 : i32
      %cond3A_183 = arith.cmpi ne, %convert_element_type3A_181, %cond3A_182 : i32
      scf.if %cond3A_183 {
        %add3A_200 = arith.constant 2 : i32
        %add3A_201 = arith.addi %add3A_176, %add3A_200 : i32
        %ge3A = arith.constant 3 : i32
        %ge3A_202 = arith.cmpi sge, %add3A_201, %ge3A : i32
        %convert_element_type3A_203 = arith.extui %ge3A_202 : i1 to i32
        %cond3A_204 = arith.constant 0 : i32
        %cond3A_205 = arith.cmpi ne, %convert_element_type3A_203, %cond3A_204 : i32
        scf.if %cond3A_205 {
          %dma_wait3A_264 = arith.constant 0 : i32
          %dma_wait3A_265 = arith.constant 0 : i32
          %dma_wait3A_266 = tpu.memref_slice %arg12[%dma_wait3A_264, %dma_wait3A_265] : memref<10240x32xf32, #tpu.memory_space<vmem_shared>> -> memref<10240x32xf32, #tpu.memory_space<vmem_shared>>
          tpu.wait_indirect_dma semaphore(%arg17 : memref<!tpu.dma_semaphore, #tpu.memory_space<semaphore_mem>>) src(%arg10 : memref<128x32xf32, #tpu.memory_space<vmem>>) dst(%dma_wait3A_266 : memref<10240x32xf32, #tpu.memory_space<vmem_shared>>)
        } else {
        }
        %add3A_206 = arith.constant 2 : i32
        %add3A_207 = arith.addi %add3A_176, %add3A_206 : i32
        %mul3A_208 = arith.constant 32 : i32
        %mul3A_209 = arith.muli %mul3A_208, %add3A_207 : i32
        %add3A_210 = arith.addi %add3A, %mul3A_209 : i32
        %mul3A_211 = arith.constant 128 : i32
        %mul3A_212 = arith.muli %add3A_210, %mul3A_211 : i32
        %jit3A_213 = arith.constant 625 : i32
        %div3A_214 = arith.divsi %add3A_210, %jit3A_213 : i32
        %sign3A_215 = arith.constant 0 : i32
        %sign3A_216 = arith.cmpi sgt, %add3A_210, %sign3A_215 : i32
        %sign3A_217 = arith.extui %sign3A_216 : i1 to i32
        %sign3A_218 = arith.constant 0 : i32
        %sign3A_219 = arith.cmpi slt, %add3A_210, %sign3A_218 : i32
        %sign3A_220 = arith.extui %sign3A_219 : i1 to i32
        %sign3A_221 = arith.subi %sign3A_217, %sign3A_220 : i32
        %sign3A_222 = arith.constant 0 : i32
        %sign3A_223 = arith.cmpi sgt, %jit3A_213, %sign3A_222 : i32
        %sign3A_224 = arith.extui %sign3A_223 : i1 to i32
        %sign3A_225 = arith.constant 0 : i32
        %sign3A_226 = arith.cmpi slt, %jit3A_213, %sign3A_225 : i32
        %sign3A_227 = arith.extui %sign3A_226 : i1 to i32
        %sign3A_228 = arith.subi %sign3A_224, %sign3A_227 : i32
        %ne3A_229 = arith.cmpi ne, %sign3A_221, %sign3A_228 : i32
        %rem3A_230 = arith.remsi %add3A_210, %jit3A_213 : i32
        %ne3A_231 = arith.constant 0 : i32
        %ne3A_232 = arith.cmpi ne, %rem3A_230, %ne3A_231 : i32
        %and3A_233 = arith.andi %ne3A_229, %ne3A_232 : i1
        %sub3A_234 = arith.constant 1 : i32
        %sub3A_235 = arith.subi %div3A_214, %sub3A_234 : i32
        %select_n3A_236 = arith.select %and3A_233, %sub3A_235, %div3A_214 : i32
        %jit3A_237 = arith.constant 625 : i32
        %eq3A_238 = arith.constant 0 : i32
        %eq3A_239 = arith.cmpi eq, %jit3A_237, %eq3A_238 : i32
        %jit3A_240 = arith.constant 1 : i32
        %select_n3A_241 = arith.select %eq3A_239, %jit3A_240, %jit3A_237 : i32
        %rem3A_242 = arith.remsi %add3A_210, %select_n3A_241 : i32
        %ne3A_243 = arith.constant 0 : i32
        %ne3A_244 = arith.cmpi ne, %rem3A_242, %ne3A_243 : i32
        %lt3A_245 = arith.constant 0 : i32
        %lt3A_246 = arith.cmpi slt, %rem3A_242, %lt3A_245 : i32
        %lt3A_247 = arith.constant 0 : i32
        %lt3A_248 = arith.cmpi slt, %select_n3A_241, %lt3A_247 : i32
        %ne3A_249 = arith.xori %lt3A_246, %lt3A_248 : i1
        %and3A_250 = arith.andi %ne3A_249, %ne3A_244 : i1
        %add3A_251 = arith.addi %rem3A_242, %select_n3A_241 : i32
        %select_n3A_252 = arith.select %and3A_250, %add3A_251, %rem3A_242 : i32
        %mul3A_253 = arith.constant 128 : i32
        %mul3A_254 = arith.muli %select_n3A_252, %mul3A_253 : i32
        %dma_start3A_255 = arith.constant 1 : i32
        %dma_start3A_256 = tpu.memref_slice %arg3[%dma_start3A_255, %mul3A_212] : memref<2x320000xi32, #tpu.memory_space<hbm>> -> memref<1x128xi32, #tpu.memory_space<hbm>>
        %dma_start3A_257 = tpu.memref_squeeze %dma_start3A_256 : memref<1x128xi32, #tpu.memory_space<hbm>> -> memref<128xi32, #tpu.memory_space<hbm>>
        %dma_start3A_258 = tpu.memref_slice %arg3[%dma_start3A_255, %mul3A_212] : memref<2x320000xi32, #tpu.memory_space<hbm>> -> memref<1x128xi32, #tpu.memory_space<hbm>>
        %dma_start3A_259 = tpu.memref_squeeze %dma_start3A_258 : memref<1x128xi32, #tpu.memory_space<hbm>> -> memref<128xi32, #tpu.memory_space<hbm>>
        tpu.enqueue_dma source(%dma_start3A_259 : memref<128xi32, #tpu.memory_space<hbm>>) target(%arg7 : memref<128xi32, #tpu.memory_space<vmem>>) target_semaphore(%arg14 : memref<!tpu.dma_semaphore, #tpu.memory_space<semaphore_mem>>)
        %mul3A_260 = arith.constant 32 : i32
        %mul3A_261 = arith.muli %mul3A_260, %select_n3A_236 : i32
        %dma_start3A_262 = tpu.memref_slice %arg2[%mul3A_254, %mul3A_261] : memref<80000x128xf32, #tpu.memory_space<hbm>> -> memref<128x32xf32, #tpu.memory_space<hbm>>
        %dma_start3A_263 = tpu.memref_slice %arg2[%mul3A_254, %mul3A_261] : memref<80000x128xf32, #tpu.memory_space<hbm>> -> memref<128x32xf32, #tpu.memory_space<hbm>>
        tpu.enqueue_dma source(%dma_start3A_263 : memref<128x32xf32, #tpu.memory_space<hbm>>) target(%arg10 : memref<128x32xf32, #tpu.memory_space<vmem>>) target_semaphore(%arg14 : memref<!tpu.dma_semaphore, #tpu.memory_space<semaphore_mem>>)
      } else {
      }
      %dma_wait3A_184 = arith.constant 1 : i32
      %dma_wait3A_185 = arith.constant 0 : i32
      %dma_wait3A_186 = tpu.memref_slice %arg3[%dma_wait3A_184, %dma_wait3A_185] : memref<2x320000xi32, #tpu.memory_space<hbm>> -> memref<1x128xi32, #tpu.memory_space<hbm>>
      %dma_wait3A_187 = tpu.memref_squeeze %dma_wait3A_186 : memref<1x128xi32, #tpu.memory_space<hbm>> -> memref<128xi32, #tpu.memory_space<hbm>>
      %dma_wait3A_188 = arith.constant 0 : i32
      %dma_wait3A_189 = tpu.memref_slice %arg3[%dma_wait3A_184, %dma_wait3A_188] : memref<2x320000xi32, #tpu.memory_space<hbm>> -> memref<1x128xi32, #tpu.memory_space<hbm>>
      %dma_wait3A_190 = tpu.memref_squeeze %dma_wait3A_189 : memref<1x128xi32, #tpu.memory_space<hbm>> -> memref<128xi32, #tpu.memory_space<hbm>>
      tpu.wait_dma2 semaphore(%arg15 : memref<!tpu.dma_semaphore, #tpu.memory_space<semaphore_mem>>) src(%dma_wait3A_190 : memref<128xi32, #tpu.memory_space<hbm>>) dst(%arg8 : memref<128xi32, #tpu.memory_space<vmem>>)
      %dma_wait3A_191 = arith.constant 0 : i32
      %dma_wait3A_192 = arith.constant 0 : i32
      %dma_wait3A_193 = tpu.memref_slice %arg2[%dma_wait3A_191, %dma_wait3A_192] : memref<80000x128xf32, #tpu.memory_space<hbm>> -> memref<128x32xf32, #tpu.memory_space<hbm>>
      %dma_wait3A_194 = arith.constant 0 : i32
      %dma_wait3A_195 = arith.constant 0 : i32
      %dma_wait3A_196 = tpu.memref_slice %arg2[%dma_wait3A_194, %dma_wait3A_195] : memref<80000x128xf32, #tpu.memory_space<hbm>> -> memref<128x32xf32, #tpu.memory_space<hbm>>
      tpu.wait_dma2 semaphore(%arg15 : memref<!tpu.dma_semaphore, #tpu.memory_space<semaphore_mem>>) src(%dma_wait3A_196 : memref<128x32xf32, #tpu.memory_space<hbm>>) dst(%arg11 : memref<128x32xf32, #tpu.memory_space<vmem>>)
      %dma_start3A_197 = arith.constant 0 : i32
      %dma_start3A_198 = arith.constant 0 : i32
      %dma_start3A_199 = tpu.memref_slice %arg12[%dma_start3A_197, %dma_start3A_198] : memref<10240x32xf32, #tpu.memory_space<vmem_shared>> -> memref<10240x32xf32, #tpu.memory_space<vmem_shared>>
      tpu.enqueue_indirect_dma source(%arg11 : memref<128x32xf32, #tpu.memory_space<vmem>>) target(%dma_start3A_199 : memref<10240x32xf32, #tpu.memory_space<vmem_shared>>) offsets(%arg8 : memref<128xi32, #tpu.memory_space<vmem>>) semaphore(%arg18 : memref<!tpu.dma_semaphore, #tpu.memory_space<semaphore_mem>>) {add = true}
    }
    %scan3A_105 = arith.constant 26 : i32
    %dma_wait3A = arith.constant 0 : i32
    %dma_wait3A_106 = arith.constant 0 : i32
    %dma_wait3A_107 = tpu.memref_slice %arg12[%dma_wait3A, %dma_wait3A_106] : memref<10240x32xf32, #tpu.memory_space<vmem_shared>> -> memref<10240x32xf32, #tpu.memory_space<vmem_shared>>
    tpu.wait_indirect_dma semaphore(%arg16 : memref<!tpu.dma_semaphore, #tpu.memory_space<semaphore_mem>>) src(%arg9 : memref<128x32xf32, #tpu.memory_space<vmem>>) dst(%dma_wait3A_107 : memref<10240x32xf32, #tpu.memory_space<vmem_shared>>)
    %dma_wait3A_108 = arith.constant 0 : i32
    %dma_wait3A_109 = arith.constant 0 : i32
    %dma_wait3A_110 = tpu.memref_slice %arg12[%dma_wait3A_108, %dma_wait3A_109] : memref<10240x32xf32, #tpu.memory_space<vmem_shared>> -> memref<10240x32xf32, #tpu.memory_space<vmem_shared>>
    tpu.wait_indirect_dma semaphore(%arg17 : memref<!tpu.dma_semaphore, #tpu.memory_space<semaphore_mem>>) src(%arg10 : memref<128x32xf32, #tpu.memory_space<vmem>>) dst(%dma_wait3A_110 : memref<10240x32xf32, #tpu.memory_space<vmem_shared>>)
    %dma_wait3A_111 = arith.constant 0 : i32
    %dma_wait3A_112 = arith.constant 0 : i32
    %dma_wait3A_113 = tpu.memref_slice %arg12[%dma_wait3A_111, %dma_wait3A_112] : memref<10240x32xf32, #tpu.memory_space<vmem_shared>> -> memref<10240x32xf32, #tpu.memory_space<vmem_shared>>
    tpu.wait_indirect_dma semaphore(%arg18 : memref<!tpu.dma_semaphore, #tpu.memory_space<semaphore_mem>>) src(%arg11 : memref<128x32xf32, #tpu.memory_space<vmem>>) dst(%dma_wait3A_113 : memref<10240x32xf32, #tpu.memory_space<vmem_shared>>)
    %add3A_114 = arith.constant 2496 : i32
    %add3A_115 = arith.addi %add3A, %add3A_114 : i32
    %lt3A_116 = arith.constant 2500 : i32
    %lt3A_117 = arith.cmpi slt, %add3A_115, %lt3A_116 : i32
    %convert_element_type3A = arith.extui %lt3A_117 : i1 to i32
    %cond3A = arith.constant 0 : i32
    %cond3A_118 = arith.cmpi ne, %convert_element_type3A, %cond3A : i32
    scf.if %cond3A_118 {
      %add3A_120 = arith.constant 2496 : i32
      %add3A_121 = arith.addi %add3A, %add3A_120 : i32
      %mul3A_122 = arith.constant 128 : i32
      %mul3A_123 = arith.muli %add3A_121, %mul3A_122 : i32
      %jit3A_124 = arith.constant 625 : i32
      %div3A_125 = arith.divsi %add3A_121, %jit3A_124 : i32
      %sign3A_126 = arith.constant 0 : i32
      %sign3A_127 = arith.cmpi sgt, %add3A_121, %sign3A_126 : i32
      %sign3A_128 = arith.extui %sign3A_127 : i1 to i32
      %sign3A_129 = arith.constant 0 : i32
      %sign3A_130 = arith.cmpi slt, %add3A_121, %sign3A_129 : i32
      %sign3A_131 = arith.extui %sign3A_130 : i1 to i32
      %sign3A_132 = arith.subi %sign3A_128, %sign3A_131 : i32
      %sign3A_133 = arith.constant 0 : i32
      %sign3A_134 = arith.cmpi sgt, %jit3A_124, %sign3A_133 : i32
      %sign3A_135 = arith.extui %sign3A_134 : i1 to i32
      %sign3A_136 = arith.constant 0 : i32
      %sign3A_137 = arith.cmpi slt, %jit3A_124, %sign3A_136 : i32
      %sign3A_138 = arith.extui %sign3A_137 : i1 to i32
      %sign3A_139 = arith.subi %sign3A_135, %sign3A_138 : i32
      %ne3A_140 = arith.cmpi ne, %sign3A_132, %sign3A_139 : i32
      %rem3A_141 = arith.remsi %add3A_121, %jit3A_124 : i32
      %ne3A_142 = arith.constant 0 : i32
      %ne3A_143 = arith.cmpi ne, %rem3A_141, %ne3A_142 : i32
      %and3A_144 = arith.andi %ne3A_140, %ne3A_143 : i1
      %sub3A_145 = arith.constant 1 : i32
      %sub3A_146 = arith.subi %div3A_125, %sub3A_145 : i32
      %select_n3A_147 = arith.select %and3A_144, %sub3A_146, %div3A_125 : i32
      %jit3A_148 = arith.constant 625 : i32
      %eq3A_149 = arith.constant 0 : i32
      %eq3A_150 = arith.cmpi eq, %jit3A_148, %eq3A_149 : i32
      %jit3A_151 = arith.constant 1 : i32
      %select_n3A_152 = arith.select %eq3A_150, %jit3A_151, %jit3A_148 : i32
      %rem3A_153 = arith.remsi %add3A_121, %select_n3A_152 : i32
      %ne3A_154 = arith.constant 0 : i32
      %ne3A_155 = arith.cmpi ne, %rem3A_153, %ne3A_154 : i32
      %lt3A_156 = arith.constant 0 : i32
      %lt3A_157 = arith.cmpi slt, %rem3A_153, %lt3A_156 : i32
      %lt3A_158 = arith.constant 0 : i32
      %lt3A_159 = arith.cmpi slt, %select_n3A_152, %lt3A_158 : i32
      %ne3A_160 = arith.xori %lt3A_157, %lt3A_159 : i1
      %and3A_161 = arith.andi %ne3A_160, %ne3A_155 : i1
      %add3A_162 = arith.addi %rem3A_153, %select_n3A_152 : i32
      %select_n3A_163 = arith.select %and3A_161, %add3A_162, %rem3A_153 : i32
      %mul3A_164 = arith.constant 128 : i32
      %mul3A_165 = arith.muli %select_n3A_163, %mul3A_164 : i32
      %run_scoped3A = arith.constant 1 : i32
      "tpu.region"() ({
        %run_scoped3A_168 = tpu.sem_alloc : memref<!tpu.dma_semaphore, #tpu.memory_space<semaphore_mem>>
        %dma_start3A_169 = tpu.memref_slice %arg3[%run_scoped3A, %mul3A_123] : memref<2x320000xi32, #tpu.memory_space<hbm>> -> memref<1x128xi32, #tpu.memory_space<hbm>>
        %dma_start3A_170 = tpu.memref_squeeze %dma_start3A_169 : memref<1x128xi32, #tpu.memory_space<hbm>> -> memref<128xi32, #tpu.memory_space<hbm>>
        %dma_start3A_171 = tpu.memref_slice %arg3[%run_scoped3A, %mul3A_123] : memref<2x320000xi32, #tpu.memory_space<hbm>> -> memref<1x128xi32, #tpu.memory_space<hbm>>
        %dma_start3A_172 = tpu.memref_squeeze %dma_start3A_171 : memref<1x128xi32, #tpu.memory_space<hbm>> -> memref<128xi32, #tpu.memory_space<hbm>>
        tpu.enqueue_dma source(%dma_start3A_172 : memref<128xi32, #tpu.memory_space<hbm>>) target(%arg6 : memref<128xi32, #tpu.memory_space<vmem>>) target_semaphore(%run_scoped3A_168 : memref<!tpu.dma_semaphore, #tpu.memory_space<semaphore_mem>>)
        %dma_wait3A_173 = tpu.memref_slice %arg3[%run_scoped3A, %mul3A_123] : memref<2x320000xi32, #tpu.memory_space<hbm>> -> memref<1x128xi32, #tpu.memory_space<hbm>>
        %dma_wait3A_174 = tpu.memref_squeeze %dma_wait3A_173 : memref<1x128xi32, #tpu.memory_space<hbm>> -> memref<128xi32, #tpu.memory_space<hbm>>
        %dma_wait3A_175 = tpu.memref_slice %arg3[%run_scoped3A, %mul3A_123] : memref<2x320000xi32, #tpu.memory_space<hbm>> -> memref<1x128xi32, #tpu.memory_space<hbm>>
        %dma_wait3A_176 = tpu.memref_squeeze %dma_wait3A_175 : memref<1x128xi32, #tpu.memory_space<hbm>> -> memref<128xi32, #tpu.memory_space<hbm>>
        tpu.wait_dma2 semaphore(%run_scoped3A_168 : memref<!tpu.dma_semaphore, #tpu.memory_space<semaphore_mem>>) src(%dma_wait3A_176 : memref<128xi32, #tpu.memory_space<hbm>>) dst(%arg6 : memref<128xi32, #tpu.memory_space<vmem>>)
        tpu.yield
      }) : () -> ()
      %mul3A_166 = arith.constant 32 : i32
      %mul3A_167 = arith.muli %mul3A_166, %select_n3A_147 : i32
      "tpu.region"() ({
        %run_scoped3A_168 = tpu.sem_alloc : memref<!tpu.dma_semaphore, #tpu.memory_space<semaphore_mem>>
        %dma_start3A_169 = tpu.memref_slice %arg2[%mul3A_165, %mul3A_167] : memref<80000x128xf32, #tpu.memory_space<hbm>> -> memref<128x32xf32, #tpu.memory_space<hbm>>
        %dma_start3A_170 = tpu.memref_slice %arg2[%mul3A_165, %mul3A_167] : memref<80000x128xf32, #tpu.memory_space<hbm>> -> memref<128x32xf32, #tpu.memory_space<hbm>>
        tpu.enqueue_dma source(%dma_start3A_170 : memref<128x32xf32, #tpu.memory_space<hbm>>) target(%arg9 : memref<128x32xf32, #tpu.memory_space<vmem>>) target_semaphore(%run_scoped3A_168 : memref<!tpu.dma_semaphore, #tpu.memory_space<semaphore_mem>>)
        %dma_wait3A_171 = tpu.memref_slice %arg2[%mul3A_165, %mul3A_167] : memref<80000x128xf32, #tpu.memory_space<hbm>> -> memref<128x32xf32, #tpu.memory_space<hbm>>
        %dma_wait3A_172 = tpu.memref_slice %arg2[%mul3A_165, %mul3A_167] : memref<80000x128xf32, #tpu.memory_space<hbm>> -> memref<128x32xf32, #tpu.memory_space<hbm>>
        tpu.wait_dma2 semaphore(%run_scoped3A_168 : memref<!tpu.dma_semaphore, #tpu.memory_space<semaphore_mem>>) src(%dma_wait3A_172 : memref<128x32xf32, #tpu.memory_space<hbm>>) dst(%arg9 : memref<128x32xf32, #tpu.memory_space<vmem>>)
        tpu.yield
      }) : () -> ()
      "tpu.region"() ({
        %run_scoped3A_168 = tpu.sem_alloc : memref<!tpu.dma_semaphore, #tpu.memory_space<semaphore_mem>>
        %dma_start3A_169 = arith.constant 0 : i32
        %dma_start3A_170 = arith.constant 0 : i32
        %dma_start3A_171 = tpu.memref_slice %arg12[%dma_start3A_169, %dma_start3A_170] : memref<10240x32xf32, #tpu.memory_space<vmem_shared>> -> memref<10240x32xf32, #tpu.memory_space<vmem_shared>>
        tpu.enqueue_indirect_dma source(%arg9 : memref<128x32xf32, #tpu.memory_space<vmem>>) target(%dma_start3A_171 : memref<10240x32xf32, #tpu.memory_space<vmem_shared>>) offsets(%arg6 : memref<128xi32, #tpu.memory_space<vmem>>) semaphore(%run_scoped3A_168 : memref<!tpu.dma_semaphore, #tpu.memory_space<semaphore_mem>>) {add = true}
        %dma_wait3A_172 = arith.constant 0 : i32
        %dma_wait3A_173 = arith.constant 0 : i32
        %dma_wait3A_174 = tpu.memref_slice %arg12[%dma_wait3A_172, %dma_wait3A_173] : memref<10240x32xf32, #tpu.memory_space<vmem_shared>> -> memref<10240x32xf32, #tpu.memory_space<vmem_shared>>
        tpu.wait_indirect_dma semaphore(%run_scoped3A_168 : memref<!tpu.dma_semaphore, #tpu.memory_space<semaphore_mem>>) src(%arg9 : memref<128x32xf32, #tpu.memory_space<vmem>>) dst(%dma_wait3A_174 : memref<10240x32xf32, #tpu.memory_space<vmem_shared>>)
        tpu.yield
      }) : () -> ()
    } else {
    }
    %barrier3A_119 = arith.constant 0 : index
    tpu.barrier barrier_id(%barrier3A_119)
    "tpu.region"() ({
      %run_scoped3A = tpu.sem_alloc : memref<!tpu.dma_semaphore, #tpu.memory_space<semaphore_mem>>
      %dma_start3A_120 = arith.constant 0 : i32
      %dma_start3A_121 = tpu.memref_slice %arg5[%arg0, %mul3A_2, %dma_start3A_120] : memref<2x10240x32xf32, #tpu.memory_space<hbm>> -> memref<1x640x32xf32, #tpu.memory_space<hbm>>
      %dma_start3A_122 = tpu.memref_squeeze %dma_start3A_121 : memref<1x640x32xf32, #tpu.memory_space<hbm>> -> memref<640x32xf32, #tpu.memory_space<hbm>>
      %dma_start3A_123 = arith.constant 0 : i32
      %dma_start3A_124 = tpu.memref_slice %arg12[%mul3A_2, %dma_start3A_123] : memref<10240x32xf32, #tpu.memory_space<vmem_shared>> -> memref<640x32xf32, #tpu.memory_space<vmem_shared>>
      tpu.enqueue_dma source(%dma_start3A_124 : memref<640x32xf32, #tpu.memory_space<vmem_shared>>) target(%dma_start3A_122 : memref<640x32xf32, #tpu.memory_space<hbm>>) target_semaphore(%run_scoped3A : memref<!tpu.dma_semaphore, #tpu.memory_space<semaphore_mem>>)
      %dma_wait3A_125 = arith.constant 0 : i32
      %dma_wait3A_126 = tpu.memref_slice %arg5[%arg0, %mul3A_2, %dma_wait3A_125] : memref<2x10240x32xf32, #tpu.memory_space<hbm>> -> memref<1x640x32xf32, #tpu.memory_space<hbm>>
      %dma_wait3A_127 = tpu.memref_squeeze %dma_wait3A_126 : memref<1x640x32xf32, #tpu.memory_space<hbm>> -> memref<640x32xf32, #tpu.memory_space<hbm>>
      %dma_wait3A_128 = arith.constant 0 : i32
      %dma_wait3A_129 = tpu.memref_slice %arg12[%mul3A_2, %dma_wait3A_128] : memref<10240x32xf32, #tpu.memory_space<vmem_shared>> -> memref<640x32xf32, #tpu.memory_space<vmem_shared>>
      tpu.wait_dma2 semaphore(%run_scoped3A : memref<!tpu.dma_semaphore, #tpu.memory_space<semaphore_mem>>) src(%dma_wait3A_129 : memref<640x32xf32, #tpu.memory_space<vmem_shared>>) dst(%dma_wait3A_127 : memref<640x32xf32, #tpu.memory_space<hbm>>)
      tpu.yield
    }) : () -> ()
    return
  }
}

module attributes {stable_mosaic.version = 14 : i64} {
  func.func @_pack2_body(%arg0: i32, %arg1: i32, %arg2: memref<32x3200xf32, #tpu.memory_space<vmem>>, %arg3: memref<16x3200xf32, #tpu.memory_space<vmem>>, %arg4: memref<32x32xf32, #tpu.memory_space<vmem>>, %arg5: memref<16x32xf32, #tpu.memory_space<vmem>>, %arg6: memref<1x32xf32, #tpu.memory_space<vmem>>, %arg7: memref<3200x128xf32, #tpu.memory_space<vmem>>, %arg8: memref<3200x128xf32, #tpu.memory_space<vmem>>) attributes {dimension_semantics = [#tpu.dimension_semantics<arbitrary>, #tpu.dimension_semantics<arbitrary>], iteration_bounds = array<i64: 25, 4>, scalar_prefetch = 0 : i64, scratch_operands = 0 : i64, tpu.core_type = #tpu.core_type<tc>, window_params = [{transform_indices = @transform_0, window_bounds = array<i64: 32, 3200>}, {transform_indices = @transform_1, window_bounds = array<i64: 16, 3200>}, {pipeline_mode = #tpu.pipeline_mode<synchronous>, transform_indices = @transform_2, window_bounds = array<i64: 32, 32>}, {pipeline_mode = #tpu.pipeline_mode<synchronous>, transform_indices = @transform_3, window_bounds = array<i64: 16, 32>}, {pipeline_mode = #tpu.pipeline_mode<synchronous>, transform_indices = @transform_4, window_bounds = array<i64: 1, 32>}, {transform_indices = @transform_5, window_bounds = array<i64: 3200, 128>}, {transform_indices = @transform_6, window_bounds = array<i64: 3200, 128>}]} {
    %get3A = arith.constant 0 : index
    %get3A_0 = arith.constant 0 : index
    %get3A_1 = vector.load %arg2[%get3A, %get3A_0] : memref<32x3200xf32, #tpu.memory_space<vmem>>, vector<32x3200xf32>
    %get3A_2 = arith.constant 0 : index
    %get3A_3 = arith.constant 0 : index
    %get3A_4 = vector.load %arg4[%get3A_2, %get3A_3] : memref<32x32xf32, #tpu.memory_space<vmem>>, vector<32x32xf32>
    %dot_general3A = arith.constant dense<0.000000e+00> : vector<3200x32xf32>
    %dot_general3A_5 = tpu.matmul %get3A_1, %get3A_4, %dot_general3A {dimension_numbers = #tpu.dot_dimension_numbers<[0], [0], [1], [1], [0, 1, 1, 1], [], []>, transpose_lhs_hint = false} : vector<32x3200xf32>, vector<32x32xf32>, vector<3200x32xf32> -> vector<3200x32xf32>
    %get3A_6 = arith.constant 0 : index
    %get3A_7 = arith.constant 0 : index
    %get3A_8 = vector.load %arg3[%get3A_6, %get3A_7] : memref<16x3200xf32, #tpu.memory_space<vmem>>, vector<16x3200xf32>
    %get3A_9 = arith.constant 0 : index
    %get3A_10 = arith.constant 0 : index
    %get3A_11 = vector.load %arg5[%get3A_9, %get3A_10] : memref<16x32xf32, #tpu.memory_space<vmem>>, vector<16x32xf32>
    %dot_general3A_12 = arith.constant dense<0.000000e+00> : vector<3200x32xf32>
    %dot_general3A_13 = tpu.matmul %get3A_8, %get3A_11, %dot_general3A_12 {dimension_numbers = #tpu.dot_dimension_numbers<[0], [0], [1], [1], [0, 1, 1, 1], [], []>, transpose_lhs_hint = false} : vector<16x3200xf32>, vector<16x32xf32>, vector<3200x32xf32> -> vector<3200x32xf32>
    %get3A_14 = arith.constant 0 : index
    %get3A_15 = arith.constant 0 : index
    %get3A_16 = vector.load %arg6[%get3A_14, %get3A_15] : memref<1x32xf32, #tpu.memory_space<vmem>>, vector<1x32xf32>
    %add3A = vector.broadcast %get3A_16 : vector<1x32xf32> to vector<3200x32xf32>
    %add3A_17 = arith.addf %dot_general3A_13, %add3A : vector<3200x32xf32>
    %eq3A = arith.constant 0 : i32
    %eq3A_18 = arith.cmpi eq, %arg1, %eq3A : i32
    %convert_element_type3A = arith.extui %eq3A_18 : i1 to i32
    %cond3A = arith.constant 0 : i32
    %cond3A_19 = arith.cmpi ne, %convert_element_type3A, %cond3A : i32
    scf.if %cond3A_19 {
      %swap3A = arith.constant 0 : index
      %swap3A_35 = arith.constant 0 : index
      %swap3A_36 = vector.load %arg7[%swap3A, %swap3A_35] : memref<3200x128xf32, #tpu.memory_space<vmem>>, vector<3200x32xf32>
      tpu.vector_store %arg7[%swap3A, %swap3A_35], %dot_general3A_5 {strides = array<i32>} : memref<3200x128xf32, #tpu.memory_space<vmem>>, vector<3200x32xf32>,
      %swap3A_37 = arith.constant 0 : index
      %swap3A_38 = arith.constant 0 : index
      %swap3A_39 = vector.load %arg8[%swap3A_37, %swap3A_38] : memref<3200x128xf32, #tpu.memory_space<vmem>>, vector<3200x32xf32>
      tpu.vector_store %arg8[%swap3A_37, %swap3A_38], %add3A_17 {strides = array<i32>} : memref<3200x128xf32, #tpu.memory_space<vmem>>, vector<3200x32xf32>,
    } else {
    }
    %eq3A_20 = arith.constant 1 : i32
    %eq3A_21 = arith.cmpi eq, %arg1, %eq3A_20 : i32
    %convert_element_type3A_22 = arith.extui %eq3A_21 : i1 to i32
    %cond3A_23 = arith.constant 0 : i32
    %cond3A_24 = arith.cmpi ne, %convert_element_type3A_22, %cond3A_23 : i32
    scf.if %cond3A_24 {
      %swap3A = arith.constant 0 : index
      %swap3A_35 = arith.constant 32 : index
      %swap3A_36 = vector.load %arg7[%swap3A, %swap3A_35] : memref<3200x128xf32, #tpu.memory_space<vmem>>, vector<3200x32xf32>
      tpu.vector_store %arg7[%swap3A, %swap3A_35], %dot_general3A_5 {strides = array<i32>} : memref<3200x128xf32, #tpu.memory_space<vmem>>, vector<3200x32xf32>,
      %swap3A_37 = arith.constant 0 : index
      %swap3A_38 = arith.constant 32 : index
      %swap3A_39 = vector.load %arg8[%swap3A_37, %swap3A_38] : memref<3200x128xf32, #tpu.memory_space<vmem>>, vector<3200x32xf32>
      tpu.vector_store %arg8[%swap3A_37, %swap3A_38], %add3A_17 {strides = array<i32>} : memref<3200x128xf32, #tpu.memory_space<vmem>>, vector<3200x32xf32>,
    } else {
    }
    %eq3A_25 = arith.constant 2 : i32
    %eq3A_26 = arith.cmpi eq, %arg1, %eq3A_25 : i32
    %convert_element_type3A_27 = arith.extui %eq3A_26 : i1 to i32
    %cond3A_28 = arith.constant 0 : i32
    %cond3A_29 = arith.cmpi ne, %convert_element_type3A_27, %cond3A_28 : i32
    scf.if %cond3A_29 {
      %swap3A = arith.constant 0 : index
      %swap3A_35 = arith.constant 64 : index
      %swap3A_36 = vector.load %arg7[%swap3A, %swap3A_35] : memref<3200x128xf32, #tpu.memory_space<vmem>>, vector<3200x32xf32>
      tpu.vector_store %arg7[%swap3A, %swap3A_35], %dot_general3A_5 {strides = array<i32>} : memref<3200x128xf32, #tpu.memory_space<vmem>>, vector<3200x32xf32>,
      %swap3A_37 = arith.constant 0 : index
      %swap3A_38 = arith.constant 64 : index
      %swap3A_39 = vector.load %arg8[%swap3A_37, %swap3A_38] : memref<3200x128xf32, #tpu.memory_space<vmem>>, vector<3200x32xf32>
      tpu.vector_store %arg8[%swap3A_37, %swap3A_38], %add3A_17 {strides = array<i32>} : memref<3200x128xf32, #tpu.memory_space<vmem>>, vector<3200x32xf32>,
    } else {
    }
    %eq3A_30 = arith.constant 3 : i32
    %eq3A_31 = arith.cmpi eq, %arg1, %eq3A_30 : i32
    %convert_element_type3A_32 = arith.extui %eq3A_31 : i1 to i32
    %cond3A_33 = arith.constant 0 : i32
    %cond3A_34 = arith.cmpi ne, %convert_element_type3A_32, %cond3A_33 : i32
    scf.if %cond3A_34 {
      %swap3A = arith.constant 0 : index
      %swap3A_35 = arith.constant 96 : index
      %swap3A_36 = vector.load %arg7[%swap3A, %swap3A_35] : memref<3200x128xf32, #tpu.memory_space<vmem>>, vector<3200x32xf32>
      tpu.vector_store %arg7[%swap3A, %swap3A_35], %dot_general3A_5 {strides = array<i32>} : memref<3200x128xf32, #tpu.memory_space<vmem>>, vector<3200x32xf32>,
      %swap3A_37 = arith.constant 0 : index
      %swap3A_38 = arith.constant 96 : index
      %swap3A_39 = vector.load %arg8[%swap3A_37, %swap3A_38] : memref<3200x128xf32, #tpu.memory_space<vmem>>, vector<3200x32xf32>
      tpu.vector_store %arg8[%swap3A_37, %swap3A_38], %add3A_17 {strides = array<i32>} : memref<3200x128xf32, #tpu.memory_space<vmem>>, vector<3200x32xf32>,
    } else {
    }
    return
  }
  func.func @transform_0(%arg0: i32, %arg1: i32) -> (i32, i32) {
    %mul3A = arith.constant 25 : i32
    %mul3A_0 = arith.muli %arg1, %mul3A : i32
    %add3A = arith.addi %mul3A_0, %arg0 : i32
    %c0_i32 = arith.constant 0 : i32
    %c0_i32_1 = arith.constant 0 : i32
    return %c0_i32, %add3A : i32, i32
  }
  func.func @transform_1(%arg0: i32, %arg1: i32) -> (i32, i32) {
    %mul3A = arith.constant 25 : i32
    %mul3A_0 = arith.muli %arg1, %mul3A : i32
    %add3A = arith.addi %mul3A_0, %arg0 : i32
    %c0_i32 = arith.constant 0 : i32
    %c0_i32_1 = arith.constant 0 : i32
    return %c0_i32, %add3A : i32, i32
  }
  func.func @transform_2(%arg0: i32, %arg1: i32) -> (i32, i32) {
    %c0_i32 = arith.constant 0 : i32
    %c0_i32_0 = arith.constant 0 : i32
    %c0_i32_1 = arith.constant 0 : i32
    return %c0_i32, %c0_i32_0 : i32, i32
  }
  func.func @transform_3(%arg0: i32, %arg1: i32) -> (i32, i32) {
    %c0_i32 = arith.constant 0 : i32
    %c0_i32_0 = arith.constant 0 : i32
    %c0_i32_1 = arith.constant 0 : i32
    return %c0_i32, %c0_i32_0 : i32, i32
  }
  func.func @transform_4(%arg0: i32, %arg1: i32) -> (i32, i32) {
    %c0_i32 = arith.constant 0 : i32
    %c0_i32_0 = arith.constant 0 : i32
    %c0_i32_1 = arith.constant 0 : i32
    return %c0_i32, %c0_i32_0 : i32, i32
  }
  func.func @transform_5(%arg0: i32, %arg1: i32) -> (i32, i32) {
    %c0_i32 = arith.constant 0 : i32
    %c0_i32_0 = arith.constant 0 : i32
    return %arg0, %c0_i32 : i32, i32
  }
  func.func @transform_6(%arg0: i32, %arg1: i32) -> (i32, i32) {
    %c0_i32 = arith.constant 0 : i32
    %c0_i32_0 = arith.constant 0 : i32
    return %arg0, %c0_i32 : i32, i32
  }
}

module attributes {stable_mosaic.version = 14 : i64} {
  func.func @_t_body(%arg0: memref<10000x128xf32, #tpu.memory_space<vmem>>, %arg1: memref<2x10240x32xf32, #tpu.memory_space<vmem>>, %arg2: memref<128x32xf32, #tpu.memory_space<vmem>>, %arg3: memref<10000x32xf32, #tpu.memory_space<vmem>>) attributes {dimension_semantics = [], scalar_prefetch = 0 : i64, scratch_operands = 0 : i64, tpu.core_type = #tpu.core_type<tc>} {
    %get3A = arith.constant 0 : index
    %get3A_0 = arith.constant 0 : index
    %get3A_1 = arith.constant 0 : index
    %get3A_2 = vector.load %arg1[%get3A, %get3A_0, %get3A_1] : memref<2x10240x32xf32, #tpu.memory_space<vmem>>, vector<1x10240x32xf32>
    %get3A_3 = vector.shape_cast %get3A_2 : vector<1x10240x32xf32> to vector<10240x32xf32>
    %get3A_4 = arith.constant 1 : index
    %get3A_5 = arith.constant 0 : index
    %get3A_6 = arith.constant 0 : index
    %get3A_7 = vector.load %arg1[%get3A_4, %get3A_5, %get3A_6] : memref<2x10240x32xf32, #tpu.memory_space<vmem>>, vector<1x10240x32xf32>
    %get3A_8 = vector.shape_cast %get3A_7 : vector<1x10240x32xf32> to vector<10240x32xf32>
    %add3A = arith.addf %get3A_3, %get3A_8 : vector<10240x32xf32>
    %slice3A = vector.extract_strided_slice %add3A {offsets = [0, 0], sizes = [10000, 32], strides = [1, 1]} : vector<10240x32xf32> to vector<10000x32xf32>
    %get3A_9 = arith.constant 0 : index
    %get3A_10 = arith.constant 0 : index
    %get3A_11 = vector.load %arg0[%get3A_9, %get3A_10] : memref<10000x128xf32, #tpu.memory_space<vmem>>, vector<10000x128xf32>
    %get3A_12 = arith.constant 0 : index
    %get3A_13 = arith.constant 0 : index
    %get3A_14 = vector.load %arg2[%get3A_12, %get3A_13] : memref<128x32xf32, #tpu.memory_space<vmem>>, vector<128x32xf32>
    %dot_general3A = arith.constant dense<0.000000e+00> : vector<10000x32xf32>
    %dot_general3A_15 = tpu.matmul %get3A_11, %get3A_14, %dot_general3A {dimension_numbers = #tpu.dot_dimension_numbers<[1], [0], [0], [1], [0, 0, 1, 1], [], []>, transpose_lhs_hint = false} : vector<10000x128xf32>, vector<128x32xf32>, vector<10000x32xf32> -> vector<10000x32xf32>
    %add3A_16 = arith.addf %dot_general3A_15, %slice3A : vector<10000x32xf32>
    %swap3A = arith.constant 0 : index
    %swap3A_17 = arith.constant 0 : index
    %swap3A_18 = vector.load %arg3[%swap3A, %swap3A_17] : memref<10000x32xf32, #tpu.memory_space<vmem>>, vector<10000x32xf32>
    tpu.vector_store %arg3[%swap3A, %swap3A_17], %add3A_16 {strides = array<i32>} : memref<10000x32xf32, #tpu.memory_space<vmem>>, vector<10000x32xf32>,
    return
  }
}

module attributes {stable_mosaic.version = 14 : i64} {
  func.func @_h_body(%arg0: memref<10000x128xf32, #tpu.memory_space<vmem>>, %arg1: memref<2x10240x32xf32, #tpu.memory_space<vmem>>, %arg2: memref<128x128xf32, #tpu.memory_space<vmem>>, %arg3: memref<32x128xf32, #tpu.memory_space<vmem>>, %arg4: memref<1x128xf32, #tpu.memory_space<vmem>>, %arg5: memref<10000x128xf32, #tpu.memory_space<vmem>>) attributes {dimension_semantics = [], scalar_prefetch = 0 : i64, scratch_operands = 0 : i64, tpu.core_type = #tpu.core_type<tc>} {
    %get3A = arith.constant 0 : index
    %get3A_0 = arith.constant 0 : index
    %get3A_1 = arith.constant 0 : index
    %get3A_2 = vector.load %arg1[%get3A, %get3A_0, %get3A_1] : memref<2x10240x32xf32, #tpu.memory_space<vmem>>, vector<1x10240x32xf32>
    %get3A_3 = vector.shape_cast %get3A_2 : vector<1x10240x32xf32> to vector<10240x32xf32>
    %get3A_4 = arith.constant 1 : index
    %get3A_5 = arith.constant 0 : index
    %get3A_6 = arith.constant 0 : index
    %get3A_7 = vector.load %arg1[%get3A_4, %get3A_5, %get3A_6] : memref<2x10240x32xf32, #tpu.memory_space<vmem>>, vector<1x10240x32xf32>
    %get3A_8 = vector.shape_cast %get3A_7 : vector<1x10240x32xf32> to vector<10240x32xf32>
    %add3A = arith.addf %get3A_3, %get3A_8 : vector<10240x32xf32>
    %slice3A = vector.extract_strided_slice %add3A {offsets = [0, 0], sizes = [10000, 32], strides = [1, 1]} : vector<10240x32xf32> to vector<10000x32xf32>
    %get3A_9 = arith.constant 0 : index
    %get3A_10 = arith.constant 0 : index
    %get3A_11 = vector.load %arg0[%get3A_9, %get3A_10] : memref<10000x128xf32, #tpu.memory_space<vmem>>, vector<10000x128xf32>
    %get3A_12 = arith.constant 0 : index
    %get3A_13 = arith.constant 0 : index
    %get3A_14 = vector.load %arg2[%get3A_12, %get3A_13] : memref<128x128xf32, #tpu.memory_space<vmem>>, vector<128x128xf32>
    %dot_general3A = arith.constant dense<0.000000e+00> : vector<10000x128xf32>
    %dot_general3A_15 = tpu.matmul %get3A_11, %get3A_14, %dot_general3A {dimension_numbers = #tpu.dot_dimension_numbers<[1], [0], [0], [1], [0, 0, 1, 1], [], []>, transpose_lhs_hint = false} : vector<10000x128xf32>, vector<128x128xf32>, vector<10000x128xf32> -> vector<10000x128xf32>
    %get3A_16 = arith.constant 0 : index
    %get3A_17 = arith.constant 0 : index
    %get3A_18 = vector.load %arg3[%get3A_16, %get3A_17] : memref<32x128xf32, #tpu.memory_space<vmem>>, vector<32x128xf32>
    %dot_general3A_19 = arith.constant dense<0.000000e+00> : vector<10000x128xf32>
    %dot_general3A_20 = tpu.matmul %slice3A, %get3A_18, %dot_general3A_19 {dimension_numbers = #tpu.dot_dimension_numbers<[1], [0], [0], [1], [0, 0, 1, 1], [], []>, transpose_lhs_hint = false} : vector<10000x32xf32>, vector<32x128xf32>, vector<10000x128xf32> -> vector<10000x128xf32>
    %add3A_21 = arith.addf %dot_general3A_15, %dot_general3A_20 : vector<10000x128xf32>
    %get3A_22 = arith.constant 0 : index
    %get3A_23 = arith.constant 0 : index
    %get3A_24 = vector.load %arg4[%get3A_22, %get3A_23] : memref<1x128xf32, #tpu.memory_space<vmem>>, vector<1x128xf32>
    %add3A_25 = vector.broadcast %get3A_24 : vector<1x128xf32> to vector<10000x128xf32>
    %add3A_26 = arith.addf %add3A_21, %add3A_25 : vector<10000x128xf32>
    %max3A = arith.constant 0.000000e+00 : f32
    %max3A_27 = vector.broadcast %max3A : f32 to vector<10000x128xf32>
    %max3A_28 = arith.maximumf %add3A_26, %max3A_27 : vector<10000x128xf32>
    %swap3A = arith.constant 0 : index
    %swap3A_29 = arith.constant 0 : index
    %swap3A_30 = vector.load %arg5[%swap3A, %swap3A_29] : memref<10000x128xf32, #tpu.memory_space<vmem>>, vector<10000x128xf32>
    tpu.vector_store %arg5[%swap3A, %swap3A_29], %max3A_28 {strides = array<i32>} : memref<10000x128xf32, #tpu.memory_space<vmem>>, vector<10000x128xf32>,
    return
  }
}

</mosaic_0001>

<sc_bundles>
// kernel: kernel.10.cloned.1.call-start
scs
__scs_entry_jumppad:
0x0: {  	(pc) =	sbr.rel $0x88, $3  }
0x1: {  	(tag) =	ssettag $0x0;
	lr =	simm.s32 $0x1  }
0x2: {  	[smem:$0x3F96] =	sst lr;
	_ =	strace $0xD0000000  }
0x3: {  	_ = 	snop  }
0x4: {  	_ = 	snop  }
0x5: {  	_ = 	snop  }
0x6: {  	_ = 	snop  }
0x7: {  	_ = 	snop  }
__scs_overlays_trampoline_lowered:
0x8: {  	[smem:$0x3FA5] =	sst s0  }
0x9: {  	[smem:$0x3FA6] =	sst s1  }
0xa: {  	[smem:$0x3FA7] =	sst s2  }
0xb: {  	[smem:$0x3FA8] =	sst s3  }
0xc: {  	[smem:$0x3FA9] =	sst s4  }
0xd: {  	[smem:$0x3FAA] =	sst s5  }
0xe: {  	[smem:$0x3FAB] =	sst s6  }
0xf: {  	[smem:$0x3FAC] =	sst s7  }
0x10: {  	[smem:$0x3FAD] =	sst s8  }
0x11: {  	[smem:$0x3FAE] =	sst s9;
	s0 =	simm.s32 @!p0 $0x0  }
0x12: {  	s1 =	sld [smem:$0x3F94];
	s0 =	simm.s32 @p0 $0x1  }
0x13: {  	[smem:$0x3FAF] =	sst s0;
	s0 =	simm.s32 @!p1 $0x0  }
0x14: {  	s2 =	sld [smem:$0x3F93];
	s0 =	simm.s32 @p1 $0x1  }
0x15: {  	[smem:$0x3FB0] =	sst s0;
	s0 =	simm.s32 @!p2 $0x0  }
0x16: {  	s3 =	sld [smem:$0x3FDB];
	s0 =	simm.s32 @p2 $0x1  }
0x17: {  	s4 =	simm.s32 $0x1BF5;
	[smem:$0x3FB2] =	sst s0  }
0x18: {  	s0 =	sld [smem:$0x3F95];
	_ =	swait.ge [sflag:s4], $0x0  }
0x19: {  	s7 =	sld [smem:$0x3F96]  }
0x1a: {  	s8 =	sadd.s32 $0xFFFFE003, lr  }
0x1b: {  	s9 =	sadd.s32 $0xFFFFFEF7, lr;
	s5 =	simm.s32 $0xFFFFFFFF;
	p2 =	slt.u32 s8, $0xFFFFF086  }
0x1c: {  	p1 =	slt.u32 s9, $0xF7A;
	s5 =	simm.s32 @!p2 $0x0  }
0x1d: {  	s5 =	simm.s32 @p1 $0x1;
	p0 =	seq.s32 s7, s2  }
0x1e: {  	s7 =	smul.u32 @!p0 $0xF7A, s2;
	p2 =	seq.s32 @!p0 s5, $0x0  }
0x1f: {  	s9 =	smul.u32 $0xF7A, s1;
	s8 =	simm.s32 @!p0 $0x1BF5;
	p2 =	por !p2, p0  }
0x20: {  	[sflag:s8] =	ssyncset.s32 @!p0 $0xFFFFF086;
	s6 =	sadd.s32 @!p0 s3, s7;
	s7 =	simm.s32 @!p0 $0x108  }
0x21: {  	s3 =	sadd.s32 s3, s9;
	s6 =	sadd.s32 @!p0 $0x88, s6;
	s7 =	simm.s32 @p2 $0x1082  }
0x22: {  	[simem:s7], [sflag:s8] =	dma.local @!p0 [hbm:s6], $0xF7A  }
0x23: {  	s9 =	sor.u32 $0xD0000000, s2;
	s6 =	simm.s32 $0x108;
	_ =	swait.ge @!p0 [sflag:s8], $0x0  }
0x24: {  	s3 =	sadd.s32 $0x88, s3;
	s6 =	simm.s32 @!p1 $0x1082;
	[sflag:s4] =	ssyncset.s32 $0xFFFFF086  }
0x25: {  	[simem:s6], [sflag:s4] =	dma.local [hbm:s3], $0xF7A  }
0x26: {  	[smem:$0x3F96] =	sst s1;
	(tag) =	ssettag s2;
	_ =	strace s9  }
0x27: {  	s1 =	sld [smem:$0x3FA6]  }
0x28: {  	s2 =	sld [smem:$0x3FA7]  }
0x29: {  	s4 =	sld [smem:$0x3FA9]  }
0x2a: {  	p0 =	seq.s32 s5, $0x0;
	s5 =	sld [smem:$0x3FAA]  }
0x2b: {  	s6 =	sld [smem:$0x3FAB]  }
0x2c: {  	s7 =	sld [smem:$0x3FAC]  }
0x2d: {  	s3 =	simm.s32 $0x108;
	s8 =	sld [smem:$0x3FAD]  }
0x2e: {  	s3 =	simm.s32 @!p0 $0x1082;
	s9 =	sld [smem:$0x3FAE]  }
0x2f: {  	lr =	sadd.s32 s0, s3;
	s0 =	sld [smem:$0x3FA5]  }
0x30: {  	s3 =	sld [smem:$0x3FA8]  }
0x31: {  	[smem:$0x3FB1] =	sst s10  }
0x32: {  	s10 =	sld [smem:$0x3FAF];
	_ =	sdelay $0x3  }
0x33: {  	p0 =	seq.s32 s10, $0x1;
	s10 =	sld [smem:$0x3FB1];
	_ =	sdelay $0x3  }
0x34: {  	[smem:$0x3FB1] =	sst s10  }
0x35: {  	s10 =	sld [smem:$0x3FB0];
	_ =	sdelay $0x3  }
0x36: {  	p1 =	seq.s32 s10, $0x1;
	s10 =	sld [smem:$0x3FB1];
	_ =	sdelay $0x3  }
0x37: {  	[smem:$0x3FB1] =	sst s10  }
0x38: {  	s10 =	sld [smem:$0x3FB2]  }
0x39: {  	_ = 	snop;
	(pc) =	sbr.ind lr, $3  }
0x3a: {  	_ = 	snop  }
0x3b: {  	_ = 	snop  }
0x3c: {  	p2 =	seq.s32 s10, $0x1;
	s10 =	sld [smem:$0x3FB1]  }
0x3d: {  	_ =	shalt  }
0x3e: {  	_ =	shalt  }
0x3f: {  	_ =	shalt  }
0x40: {  	_ =	shalt  }
0x41: {  	_ =	shalt  }
0x42: {  	_ =	shalt  }
0x43: {  	_ =	shalt  }
0x44: {  	_ =	shalt  }
0x45: {  	_ =	shalt  }
0x46: {  	_ =	shalt  }
0x47: {  	_ =	shalt  }
0x48: {  	_ =	shalt  }
0x49: {  	_ =	shalt  }
0x4a: {  	_ =	shalt  }
0x4b: {  	_ =	shalt  }
0x4c: {  	_ =	shalt  }
0x4d: {  	_ =	shalt  }
0x4e: {  	_ =	shalt  }
0x4f: {  	_ =	shalt  }
0x50: {  	_ =	shalt  }
0x51: {  	_ =	shalt  }
0x52: {  	_ =	shalt  }
0x53: {  	_ =	shalt  }
0x54: {  	_ =	shalt  }
0x55: {  	_ =	shalt  }
0x56: {  	_ =	shalt  }
0x57: {  	_ =	shalt  }
0x58: {  	_ =	shalt  }
0x59: {  	_ =	shalt  }
0x5a: {  	_ =	shalt  }
0x5b: {  	_ =	shalt  }
0x5c: {  	_ =	shalt  }
0x5d: {  	_ =	shalt  }
0x5e: {  	_ =	shalt  }
0x5f: {  	_ =	shalt  }
0x60: {  	_ =	shalt  }
0x61: {  	_ =	shalt  }
0x62: {  	_ =	shalt  }
0x63: {  	_ =	shalt  }
0x64: {  	_ =	shalt  }
0x65: {  	_ =	shalt  }
0x66: {  	_ =	shalt  }
0x67: {  	_ =	shalt  }
0x68: {  	_ =	shalt  }
0x69: {  	_ =	shalt  }
0x6a: {  	_ =	shalt  }
0x6b: {  	_ =	shalt  }
0x6c: {  	_ =	shalt  }
0x6d: {  	_ =	shalt  }
0x6e: {  	_ =	shalt  }
0x6f: {  	_ =	shalt  }
0x70: {  	_ =	shalt  }
0x71: {  	_ =	shalt  }
0x72: {  	_ =	shalt  }
0x73: {  	_ =	shalt  }
0x74: {  	_ =	shalt  }
0x75: {  	_ =	shalt  }
0x76: {  	_ =	shalt  }
0x77: {  	_ =	shalt  }
0x78: {  	_ =	shalt  }
0x79: {  	_ =	shalt  }
0x7a: {  	_ =	shalt  }
0x7b: {  	_ =	shalt  }
0x7c: {  	_ =	shalt  }
0x7d: {  	_ =	shalt  }
0x7e: {  	_ =	shalt  }
0x7f: {  	_ =	shalt  }
0x80: {  	_ =	shalt  }
0x81: {  	_ =	shalt  }
0x82: {  	_ =	shalt  }
0x83: {  	_ =	shalt  }
0x84: {  	_ =	shalt  }
0x85: {  	_ =	shalt  }
0x86: {  	_ =	shalt  }
0x87: {  	_ =	shalt  }
.Lfunc_end0:
.L_simem_size_0:
called_computation.1_lowered:
.L_overlay_start_0:
0x88: {  	s2 =	sld [smem:$0x3FD9]  }
0x89: {  	s3 =	sld [smem:$0x3FFE];
	_ =	sdelay $0x1  }
0x8a: {  	s1 =	srdreg.scid  }
0x8b: {  	s0 =	sand.u32 $0x1, s1  }
0x8c: {  	s17 =	sshll.u32 s0, $0xA;
	s2 =	sadd.s32 s3, s2  }
0x8d: {  	s2 =	sadd.s32 s2, s17  }
0x8e: {  	[smem:$0x3FBD] =	sst s2  }
0x8f: {  	_ = 	snop  }
0x90: {  	s2 =	sld [smem:$0x3FD0];
	(tm) =	ssettm $0x1  }
0x91: {  	s18 =	sld [smem:$0x3FFB];
	_ =	sdelay $0x3  }
0x92: {  	_ =	strace s18  }
0x93: {  	s3 =	sld [smem:$0x3FFC];
	_ =	sdelay $0x3  }
0x94: {  	_ =	strace s3  }
0x95: {  	s3 =	sld [smem:$0x3FFD];
	_ =	sdelay $0x3  }
0x96: {  	_ =	strace s3  }
0x97: {  	_ =	strace $0x8FFFFFFF  }
0x98: {  	s19 =	sld [smem:$0x3FDB];
	_ =	sdelay $0x1  }
0x99: {  	s4 =	simm.s32 $_scs_section_size  }
0x9a: {  	s5 =	simm.s32 $_size__tile_overlayer_lowered;
	s6 =	simm.s32 $_tile_overlayer_lowered  }
0x9b: {  	s22 =	simm.s32 $0x1BFF;
	s21 =	sshll.u32 s6, $0x1;
	s3 =	sadd.s32 s4, s19  }
0x9c: {  	s7 =	simm.s32 $0x0;
	s20 =	sshll.u32 s5, $0x1;
	s5 =	sadd.s32 s21, s3  }
0x9d: {  	[timem:s7], [sflag:s22] =	dma.local [hbm:s5], s20  }
0x9e: {  	_ =	swait.ge [sflag:s22], s20  }
0x9f: {  	s4 =	ssub.s32 $0x0, s20;
	[sflag:s22] =	ssyncset.done $0x0  }
0xa0: {  	[sflag:s22] =	ssyncadd.s32 s4;
	_ =	sdelay $0x1  }
0xa1: {  	s23 =	simm.s32 $0x1B8B  }
0xa2: {  	_ =	swait.ge [sflag:s23], $0x1  }
0xa3: {  	[sflag:s23] =	ssyncset.done $0x0  }
0xa4: {  	s25 =	simm.s32 $0x1B8E;
	s24 =	sld [smem:$0x3FFE];
	[sflag:s23] =	ssyncadd.s32 $0xFFFFFFFF  }
0xa5: {  	s26 =	simm.s32 $execute0_lowered;
	[smem:$0x3FD2] =	sst s25  }
0xa6: {  	s5 =	sshll.u32 s26, $0x1;
	_ =	strace $0x80000049;
	[dreg:$0x1] =	wrdreg $0xFFFFFFFF  }
0xa7: {  	s28 =	simm.s32 $_size_execute0_lowered;
	s3 =	sadd.s32 s3, s5;
	[dreg:$0x0] =	wrdreg $0x0  }
0xa8: {  	s5 =	sshll.u32 s28, $0x1;
	[dreg:$0x2] =	wrdreg s3  }
0xa9: {  	[dreg:$0x3] =	wrdreg s5  }
0xaa: {  	[dreg:$0x4] =	wrdreg $0xC0  }
0xab: {  	_ =	task [dreg:s7], $0x5FFFF  }
0xac: {  	[dreg:$0x1] =	wrdreg $0xFFFFFFFF  }
0xad: {  	[dreg:$0x0] =	wrdreg $0x60  }
0xae: {  	[dreg:$0x2] =	wrdreg s24  }
0xaf: {  	[dreg:$0x3] =	wrdreg s2  }
0xb0: {  	[dreg:$0x4] =	wrdreg $0x63000  }
0xb1: {  	[dreg:$0x5] =	wrdreg $0x9  }
0xb2: {  	_ =	task.clear_ibuf [dreg:s7], $0x6FFFF;
	_ =	strace $0x90000049  }
0xb3: {  	s29 =	simm.s32 $0x9;
	_ =	strace $0x8000004B  }
0xb4: {  	_ =	swait.ge [sflag:s29], $0x1  }
0xb5: {  	[sflag:s29] =	ssyncadd.s32 $0xFFFFFFFF  }
0xb6: {  	_ =	strace $0x9000004B  }
0xb7: {  	_ =	sfence  }
0xb8: {  	s30 =	sld [smem:$0x0];
	_ =	sdelay $0x2  }
0xb9: {  	s31 =	sshll.u32 s1, $0xD;
	s1 =	sshrl.u32 s1, $0x2  }
0xba: {  	s3 =	sand.u32 $0x4000, s31;
	s1 =	sadd.s32 s1, s30  }
0xbb: {  	s0 =	sor.u32 s3, s0;
	s1 =	sshll.u32 s1, $0x11  }
0xbc: {  	s0 =	sor.u32 s1, s0  }
0xbd: {  	s0 =	sadd.s32 $0x8F2B, s0  }
0xbe: {  	[sflag:s0] =	ssyncadd.remote.s32 $0x1  }
0xbf: {  	_ =	sfence.sel $0xFFFF  }
0xc0: {  	[dreg:$0x0] =	wrdreg $0xFFFFFFFF;
	(pc) =	sbr.abs _section_cstart, $3  }
0xc1: {  	[dreg:$0x1] =	wrdreg $0xFFFFFFFF  }
0xc2: {  	_ =	task.clear_ibuf [dreg:s7], $0x2FFFF;
	_ =	strace $0x9FFFFFFF  }
0xc3: {  	(tm) =	ssettm $0x7FFFFFFF  }
tec
execute0_lowered:
.L_overlay_start_1:
0x0: {  	(tag) =	ssettag $0x1  }
0x1: {  	s0 =	rddreg [dreg:$0x0]  }
0x2: {  	s2 =	rddreg [dreg:$0x1]  }
0x3: {  	s1 =	rddreg [dreg:$0x2];
	s3 =	simm.s32 $0x0  }
0x4: {  	s15 =	stileid.u32;
	s5 =	srdreg.scid;
	s28 =	simm.s32 $0x20  }
0x5: {  	s29 =	simm.s32 $0x80;
	s31 =	simm.s32 $0x200;
	[smem:$0x7FF] =	sst s3  }
0x6: {  	s4 =	sadd.s32 $0x15C00, s0;
	s7 =	smul.u32 $0x5000, s15;
	s8 =	sand.u32 $0x1, s5  }
0x7: {  	s5 =	sadd.s32 $0x14E400, s0;
	s6 =	sadd.s32 $0x2200, s0;
	s12 =	sshll.u32 s15, $0x1  }
0x8: {  	s26 =	sshll.u32 s15, $0x6;
	p0 =	sgt.u32 s15, $0x1;
	s15 =	simm.s32 $0x6  }
0x9: {  	_ =	strace $0x8000004A;
	s9 =	ssub.s32 $0x2, s8;
	s24 =	sor.u32 s8, s12  }
0xa: {  	s16 =	sor.u32 $0x1C0A, s26;
	s8 =	smul.u32 $0x50000, s8;
	s10 =	sshrl.u32 s7, $0x3  }
0xb: {  	s11 =	sshrl.u32 s9, $0x1;
	s25 =	sadd.s32 s7, s1;
	s30 =	sshll.u32 s24, $0xB  }
0xc: {  	s13 =	sor.u32 $0x9C0, s24;
	s14 =	sshll.u32 s24, $0x4;
	s19 =	sor.u32 $0x20, s24  }
0xd: {  	[dreg:$0x6] =	wrdreg s16;
	s10 =	sadd.s32 s10, s0;
	s9 =	ssub.s32 s9, s11  }
0xe: {  	[dreg:$0x4] =	wrdreg s25;
	s18 =	smul.u32 $0x347, s13;
	s17 =	sadd.s32 s6, s14  }
0xf: {  	s12 =	sadd.s32 s5, s30;
	s20 =	sshll.u32 s19, $0x4;
	s23 =	sshll.u32 s13, $0x4  }
0x10: {  	s7 =	sadd.s32 s7, s8;
	s8 =	simm.s32 $0x4;
	[dreg:$0x7] =	wrdreg s17  }
0x11: {  	s11 =	simm.s32 $0x3300;
	s10 =	sadd.s32 $0x286C00, s10;
	[dreg:$0x9] =	wrdreg s12  }
0x12: {  	s21 =	sadd.s32 s6, s20;
	s17 =	sor.u32 $0x40, s24;
	s7 =	sshrl.u32 s7, $0x3  }
0x13: {  	s30 =	smax.u32 s9, $0x1;
	s9 =	simm.s32 $0x0;
	[dreg:$0x5] =	wrdreg s10  }
0x14: {  	s10 =	sadd.s32 $0xBE40, s0;
	s0 =	sshrl.u32 s18, $0x13;
	[dreg:$0xa] =	wrdreg s21  }
0x15: {  	s18 =	sor.u32 $0x60, s24;
	s26 =	sadd.s32 s2, s7;
	[dreg:$0x11] =	wrdreg s30  }
0x16: {  	s21 =	simm.s32 $0x280;
	s7 =	simm.s32 $0x2;
	s14 =	sadd.s32 s14, s10  }
0x17: {  	s0 =	smul.u32 $0x271, s0;
	s12 =	sadd.s32 s20, s10;
	[dreg:$0x10] =	wrdreg s26  }
0x18: {  	s25 =	sadd.s32 s23, s10;
	s26 =	simm.s32 $0x180;
	[dreg:$0x8] =	wrdreg s14  }
0x19: {  	s20 =	simm.s32 $0x100;
	s14 =	sshll.u32 s19, $0xB;
	[dreg:$0xb] =	wrdreg s12  }
0x1a: {  	s19 =	sor.u32 $0x80, s24;
	s24 =	sadd.s32 s6, s23;
	s0 =	ssub.s32 s13, s0  }
.Ltmp0:
0x1b: {  	[dreg:$0xe] =	wrdreg s25;
	s0 =	sand.u32 $0xFFFF, s0;
	(pc) =	sbr.rel .LBB2_1-.Ltmp0, $4  }
0x1c: {  	s12 =	simm.s32 $0x3;
	s22 =	sadd.s32 s5, s14;
	s0 =	sshll.u32 s0, $0xB  }
0x1d: {  	[dreg:$0xd] =	wrdreg s24;
	s14 =	simm.s32 $0xA;
	s0 =	sadd.s32 s0, s5  }
0x1e: {  	s13 =	simm.s32 $0x5;
	[dreg:$0xc] =	wrdreg s22;
	s0 =	sadd.s32 $0xC, s0  }
0x1f: {  	s22 =	simm.s32 $0x2300;
	[dreg:$0xf] =	wrdreg s0;
	s0 =	simm.s32 $0x1300  }
.LBB2_13:
0x20: {  	[bflag:$0x0] =	sbarrier.arrive $0xFFFF  }
0x21: {  	s2 =	rddreg [dreg:$0x10]  }
0x22: {  	s23 =	rddreg [dreg:$0x13]  }
0x23: {  	[hbm:s2], [sflag:s16] =	dma.local [spmem:s23], $0xA00  }
0x24: {  	_ =	swait.ge [sflag:s14], $0xA00  }
0x25: {  	s9 =	sadd.s32 $0x1, s9;
	s30 =	rddreg [dreg:$0x11]  }
0x26: {  	p1 =	sne.s32 s9, s30  }
.Ltmp1:
0x27: {  	_ = 	snop;
	(pc) =	sbr.rel @!p1 .LBB2_14-.Ltmp1, $3  }
0x28: {  	_ =	sdelay $0x1  }
0x29: {  	[sflag:s14] =	ssyncset.done $0x0  }
0x2a: {  	[sflag:s14] =	ssyncadd.s32 $0xFFFFF600  }
.LBB2_1:
0x2b: {  	[dreg:$0x12] =	wrdreg s9  }
0x2c: {  	s2 =	rddreg [dreg:$0x4]  }
0x2d: {  	s23 =	rddreg [dreg:$0x5];
	s2 =	sshrl.u32 s2, $0x3  }
0x2e: {  	[dreg:$0x13] =	wrdreg s2  }
0x2f: {  	[spmem:s2], [sflag:s16] =	dma.local [hbm:s23], $0xA00  }
0x30: {  	_ =	swait.ge [sflag:s14], $0xA00  }
0x31: {  	[sflag:s14] =	ssyncset.done $0x0  }
0x32: {  	[sflag:s14] =	ssyncadd.s32 $0xFFFFF600  }
0x33: {  	[bflag:$0x0] =	sbarrier.arrive $0xFFFF  }
0x34: {  	s24 =	rddreg [dreg:$0x7]  }
0x35: {  	[tilespmem:s3], [sflag:$0x1] =	stream.linear.gather [hbm4b:s24+s3], $0x80, $0x38;
	[tilespmem:$0xB300] =	vst v63  }
0x36: {  	s25 =	rddreg [dreg:$0x8]  }
0x37: {  	[tilespmem:s26], [sflag:$0x1] =	stream.linear.gather [hbm4b:s25+s3], $0x80, $0x38;
	[tilespmem:$0xB300] =	vst v63  }
0x38: {  	s14 =	simm.s32 $0x300;
	s9 =	rddreg [dreg:$0x9]  }
0x39: {  	[tilespmem:s14], [sflag:$0x1] =	stream.strided.gather [hbm4b:s9+s28], $0x1000, s29, s28, $0x38;
	[tilespmem:$0xB300] =	vst v63  }
0x3a: {  	s16 =	rddreg [dreg:$0xa]  }
0x3b: {  	[tilespmem:s29], [sflag:$0x2] =	stream.linear.gather [hbm4b:s16+s3], $0x80, $0x38;
	[tilespmem:$0xB300] =	vst v63  }
0x3c: {  	s23 =	rddreg [dreg:$0xb]  }
0x3d: {  	[tilespmem:s31], [sflag:$0x2] =	stream.linear.gather [hbm4b:s23+s3], $0x80, $0x38;
	[tilespmem:$0xB300] =	vst v63  }
0x3e: {  	s24 =	rddreg [dreg:$0xc];
	s25 =	simm.s32 $0x1  }
0x3f: {  	[tilespmem:s0], [sflag:$0x2] =	stream.strided.gather [hbm4b:s24+s28], $0x1000, s29, s28, $0x38;
	[tilespmem:$0xB300] =	vst v63  }
0x40: {  	_ =	swait.ge [sflag:s25], $0x80  }
0x41: {  	[sflag:s25] =	ssyncset.done $0x0  }
0x42: {  	[sflag:s25] =	ssyncadd.s32 $0xFFFFFF80  }
0x43: {  	_ =	swait.ge [sflag:s25], $0x80  }
0x44: {  	[sflag:s25] =	ssyncset.done $0x0  }
0x45: {  	[sflag:s25] =	ssyncadd.s32 $0xFFFFFF80  }
0x46: {  	_ =	swait.ge [sflag:s25], $0x1000  }
0x47: {  	[sflag:s25] =	ssyncset.done $0x0  }
0x48: {  	s30 =	simm.s32 $0x0;
	[sflag:s25] =	ssyncadd.s32 $0xFFFFF000  }
0x49: {  	[tilespmem:s14], [sflag:$0x4] =	stream.indirect.gather.add.f32 [hbm:s4], $0x20, s3, s29, $0xb8;
	[tilespmem:$0xB300] =	vst v63  }
.LBB2_2:
0x4a: {  	s9 =	smul.u32 $0x60, s30  }
0x4b: {  	p1 =	seq.s32 s30, $0x0  }
0x4c: {  	s2 =	simm.s32 @!p1 $0x9;
	s24 =	sadd.s32 s17, s9  }
0x4d: {  	_ =	swait.ge @!p1 [sflag:s2], $0x1000;
	s25 =	smulhi.u32 $0xD1B71759, s24  }
0x4e: {  	[sflag:s2] =	ssyncset.done @!p1 $0x0;
	s23 =	sshll.u32 s24, $0x4  }
0x4f: {  	[sflag:s2] =	ssyncadd.s32 @!p1 $0xFFFFF000;
	s14 =	sadd.s32 s6, s23;
	s2 =	sshrl.u32 s25, $0x9  }
0x50: {  	[tilespmem:s20], [sflag:$0x3] =	stream.linear.gather [hbm4b:s14+s3], $0x80, $0x38;
	[tilespmem:$0xB300] =	vst v63  }
0x51: {  	s23 =	sadd.s32 s23, s10;
	s16 =	smul.u32 $0x271, s2  }
0x52: {  	[tilespmem:s21], [sflag:$0x3] =	stream.linear.gather [hbm4b:s23+s3], $0x80, $0x38;
	[tilespmem:$0xB300] =	vst v63  }
0x53: {  	s2 =	sshll.u32 s2, $0x2;
	s24 =	ssub.s32 s24, s16  }
0x54: {  	s2 =	sadd.s32 s5, s2;
	s23 =	sshll.u32 s24, $0xB  }
0x55: {  	s2 =	sadd.s32 s23, s2  }
0x56: {  	[tilespmem:s22], [sflag:$0x3] =	stream.strided.gather [hbm4b:s2+s28], $0x1000, s29, s28, $0x38;
	[tilespmem:$0xB300] =	vst v63  }
0x57: {  	_ =	swait.ge [sflag:s7], $0x80  }
0x58: {  	[sflag:s7] =	ssyncset.done $0x0  }
0x59: {  	[sflag:s7] =	ssyncadd.s32 $0xFFFFFF80  }
0x5a: {  	_ =	swait.ge [sflag:s7], $0x80  }
0x5b: {  	[sflag:s7] =	ssyncset.done $0x0  }
0x5c: {  	[sflag:s7] =	ssyncadd.s32 $0xFFFFFF80  }
0x5d: {  	_ =	swait.ge [sflag:s7], $0x1000  }
0x5e: {  	[sflag:s7] =	ssyncset.done $0x0  }
0x5f: {  	[sflag:s7] =	ssyncadd.s32 $0xFFFFF000  }
0x60: {  	[tilespmem:s0], [sflag:$0x5] =	stream.indirect.gather.add.f32 [hbm:s4], $0x20, s29, s29, $0xb8;
	[tilespmem:$0xB300] =	vst v63  }
0x61: {  	_ =	swait.ge [sflag:s8], $0x1000  }
0x62: {  	[sflag:s8] =	ssyncset.done $0x0  }
0x63: {  	s25 =	simm.s32 $0x380;
	[sflag:s8] =	ssyncadd.s32 $0xFFFFF000  }
0x64: {  	v0 =	vld [tilespmem:s25+$0xFFFFFF80];
	_ =	sdelay $0x4  }
0x65: {  	s24 =	simm.s32 $0x3380;
	v0 =	vmax.f32 v0, $0.0e+00  }
0x66: {  	[tilespmem:s24+$0xFFFFFF80] =	vst v0  }
0x67: {  	v0 =	vld [tilespmem:s25+$0xFFFFFF90];
	_ =	sdelay $0x4  }
0x68: {  	v0 =	vmax.f32 v0, $0.0e+00  }
0x69: {  	[tilespmem:s24+$0xFFFFFF90] =	vst v0  }
0x6a: {  	v0 =	vld [tilespmem:s25+$0xFFFFFFA0];
	_ =	sdelay $0x4  }
0x6b: {  	v0 =	vmax.f32 v0, $0.0e+00  }
0x6c: {  	[tilespmem:s24+$0xFFFFFFA0] =	vst v0  }
0x6d: {  	v0 =	vld [tilespmem:s25+$0xFFFFFFB0];
	_ =	sdelay $0x4  }
0x6e: {  	v0 =	vmax.f32 v0, $0.0e+00  }
0x6f: {  	[tilespmem:s24+$0xFFFFFFB0] =	vst v0  }
0x70: {  	v0 =	vld [tilespmem:s25+$0xFFFFFFC0];
	_ =	sdelay $0x4  }
0x71: {  	v0 =	vmax.f32 v0, $0.0e+00  }
0x72: {  	[tilespmem:s24+$0xFFFFFFC0] =	vst v0  }
0x73: {  	v0 =	vld [tilespmem:s25+$0xFFFFFFD0];
	_ =	sdelay $0x4  }
0x74: {  	v0 =	vmax.f32 v0, $0.0e+00  }
0x75: {  	[tilespmem:s24+$0xFFFFFFD0] =	vst v0  }
0x76: {  	v0 =	vld [tilespmem:s25+$0xFFFFFFE0];
	_ =	sdelay $0x4  }
0x77: {  	v0 =	vmax.f32 v0, $0.0e+00  }
0x78: {  	[tilespmem:s24+$0xFFFFFFE0] =	vst v0  }
0x79: {  	v0 =	vld [tilespmem:s25+$0xFFFFFFF0];
	_ =	sdelay $0x4  }
0x7a: {  	v0 =	vmax.f32 v0, $0.0e+00  }
0x7b: {  	[tilespmem:s24+$0xFFFFFFF0] =	vst v0  }
0x7c: {  	v0 =	vld [tilespmem:s25+$0x0];
	_ =	sdelay $0x4  }
0x7d: {  	v0 =	vmax.f32 v0, $0.0e+00  }
0x7e: {  	[tilespmem:s24+$0x0] =	vst v0  }
0x7f: {  	v0 =	vld [tilespmem:s25+$0x10];
	_ =	sdelay $0x4  }
0x80: {  	v0 =	vmax.f32 v0, $0.0e+00  }
0x81: {  	[tilespmem:s24+$0x10] =	vst v0  }
0x82: {  	v0 =	vld [tilespmem:s25+$0x20];
	_ =	sdelay $0x4  }
0x83: {  	v0 =	vmax.f32 v0, $0.0e+00  }
0x84: {  	[tilespmem:s24+$0x20] =	vst v0  }
0x85: {  	v0 =	vld [tilespmem:s25+$0x30];
	_ =	sdelay $0x4  }
0x86: {  	v0 =	vmax.f32 v0, $0.0e+00  }
0x87: {  	[tilespmem:s24+$0x30] =	vst v0  }
0x88: {  	v0 =	vld [tilespmem:s25+$0x40];
	_ =	sdelay $0x4  }
0x89: {  	v0 =	vmax.f32 v0, $0.0e+00  }
0x8a: {  	[tilespmem:s24+$0x40] =	vst v0  }
0x8b: {  	v0 =	vld [tilespmem:s25+$0x50];
	_ =	sdelay $0x4  }
0x8c: {  	v0 =	vmax.f32 v0, $0.0e+00  }
0x8d: {  	[tilespmem:s24+$0x50] =	vst v0  }
0x8e: {  	v0 =	vld [tilespmem:s25+$0x60];
	_ =	sdelay $0x4  }
0x8f: {  	v0 =	vmax.f32 v0, $0.0e+00  }
0x90: {  	[tilespmem:s24+$0x60] =	vst v0  }
0x91: {  	v0 =	vld [tilespmem:s25+$0x70];
	_ =	sdelay $0x4  }
0x92: {  	v0 =	vmax.f32 v0, $0.0e+00  }
0x93: {  	s2 =	simm.s32 $0x0;
	s25 =	simm.s32 $0x480;
	[tilespmem:s24+$0x70] =	vst v0  }
.LBB2_3:
0x94: {  	v0 =	vld [tilespmem:s25+$0xFFFFFF80];
	s2 =	sadd.s32 $0x8, s2  }
0x95: {  	p1 =	slt.u32 s2, $0x78;
	_ =	sdelay $0x3  }
0x96: {  	s24 =	sadd.s32 $0x100, s24;
	v0 =	vmax.f32 v0, $0.0e+00  }
0x97: {  	[tilespmem:s24+$0xFFFFFF80] =	vst v0  }
0x98: {  	v0 =	vld [tilespmem:s25+$0xFFFFFF90];
	_ =	sdelay $0x4  }
0x99: {  	v0 =	vmax.f32 v0, $0.0e+00  }
0x9a: {  	[tilespmem:s24+$0xFFFFFF90] =	vst v0  }
0x9b: {  	v0 =	vld [tilespmem:s25+$0xFFFFFFA0];
	_ =	sdelay $0x4  }
0x9c: {  	v0 =	vmax.f32 v0, $0.0e+00  }
0x9d: {  	[tilespmem:s24+$0xFFFFFFA0] =	vst v0  }
0x9e: {  	v0 =	vld [tilespmem:s25+$0xFFFFFFB0];
	_ =	sdelay $0x4  }
0x9f: {  	v0 =	vmax.f32 v0, $0.0e+00  }
0xa0: {  	[tilespmem:s24+$0xFFFFFFB0] =	vst v0  }
0xa1: {  	v0 =	vld [tilespmem:s25+$0xFFFFFFC0];
	_ =	sdelay $0x4  }
0xa2: {  	v0 =	vmax.f32 v0, $0.0e+00  }
0xa3: {  	[tilespmem:s24+$0xFFFFFFC0] =	vst v0  }
0xa4: {  	v0 =	vld [tilespmem:s25+$0xFFFFFFD0];
	_ =	sdelay $0x4  }
0xa5: {  	v0 =	vmax.f32 v0, $0.0e+00  }
0xa6: {  	[tilespmem:s24+$0xFFFFFFD0] =	vst v0  }
0xa7: {  	v0 =	vld [tilespmem:s25+$0xFFFFFFE0];
	_ =	sdelay $0x4  }
0xa8: {  	v0 =	vmax.f32 v0, $0.0e+00  }
0xa9: {  	[tilespmem:s24+$0xFFFFFFE0] =	vst v0  }
0xaa: {  	v0 =	vld [tilespmem:s25+$0xFFFFFFF0];
	_ =	sdelay $0x4  }
0xab: {  	v0 =	vmax.f32 v0, $0.0e+00  }
0xac: {  	[tilespmem:s24+$0xFFFFFFF0] =	vst v0  }
0xad: {  	v0 =	vld [tilespmem:s25+$0x0];
	_ =	sdelay $0x4  }
0xae: {  	v0 =	vmax.f32 v0, $0.0e+00  }
0xaf: {  	[tilespmem:s24+$0x0] =	vst v0  }
0xb0: {  	v0 =	vld [tilespmem:s25+$0x10];
	_ =	sdelay $0x4  }
0xb1: {  	v0 =	vmax.f32 v0, $0.0e+00  }
0xb2: {  	[tilespmem:s24+$0x10] =	vst v0  }
0xb3: {  	v0 =	vld [tilespmem:s25+$0x20];
	_ =	sdelay $0x4  }
0xb4: {  	v0 =	vmax.f32 v0, $0.0e+00  }
0xb5: {  	[tilespmem:s24+$0x20] =	vst v0  }
0xb6: {  	v0 =	vld [tilespmem:s25+$0x30];
	_ =	sdelay $0x4  }
0xb7: {  	v0 =	vmax.f32 v0, $0.0e+00  }
0xb8: {  	[tilespmem:s24+$0x30] =	vst v0  }
0xb9: {  	v0 =	vld [tilespmem:s25+$0x40];
	_ =	sdelay $0x4  }
0xba: {  	v0 =	vmax.f32 v0, $0.0e+00  }
0xbb: {  	[tilespmem:s24+$0x40] =	vst v0  }
0xbc: {  	v0 =	vld [tilespmem:s25+$0x50];
	_ =	sdelay $0x4  }
0xbd: {  	v0 =	vmax.f32 v0, $0.0e+00  }
0xbe: {  	[tilespmem:s24+$0x50] =	vst v0  }
0xbf: {  	v0 =	vld [tilespmem:s25+$0x60];
	_ =	sdelay $0x4  }
0xc0: {  	v0 =	vmax.f32 v0, $0.0e+00  }
0xc1: {  	[tilespmem:s24+$0x60] =	vst v0  }
0xc2: {  	v0 =	vld [tilespmem:s25+$0x70];
	_ =	sdelay $0x1  }
.Ltmp2:
0xc3: {  	(pc) =	sbr.rel @p1 .LBB2_3-.Ltmp2, $3  }
0xc4: {  	_ =	sdelay $0x1  }
0xc5: {  	v0 =	vmax.f32 v0, $0.0e+00  }
0xc6: {  	s25 =	sadd.s32 $0x100, s25;
	[tilespmem:s24+$0x70] =	vst v0  }
0xc7: {  	[spmem:s1] =	stream.indirect.scatter.add.f32 [tilespmem:s11], [sflag:$0x7], $0x20, s26, s29, $0xb8;
	[tilespmem:$0xB300] =	vst v63  }
0xc8: {  	p1 =	seq.s32 s30, $0x19  }
0xc9: {  	s2 =	simm.s32 @!p1 $0x7  }
0xca: {  	s23 =	sadd.s32 @!p1 s18, s9;
	_ =	swait.ge @!p1 [sflag:s2], $0x1000  }
0xcb: {  	s24 =	smulhi.u32 @!p1 $0xD1B71759, s23;
	[sflag:s2] =	ssyncset.done @!p1 $0x0  }
0xcc: {  	[sflag:s2] =	ssyncadd.s32 @!p1 $0xFFFFF000;
	s2 =	sshll.u32 @!p1 s23, $0x4  }
0xcd: {  	s14 =	simm.s32 @!p1 $0x0;
	s24 =	sshrl.u32 @!p1 s24, $0x9;
	s25 =	sadd.s32 @!p1 s6, s2  }
0xce: {  	[tilespmem:s14], [sflag:$0x1] =	stream.linear.gather @!p1 [hbm4b:s25+s14], $0x80, $0x38;
	[tilespmem:$0xB300] =	vst v63  }
0xcf: {  	s16 =	simm.s32 @!p1 $0x180;
	s2 =	sadd.s32 @!p1 s2, s10;
	s25 =	smul.u32 @!p1 $0x271, s24  }
0xd0: {  	[tilespmem:s16], [sflag:$0x1] =	stream.linear.gather @!p1 [hbm4b:s2+s14], $0x80, $0x38;
	[tilespmem:$0xB300] =	vst v63  }
0xd1: {  	s2 =	ssub.s32 @!p1 s23, s25;
	s14 =	sshll.u32 @!p1 s24, $0x2  }
0xd2: {  	s16 =	simm.s32 @!p1 $0x80;
	s2 =	sshll.u32 @!p1 s2, $0xB;
	s14 =	sadd.s32 @!p1 s5, s14  }
0xd3: {  	s23 =	simm.s32 @!p1 $0x300;
	s2 =	sadd.s32 @!p1 s2, s14;
	s14 =	simm.s32 @!p1 $0x20  }
0xd4: {  	[tilespmem:s23], [sflag:$0x1] =	stream.strided.gather @!p1 [hbm4b:s2+s14], $0x1000, s16, s14, $0x38;
	[tilespmem:$0xB300] =	vst v63  }
0xd5: {  	_ =	swait.ge [sflag:s12], $0x80  }
0xd6: {  	[sflag:s12] =	ssyncset.done $0x0  }
0xd7: {  	[sflag:s12] =	ssyncadd.s32 $0xFFFFFF80  }
0xd8: {  	_ =	swait.ge [sflag:s12], $0x80  }
0xd9: {  	[sflag:s12] =	ssyncset.done $0x0  }
0xda: {  	[sflag:s12] =	ssyncadd.s32 $0xFFFFFF80  }
0xdb: {  	_ =	swait.ge [sflag:s12], $0x1000  }
0xdc: {  	[sflag:s12] =	ssyncset.done $0x0  }
0xdd: {  	[sflag:s12] =	ssyncadd.s32 $0xFFFFF000  }
0xde: {  	[tilespmem:s22], [sflag:$0x6] =	stream.indirect.gather.add.f32 [hbm:s4], $0x20, s20, s29, $0xb8;
	[tilespmem:$0xB300] =	vst v63  }
0xdf: {  	_ =	swait.ge [sflag:s13], $0x1000  }
0xe0: {  	[sflag:s13] =	ssyncset.done $0x0  }
0xe1: {  	s25 =	simm.s32 $0x1380;
	[sflag:s13] =	ssyncadd.s32 $0xFFFFF000  }
0xe2: {  	v0 =	vld [tilespmem:s25+$0xFFFFFF80];
	_ =	sdelay $0x4  }
0xe3: {  	s24 =	simm.s32 $0x4380;
	v0 =	vmax.f32 v0, $0.0e+00  }
0xe4: {  	[tilespmem:s24+$0xFFFFFF80] =	vst v0  }
0xe5: {  	v0 =	vld [tilespmem:s25+$0xFFFFFF90];
	_ =	sdelay $0x4  }
0xe6: {  	v0 =	vmax.f32 v0, $0.0e+00  }
0xe7: {  	[tilespmem:s24+$0xFFFFFF90] =	vst v0  }
0xe8: {  	v0 =	vld [tilespmem:s25+$0xFFFFFFA0];
	_ =	sdelay $0x4  }
0xe9: {  	v0 =	vmax.f32 v0, $0.0e+00  }
0xea: {  	[tilespmem:s24+$0xFFFFFFA0] =	vst v0  }
0xeb: {  	v0 =	vld [tilespmem:s25+$0xFFFFFFB0];
	_ =	sdelay $0x4  }
0xec: {  	v0 =	vmax.f32 v0, $0.0e+00  }
0xed: {  	[tilespmem:s24+$0xFFFFFFB0] =	vst v0  }
0xee: {  	v0 =	vld [tilespmem:s25+$0xFFFFFFC0];
	_ =	sdelay $0x4  }
0xef: {  	v0 =	vmax.f32 v0, $0.0e+00  }
0xf0: {  	[tilespmem:s24+$0xFFFFFFC0] =	vst v0  }
0xf1: {  	v0 =	vld [tilespmem:s25+$0xFFFFFFD0];
	_ =	sdelay $0x4  }
0xf2: {  	v0 =	vmax.f32 v0, $0.0e+00  }
0xf3: {  	[tilespmem:s24+$0xFFFFFFD0] =	vst v0  }
0xf4: {  	v0 =	vld [tilespmem:s25+$0xFFFFFFE0];
	_ =	sdelay $0x4  }
0xf5: {  	v0 =	vmax.f32 v0, $0.0e+00  }
0xf6: {  	[tilespmem:s24+$0xFFFFFFE0] =	vst v0  }
0xf7: {  	v0 =	vld [tilespmem:s25+$0xFFFFFFF0];
	_ =	sdelay $0x4  }
0xf8: {  	v0 =	vmax.f32 v0, $0.0e+00  }
0xf9: {  	[tilespmem:s24+$0xFFFFFFF0] =	vst v0  }
0xfa: {  	v0 =	vld [tilespmem:s25+$0x0];
	_ =	sdelay $0x4  }
0xfb: {  	v0 =	vmax.f32 v0, $0.0e+00  }
0xfc: {  	[tilespmem:s24+$0x0] =	vst v0  }
0xfd: {  	v0 =	vld [tilespmem:s25+$0x10];
	_ =	sdelay $0x4  }
0xfe: {  	v0 =	vmax.f32 v0, $0.0e+00  }
0xff: {  	[tilespmem:s24+$0x10] =	vst v0  }
0x100: {  	v0 =	vld [tilespmem:s25+$0x20];
	_ =	sdelay $0x4  }
0x101: {  	v0 =	vmax.f32 v0, $0.0e+00  }
0x102: {  	[tilespmem:s24+$0x20] =	vst v0  }
0x103: {  	v0 =	vld [tilespmem:s25+$0x30];
	_ =	sdelay $0x4  }
0x104: {  	v0 =	vmax.f32 v0, $0.0e+00  }
0x105: {  	[tilespmem:s24+$0x30] =	vst v0  }
0x106: {  	v0 =	vld [tilespmem:s25+$0x40];
	_ =	sdelay $0x4  }
0x107: {  	v0 =	vmax.f32 v0, $0.0e+00  }
0x108: {  	[tilespmem:s24+$0x40] =	vst v0  }
0x109: {  	v0 =	vld [tilespmem:s25+$0x50];
	_ =	sdelay $0x4  }
0x10a: {  	v0 =	vmax.f32 v0, $0.0e+00  }
0x10b: {  	[tilespmem:s24+$0x50] =	vst v0  }
0x10c: {  	v0 =	vld [tilespmem:s25+$0x60];
	_ =	sdelay $0x4  }
0x10d: {  	v0 =	vmax.f32 v0, $0.0e+00  }
0x10e: {  	[tilespmem:s24+$0x60] =	vst v0  }
0x10f: {  	v0 =	vld [tilespmem:s25+$0x70];
	_ =	sdelay $0x4  }
0x110: {  	v0 =	vmax.f32 v0, $0.0e+00  }
0x111: {  	s2 =	simm.s32 $0x0;
	s25 =	simm.s32 $0x1480;
	[tilespmem:s24+$0x70] =	vst v0  }
.LBB2_5:
0x112: {  	v0 =	vld [tilespmem:s25+$0xFFFFFF80];
	s2 =	sadd.s32 $0x8, s2  }
0x113: {  	p2 =	slt.u32 s2, $0x78;
	_ =	sdelay $0x3  }
0x114: {  	s24 =	sadd.s32 $0x100, s24;
	v0 =	vmax.f32 v0, $0.0e+00  }
0x115: {  	[tilespmem:s24+$0xFFFFFF80] =	vst v0  }
0x116: {  	v0 =	vld [tilespmem:s25+$0xFFFFFF90];
	_ =	sdelay $0x4  }
0x117: {  	v0 =	vmax.f32 v0, $0.0e+00  }
0x118: {  	[tilespmem:s24+$0xFFFFFF90] =	vst v0  }
0x119: {  	v0 =	vld [tilespmem:s25+$0xFFFFFFA0];
	_ =	sdelay $0x4  }
0x11a: {  	v0 =	vmax.f32 v0, $0.0e+00  }
0x11b: {  	[tilespmem:s24+$0xFFFFFFA0] =	vst v0  }
0x11c: {  	v0 =	vld [tilespmem:s25+$0xFFFFFFB0];
	_ =	sdelay $0x4  }
0x11d: {  	v0 =	vmax.f32 v0, $0.0e+00  }
0x11e: {  	[tilespmem:s24+$0xFFFFFFB0] =	vst v0  }
0x11f: {  	v0 =	vld [tilespmem:s25+$0xFFFFFFC0];
	_ =	sdelay $0x4  }
0x120: {  	v0 =	vmax.f32 v0, $0.0e+00  }
0x121: {  	[tilespmem:s24+$0xFFFFFFC0] =	vst v0  }
0x122: {  	v0 =	vld [tilespmem:s25+$0xFFFFFFD0];
	_ =	sdelay $0x4  }
0x123: {  	v0 =	vmax.f32 v0, $0.0e+00  }
0x124: {  	[tilespmem:s24+$0xFFFFFFD0] =	vst v0  }
0x125: {  	v0 =	vld [tilespmem:s25+$0xFFFFFFE0];
	_ =	sdelay $0x4  }
0x126: {  	v0 =	vmax.f32 v0, $0.0e+00  }
0x127: {  	[tilespmem:s24+$0xFFFFFFE0] =	vst v0  }
0x128: {  	v0 =	vld [tilespmem:s25+$0xFFFFFFF0];
	_ =	sdelay $0x4  }
0x129: {  	v0 =	vmax.f32 v0, $0.0e+00  }
0x12a: {  	[tilespmem:s24+$0xFFFFFFF0] =	vst v0  }
0x12b: {  	v0 =	vld [tilespmem:s25+$0x0];
	_ =	sdelay $0x4  }
0x12c: {  	v0 =	vmax.f32 v0, $0.0e+00  }
0x12d: {  	[tilespmem:s24+$0x0] =	vst v0  }
0x12e: {  	v0 =	vld [tilespmem:s25+$0x10];
	_ =	sdelay $0x4  }
0x12f: {  	v0 =	vmax.f32 v0, $0.0e+00  }
0x130: {  	[tilespmem:s24+$0x10] =	vst v0  }
0x131: {  	v0 =	vld [tilespmem:s25+$0x20];
	_ =	sdelay $0x4  }
0x132: {  	v0 =	vmax.f32 v0, $0.0e+00  }
0x133: {  	[tilespmem:s24+$0x20] =	vst v0  }
0x134: {  	v0 =	vld [tilespmem:s25+$0x30];
	_ =	sdelay $0x4  }
0x135: {  	v0 =	vmax.f32 v0, $0.0e+00  }
0x136: {  	[tilespmem:s24+$0x30] =	vst v0  }
0x137: {  	v0 =	vld [tilespmem:s25+$0x40];
	_ =	sdelay $0x4  }
0x138: {  	v0 =	vmax.f32 v0, $0.0e+00  }
0x139: {  	[tilespmem:s24+$0x40] =	vst v0  }
0x13a: {  	v0 =	vld [tilespmem:s25+$0x50];
	_ =	sdelay $0x4  }
0x13b: {  	v0 =	vmax.f32 v0, $0.0e+00  }
0x13c: {  	[tilespmem:s24+$0x50] =	vst v0  }
0x13d: {  	v0 =	vld [tilespmem:s25+$0x60];
	_ =	sdelay $0x4  }
0x13e: {  	v0 =	vmax.f32 v0, $0.0e+00  }
0x13f: {  	[tilespmem:s24+$0x60] =	vst v0  }
0x140: {  	v0 =	vld [tilespmem:s25+$0x70];
	_ =	sdelay $0x1  }
.Ltmp3:
0x141: {  	(pc) =	sbr.rel @p2 .LBB2_5-.Ltmp3, $3  }
0x142: {  	_ =	sdelay $0x1  }
0x143: {  	v0 =	vmax.f32 v0, $0.0e+00  }
0x144: {  	s25 =	sadd.s32 $0x100, s25;
	[tilespmem:s24+$0x70] =	vst v0  }
0x145: {  	s2 =	simm.s32 $0x4300  }
0x146: {  	[spmem:s1] =	stream.indirect.scatter.add.f32 [tilespmem:s2], [sflag:$0x8], $0x20, s31, s29, $0xb8;
	[tilespmem:$0xB300] =	vst v63  }
0x147: {  	s9 =	sadd.s32 @!p1 s19, s9;
	s2 =	simm.s32 @!p1 $0x8  }
0x148: {  	s14 =	smulhi.u32 @!p1 $0xD1B71759, s9;
	_ =	swait.ge @!p1 [sflag:s2], $0x1000  }
0x149: {  	[sflag:s2] =	ssyncset.done @!p1 $0x0  }
0x14a: {  	[sflag:s2] =	ssyncadd.s32 @!p1 $0xFFFFF000;
	s2 =	sshrl.u32 @!p1 s14, $0x9;
	s14 =	sshll.u32 @!p1 s9, $0x4  }
0x14b: {  	s23 =	simm.s32 @!p1 $0x0;
	s24 =	simm.s32 @!p1 $0x80;
	s16 =	sadd.s32 @!p1 s6, s14  }
0x14c: {  	[tilespmem:s24], [sflag:$0x2] =	stream.linear.gather @!p1 [hbm4b:s16+s23], $0x80, $0x38;
	[tilespmem:$0xB300] =	vst v63  }
0x14d: {  	s25 =	simm.s32 @!p1 $0x200;
	s14 =	sadd.s32 @!p1 s14, s10;
	s16 =	smul.u32 @!p1 $0x271, s2  }
0x14e: {  	[tilespmem:s25], [sflag:$0x2] =	stream.linear.gather @!p1 [hbm4b:s14+s23], $0x80, $0x38;
	[tilespmem:$0xB300] =	vst v63  }
0x14f: {  	s2 =	sshll.u32 @!p1 s2, $0x2;
	s9 =	ssub.s32 @!p1 s9, s16  }
0x150: {  	s2 =	sadd.s32 @!p1 s5, s2;
	s9 =	sshll.u32 @!p1 s9, $0xB  }
0x151: {  	s14 =	simm.s32 @!p1 $0x1300;
	s2 =	sadd.s32 @!p1 s9, s2;
	s9 =	simm.s32 @!p1 $0x20  }
0x152: {  	[tilespmem:s14], [sflag:$0x2] =	stream.strided.gather @!p1 [hbm4b:s2+s9], $0x1000, s24, s9, $0x38;
	[tilespmem:$0xB300] =	vst v63  }
0x153: {  	s2 =	simm.s32 @!p1 $0x1  }
0x154: {  	_ =	swait.ge @!p1 [sflag:s2], $0x80  }
0x155: {  	[sflag:s2] =	ssyncset.done @!p1 $0x0  }
0x156: {  	[sflag:s2] =	ssyncadd.s32 @!p1 $0xFFFFFF80  }
0x157: {  	_ =	swait.ge @!p1 [sflag:s2], $0x80  }
0x158: {  	[sflag:s2] =	ssyncset.done @!p1 $0x0  }
0x159: {  	[sflag:s2] =	ssyncadd.s32 @!p1 $0xFFFFFF80  }
0x15a: {  	_ =	swait.ge @!p1 [sflag:s2], $0x1000  }
0x15b: {  	[sflag:s2] =	ssyncset.done @!p1 $0x0  }
0x15c: {  	[sflag:s2] =	ssyncadd.s32 @!p1 $0xFFFFF000;
	s2 =	simm.s32 @!p1 $0x300  }
0x15d: {  	[tilespmem:s2], [sflag:$0x4] =	stream.indirect.gather.add.f32 @!p1 [hbm:s4], $0x20, s23, s24, $0xb8;
	[tilespmem:$0xB300] =	vst v63  }
0x15e: {  	_ =	swait.ge [sflag:s15], $0x1000  }
0x15f: {  	[sflag:s15] =	ssyncset.done $0x0  }
0x160: {  	s25 =	simm.s32 $0x2380;
	[sflag:s15] =	ssyncadd.s32 $0xFFFFF000  }
0x161: {  	v0 =	vld [tilespmem:s25+$0xFFFFFF80];
	_ =	sdelay $0x4  }
0x162: {  	s9 =	simm.s32 $0x5380;
	v0 =	vmax.f32 v0, $0.0e+00  }
0x163: {  	[tilespmem:s9+$0xFFFFFF80] =	vst v0  }
0x164: {  	v0 =	vld [tilespmem:s25+$0xFFFFFF90];
	_ =	sdelay $0x4  }
0x165: {  	v0 =	vmax.f32 v0, $0.0e+00  }
0x166: {  	[tilespmem:s9+$0xFFFFFF90] =	vst v0  }
0x167: {  	v0 =	vld [tilespmem:s25+$0xFFFFFFA0];
	_ =	sdelay $0x4  }
0x168: {  	v0 =	vmax.f32 v0, $0.0e+00  }
0x169: {  	[tilespmem:s9+$0xFFFFFFA0] =	vst v0  }
0x16a: {  	v0 =	vld [tilespmem:s25+$0xFFFFFFB0];
	_ =	sdelay $0x4  }
0x16b: {  	v0 =	vmax.f32 v0, $0.0e+00  }
0x16c: {  	[tilespmem:s9+$0xFFFFFFB0] =	vst v0  }
0x16d: {  	v0 =	vld [tilespmem:s25+$0xFFFFFFC0];
	_ =	sdelay $0x4  }
0x16e: {  	v0 =	vmax.f32 v0, $0.0e+00  }
0x16f: {  	[tilespmem:s9+$0xFFFFFFC0] =	vst v0  }
0x170: {  	v0 =	vld [tilespmem:s25+$0xFFFFFFD0];
	_ =	sdelay $0x4  }
0x171: {  	v0 =	vmax.f32 v0, $0.0e+00  }
0x172: {  	[tilespmem:s9+$0xFFFFFFD0] =	vst v0  }
0x173: {  	v0 =	vld [tilespmem:s25+$0xFFFFFFE0];
	_ =	sdelay $0x4  }
0x174: {  	v0 =	vmax.f32 v0, $0.0e+00  }
0x175: {  	[tilespmem:s9+$0xFFFFFFE0] =	vst v0  }
0x176: {  	v0 =	vld [tilespmem:s25+$0xFFFFFFF0];
	_ =	sdelay $0x4  }
0x177: {  	v0 =	vmax.f32 v0, $0.0e+00  }
0x178: {  	[tilespmem:s9+$0xFFFFFFF0] =	vst v0  }
0x179: {  	v0 =	vld [tilespmem:s25+$0x0];
	_ =	sdelay $0x4  }
0x17a: {  	v0 =	vmax.f32 v0, $0.0e+00  }
0x17b: {  	[tilespmem:s9+$0x0] =	vst v0  }
0x17c: {  	v0 =	vld [tilespmem:s25+$0x10];
	_ =	sdelay $0x4  }
0x17d: {  	v0 =	vmax.f32 v0, $0.0e+00  }
0x17e: {  	[tilespmem:s9+$0x10] =	vst v0  }
0x17f: {  	v0 =	vld [tilespmem:s25+$0x20];
	_ =	sdelay $0x4  }
0x180: {  	v0 =	vmax.f32 v0, $0.0e+00  }
0x181: {  	[tilespmem:s9+$0x20] =	vst v0  }
0x182: {  	v0 =	vld [tilespmem:s25+$0x30];
	_ =	sdelay $0x4  }
0x183: {  	v0 =	vmax.f32 v0, $0.0e+00  }
0x184: {  	[tilespmem:s9+$0x30] =	vst v0  }
0x185: {  	v0 =	vld [tilespmem:s25+$0x40];
	_ =	sdelay $0x4  }
0x186: {  	v0 =	vmax.f32 v0, $0.0e+00  }
0x187: {  	[tilespmem:s9+$0x40] =	vst v0  }
0x188: {  	v0 =	vld [tilespmem:s25+$0x50];
	_ =	sdelay $0x4  }
0x189: {  	v0 =	vmax.f32 v0, $0.0e+00  }
0x18a: {  	[tilespmem:s9+$0x50] =	vst v0  }
0x18b: {  	v0 =	vld [tilespmem:s25+$0x60];
	_ =	sdelay $0x4  }
0x18c: {  	v0 =	vmax.f32 v0, $0.0e+00  }
0x18d: {  	[tilespmem:s9+$0x60] =	vst v0  }
0x18e: {  	v0 =	vld [tilespmem:s25+$0x70];
	_ =	sdelay $0x4  }
0x18f: {  	v0 =	vmax.f32 v0, $0.0e+00  }
0x190: {  	s2 =	simm.s32 $0x0;
	s24 =	simm.s32 $0x2480;
	[tilespmem:s9+$0x70] =	vst v0  }
.LBB2_7:
0x191: {  	v0 =	vld [tilespmem:s24+$0xFFFFFF80];
	s2 =	sadd.s32 $0x8, s2  }
0x192: {  	p1 =	slt.u32 s2, $0x78;
	_ =	sdelay $0x3  }
0x193: {  	s9 =	sadd.s32 $0x100, s9;
	v0 =	vmax.f32 v0, $0.0e+00  }
0x194: {  	[tilespmem:s9+$0xFFFFFF80] =	vst v0  }
0x195: {  	v0 =	vld [tilespmem:s24+$0xFFFFFF90];
	_ =	sdelay $0x4  }
0x196: {  	v0 =	vmax.f32 v0, $0.0e+00  }
0x197: {  	[tilespmem:s9+$0xFFFFFF90] =	vst v0  }
0x198: {  	v0 =	vld [tilespmem:s24+$0xFFFFFFA0];
	_ =	sdelay $0x4  }
0x199: {  	v0 =	vmax.f32 v0, $0.0e+00  }
0x19a: {  	[tilespmem:s9+$0xFFFFFFA0] =	vst v0  }
0x19b: {  	v0 =	vld [tilespmem:s24+$0xFFFFFFB0];
	_ =	sdelay $0x4  }
0x19c: {  	v0 =	vmax.f32 v0, $0.0e+00  }
0x19d: {  	[tilespmem:s9+$0xFFFFFFB0] =	vst v0  }
0x19e: {  	v0 =	vld [tilespmem:s24+$0xFFFFFFC0];
	_ =	sdelay $0x4  }
0x19f: {  	v0 =	vmax.f32 v0, $0.0e+00  }
0x1a0: {  	[tilespmem:s9+$0xFFFFFFC0] =	vst v0  }
0x1a1: {  	v0 =	vld [tilespmem:s24+$0xFFFFFFD0];
	_ =	sdelay $0x4  }
0x1a2: {  	v0 =	vmax.f32 v0, $0.0e+00  }
0x1a3: {  	[tilespmem:s9+$0xFFFFFFD0] =	vst v0  }
0x1a4: {  	v0 =	vld [tilespmem:s24+$0xFFFFFFE0];
	_ =	sdelay $0x4  }
0x1a5: {  	v0 =	vmax.f32 v0, $0.0e+00  }
0x1a6: {  	[tilespmem:s9+$0xFFFFFFE0] =	vst v0  }
0x1a7: {  	v0 =	vld [tilespmem:s24+$0xFFFFFFF0];
	_ =	sdelay $0x4  }
0x1a8: {  	v0 =	vmax.f32 v0, $0.0e+00  }
0x1a9: {  	[tilespmem:s9+$0xFFFFFFF0] =	vst v0  }
0x1aa: {  	v0 =	vld [tilespmem:s24+$0x0];
	_ =	sdelay $0x4  }
0x1ab: {  	v0 =	vmax.f32 v0, $0.0e+00  }
0x1ac: {  	[tilespmem:s9+$0x0] =	vst v0  }
0x1ad: {  	v0 =	vld [tilespmem:s24+$0x10];
	_ =	sdelay $0x4  }
0x1ae: {  	v0 =	vmax.f32 v0, $0.0e+00  }
0x1af: {  	[tilespmem:s9+$0x10] =	vst v0  }
0x1b0: {  	v0 =	vld [tilespmem:s24+$0x20];
	_ =	sdelay $0x4  }
0x1b1: {  	v0 =	vmax.f32 v0, $0.0e+00  }
0x1b2: {  	[tilespmem:s9+$0x20] =	vst v0  }
0x1b3: {  	v0 =	vld [tilespmem:s24+$0x30];
	_ =	sdelay $0x4  }
0x1b4: {  	v0 =	vmax.f32 v0, $0.0e+00  }
0x1b5: {  	[tilespmem:s9+$0x30] =	vst v0  }
0x1b6: {  	v0 =	vld [tilespmem:s24+$0x40];
	_ =	sdelay $0x4  }
0x1b7: {  	v0 =	vmax.f32 v0, $0.0e+00  }
0x1b8: {  	[tilespmem:s9+$0x40] =	vst v0  }
0x1b9: {  	v0 =	vld [tilespmem:s24+$0x50];
	_ =	sdelay $0x4  }
0x1ba: {  	v0 =	vmax.f32 v0, $0.0e+00  }
0x1bb: {  	[tilespmem:s9+$0x50] =	vst v0  }
0x1bc: {  	v0 =	vld [tilespmem:s24+$0x60];
	_ =	sdelay $0x4  }
0x1bd: {  	v0 =	vmax.f32 v0, $0.0e+00  }
0x1be: {  	[tilespmem:s9+$0x60] =	vst v0  }
0x1bf: {  	v0 =	vld [tilespmem:s24+$0x70];
	_ =	sdelay $0x1  }
.Ltmp4:
0x1c0: {  	(pc) =	sbr.rel @p1 .LBB2_7-.Ltmp4, $3  }
0x1c1: {  	_ =	sdelay $0x1  }
0x1c2: {  	v0 =	vmax.f32 v0, $0.0e+00  }
0x1c3: {  	s24 =	sadd.s32 $0x100, s24;
	[tilespmem:s9+$0x70] =	vst v0  }
0x1c4: {  	s30 =	sadd.s32 $0x1, s30  }
0x1c5: {  	p1 =	sne.s32 s30, $0x1A  }
.Ltmp5:
0x1c6: {  	_ = 	snop;
	(pc) =	sbr.rel @p1 .LBB2_2-.Ltmp5, $3  }
0x1c7: {  	_ =	sdelay $0x1  }
0x1c8: {  	s2 =	simm.s32 $0x5300  }
0x1c9: {  	[spmem:s1] =	stream.indirect.scatter.add.f32 [tilespmem:s2], [sflag:$0x9], $0x20, s21, s29, $0xb8;
	[tilespmem:$0xB300] =	vst v63  }
0x1ca: {  	s2 =	simm.s32 $0x7  }
0x1cb: {  	_ =	swait.ge [sflag:s2], $0x1000  }
0x1cc: {  	[sflag:s2] =	ssyncset.done $0x0  }
0x1cd: {  	s25 =	simm.s32 $0x8;
	[sflag:s2] =	ssyncadd.s32 $0xFFFFF000  }
0x1ce: {  	_ =	swait.ge [sflag:s25], $0x1000  }
.Ltmp6:
0x1cf: {  	[sflag:s25] =	ssyncset.done $0x0;
	(pc) =	sbr.rel @p0 .LBB2_13-.Ltmp6, $4  }
0x1d0: {  	s30 =	simm.s32 $0x9;
	[sflag:s25] =	ssyncadd.s32 $0xFFFFF000  }
0x1d1: {  	_ =	swait.ge [sflag:s30], $0x1000  }
0x1d2: {  	[sflag:s30] =	ssyncset.done $0x0;
	s16 =	rddreg [dreg:$0x6]  }
0x1d3: {  	s14 =	simm.s32 $0xA;
	s9 =	rddreg [dreg:$0x12];
	[sflag:s30] =	ssyncadd.s32 $0xFFFFF000  }
0x1d4: {  	s2 =	rddreg [dreg:$0xd]  }
0x1d5: {  	[tilespmem:s3], [sflag:$0xA] =	stream.linear.gather [hbm4b:s2+s3], $0x80, $0x38;
	[tilespmem:$0xB300] =	vst v63  }
0x1d6: {  	_ =	swait.ge [sflag:s14], $0x80  }
0x1d7: {  	[sflag:s14] =	ssyncset.done $0x0  }
0x1d8: {  	s24 =	rddreg [dreg:$0xe];
	[sflag:s14] =	ssyncadd.s32 $0xFFFFFF80  }
0x1d9: {  	[tilespmem:s26], [sflag:$0xA] =	stream.linear.gather [hbm4b:s24+s3], $0x80, $0x38;
	[tilespmem:$0xB300] =	vst v63  }
0x1da: {  	_ =	swait.ge [sflag:s14], $0x80  }
0x1db: {  	[sflag:s14] =	ssyncset.done $0x0  }
0x1dc: {  	s9 =	simm.s32 $0x300;
	s25 =	rddreg [dreg:$0xf];
	[sflag:s14] =	ssyncadd.s32 $0xFFFFFF80  }
0x1dd: {  	[tilespmem:s9], [sflag:$0xA] =	stream.strided.gather [hbm4b:s25+s28], $0x1000, s29, s28, $0x38;
	[tilespmem:$0xB300] =	vst v63  }
0x1de: {  	_ =	swait.ge [sflag:s14], $0x1000  }
0x1df: {  	[sflag:s14] =	ssyncset.done $0x0  }
0x1e0: {  	[sflag:s14] =	ssyncadd.s32 $0xFFFFF000  }
0x1e1: {  	[tilespmem:s9], [sflag:$0x4] =	stream.indirect.gather.add.f32 [hbm:s4], $0x20, s3, s29, $0xb8;
	[tilespmem:$0xB300] =	vst v63  }
0x1e2: {  	_ =	swait.ge [sflag:s8], $0x1000  }
0x1e3: {  	[sflag:s8] =	ssyncset.done $0x0  }
0x1e4: {  	s30 =	simm.s32 $0x380;
	[sflag:s8] =	ssyncadd.s32 $0xFFFFF000  }
0x1e5: {  	v0 =	vld [tilespmem:s30+$0xFFFFFF80];
	_ =	sdelay $0x4  }
0x1e6: {  	s9 =	simm.s32 $0x3380;
	v0 =	vmax.f32 v0, $0.0e+00  }
0x1e7: {  	[tilespmem:s9+$0xFFFFFF80] =	vst v0  }
0x1e8: {  	v0 =	vld [tilespmem:s30+$0xFFFFFF90];
	_ =	sdelay $0x4  }
0x1e9: {  	v0 =	vmax.f32 v0, $0.0e+00  }
0x1ea: {  	[tilespmem:s9+$0xFFFFFF90] =	vst v0  }
0x1eb: {  	v0 =	vld [tilespmem:s30+$0xFFFFFFA0];
	_ =	sdelay $0x4  }
0x1ec: {  	v0 =	vmax.f32 v0, $0.0e+00  }
0x1ed: {  	[tilespmem:s9+$0xFFFFFFA0] =	vst v0  }
0x1ee: {  	v0 =	vld [tilespmem:s30+$0xFFFFFFB0];
	_ =	sdelay $0x4  }
0x1ef: {  	v0 =	vmax.f32 v0, $0.0e+00  }
0x1f0: {  	[tilespmem:s9+$0xFFFFFFB0] =	vst v0  }
0x1f1: {  	v0 =	vld [tilespmem:s30+$0xFFFFFFC0];
	_ =	sdelay $0x4  }
0x1f2: {  	v0 =	vmax.f32 v0, $0.0e+00  }
0x1f3: {  	[tilespmem:s9+$0xFFFFFFC0] =	vst v0  }
0x1f4: {  	v0 =	vld [tilespmem:s30+$0xFFFFFFD0];
	_ =	sdelay $0x4  }
0x1f5: {  	v0 =	vmax.f32 v0, $0.0e+00  }
0x1f6: {  	[tilespmem:s9+$0xFFFFFFD0] =	vst v0  }
0x1f7: {  	v0 =	vld [tilespmem:s30+$0xFFFFFFE0];
	_ =	sdelay $0x4  }
0x1f8: {  	v0 =	vmax.f32 v0, $0.0e+00  }
0x1f9: {  	[tilespmem:s9+$0xFFFFFFE0] =	vst v0  }
0x1fa: {  	v0 =	vld [tilespmem:s30+$0xFFFFFFF0];
	_ =	sdelay $0x4  }
0x1fb: {  	v0 =	vmax.f32 v0, $0.0e+00  }
0x1fc: {  	[tilespmem:s9+$0xFFFFFFF0] =	vst v0  }
0x1fd: {  	v0 =	vld [tilespmem:s30+$0x0];
	_ =	sdelay $0x4  }
0x1fe: {  	v0 =	vmax.f32 v0, $0.0e+00  }
0x1ff: {  	[tilespmem:s9+$0x0] =	vst v0  }
0x200: {  	v0 =	vld [tilespmem:s30+$0x10];
	_ =	sdelay $0x4  }
0x201: {  	v0 =	vmax.f32 v0, $0.0e+00  }
0x202: {  	[tilespmem:s9+$0x10] =	vst v0  }
0x203: {  	v0 =	vld [tilespmem:s30+$0x20];
	_ =	sdelay $0x4  }
0x204: {  	v0 =	vmax.f32 v0, $0.0e+00  }
0x205: {  	[tilespmem:s9+$0x20] =	vst v0  }
0x206: {  	v0 =	vld [tilespmem:s30+$0x30];
	_ =	sdelay $0x4  }
0x207: {  	v0 =	vmax.f32 v0, $0.0e+00  }
0x208: {  	[tilespmem:s9+$0x30] =	vst v0  }
0x209: {  	v0 =	vld [tilespmem:s30+$0x40];
	_ =	sdelay $0x4  }
0x20a: {  	v0 =	vmax.f32 v0, $0.0e+00  }
0x20b: {  	[tilespmem:s9+$0x40] =	vst v0  }
0x20c: {  	v0 =	vld [tilespmem:s30+$0x50];
	_ =	sdelay $0x4  }
0x20d: {  	v0 =	vmax.f32 v0, $0.0e+00  }
0x20e: {  	[tilespmem:s9+$0x50] =	vst v0  }
0x20f: {  	v0 =	vld [tilespmem:s30+$0x60];
	_ =	sdelay $0x4  }
0x210: {  	v0 =	vmax.f32 v0, $0.0e+00  }
0x211: {  	[tilespmem:s9+$0x60] =	vst v0  }
0x212: {  	v0 =	vld [tilespmem:s30+$0x70];
	_ =	sdelay $0x4  }
0x213: {  	v0 =	vmax.f32 v0, $0.0e+00  }
0x214: {  	s2 =	simm.s32 $0x0;
	s24 =	simm.s32 $0x480;
	[tilespmem:s9+$0x70] =	vst v0  }
.LBB2_11:
0x215: {  	v0 =	vld [tilespmem:s24+$0xFFFFFF80];
	s2 =	sadd.s32 $0x8, s2  }
0x216: {  	p1 =	slt.u32 s2, $0x78;
	_ =	sdelay $0x3  }
0x217: {  	s9 =	sadd.s32 $0x100, s9;
	v0 =	vmax.f32 v0, $0.0e+00  }
0x218: {  	[tilespmem:s9+$0xFFFFFF80] =	vst v0  }
0x219: {  	v0 =	vld [tilespmem:s24+$0xFFFFFF90];
	_ =	sdelay $0x4  }
0x21a: {  	v0 =	vmax.f32 v0, $0.0e+00  }
0x21b: {  	[tilespmem:s9+$0xFFFFFF90] =	vst v0  }
0x21c: {  	v0 =	vld [tilespmem:s24+$0xFFFFFFA0];
	_ =	sdelay $0x4  }
0x21d: {  	v0 =	vmax.f32 v0, $0.0e+00  }
0x21e: {  	[tilespmem:s9+$0xFFFFFFA0] =	vst v0  }
0x21f: {  	v0 =	vld [tilespmem:s24+$0xFFFFFFB0];
	_ =	sdelay $0x4  }
0x220: {  	v0 =	vmax.f32 v0, $0.0e+00  }
0x221: {  	[tilespmem:s9+$0xFFFFFFB0] =	vst v0  }
0x222: {  	v0 =	vld [tilespmem:s24+$0xFFFFFFC0];
	_ =	sdelay $0x4  }
0x223: {  	v0 =	vmax.f32 v0, $0.0e+00  }
0x224: {  	[tilespmem:s9+$0xFFFFFFC0] =	vst v0  }
0x225: {  	v0 =	vld [tilespmem:s24+$0xFFFFFFD0];
	_ =	sdelay $0x4  }
0x226: {  	v0 =	vmax.f32 v0, $0.0e+00  }
0x227: {  	[tilespmem:s9+$0xFFFFFFD0] =	vst v0  }
0x228: {  	v0 =	vld [tilespmem:s24+$0xFFFFFFE0];
	_ =	sdelay $0x4  }
0x229: {  	v0 =	vmax.f32 v0, $0.0e+00  }
0x22a: {  	[tilespmem:s9+$0xFFFFFFE0] =	vst v0  }
0x22b: {  	v0 =	vld [tilespmem:s24+$0xFFFFFFF0];
	_ =	sdelay $0x4  }
0x22c: {  	v0 =	vmax.f32 v0, $0.0e+00  }
0x22d: {  	[tilespmem:s9+$0xFFFFFFF0] =	vst v0  }
0x22e: {  	v0 =	vld [tilespmem:s24+$0x0];
	_ =	sdelay $0x4  }
0x22f: {  	v0 =	vmax.f32 v0, $0.0e+00  }
0x230: {  	[tilespmem:s9+$0x0] =	vst v0  }
0x231: {  	v0 =	vld [tilespmem:s24+$0x10];
	_ =	sdelay $0x4  }
0x232: {  	v0 =	vmax.f32 v0, $0.0e+00  }
0x233: {  	[tilespmem:s9+$0x10] =	vst v0  }
0x234: {  	v0 =	vld [tilespmem:s24+$0x20];
	_ =	sdelay $0x4  }
0x235: {  	v0 =	vmax.f32 v0, $0.0e+00  }
0x236: {  	[tilespmem:s9+$0x20] =	vst v0  }
0x237: {  	v0 =	vld [tilespmem:s24+$0x30];
	_ =	sdelay $0x4  }
0x238: {  	v0 =	vmax.f32 v0, $0.0e+00  }
0x239: {  	[tilespmem:s9+$0x30] =	vst v0  }
0x23a: {  	v0 =	vld [tilespmem:s24+$0x40];
	_ =	sdelay $0x4  }
0x23b: {  	v0 =	vmax.f32 v0, $0.0e+00  }
0x23c: {  	[tilespmem:s9+$0x40] =	vst v0  }
0x23d: {  	v0 =	vld [tilespmem:s24+$0x50];
	_ =	sdelay $0x4  }
0x23e: {  	v0 =	vmax.f32 v0, $0.0e+00  }
0x23f: {  	[tilespmem:s9+$0x50] =	vst v0  }
0x240: {  	v0 =	vld [tilespmem:s24+$0x60];
	_ =	sdelay $0x4  }
0x241: {  	v0 =	vmax.f32 v0, $0.0e+00  }
0x242: {  	[tilespmem:s9+$0x60] =	vst v0  }
0x243: {  	v0 =	vld [tilespmem:s24+$0x70];
	_ =	sdelay $0x1  }
.Ltmp7:
0x244: {  	(pc) =	sbr.rel @p1 .LBB2_11-.Ltmp7, $3  }
0x245: {  	_ =	sdelay $0x1  }
0x246: {  	v0 =	vmax.f32 v0, $0.0e+00  }
0x247: {  	s24 =	sadd.s32 $0x100, s24;
	[tilespmem:s9+$0x70] =	vst v0  }
.Ltmp8:
0x248: {  	(pc) =	sbr.rel .LBB2_13-.Ltmp8, $4  }
0x249: {  	[spmem:s1] =	stream.indirect.scatter.add.f32 [tilespmem:s11], [sflag:$0xA], $0x20, s26, s29, $0xb8;
	[tilespmem:$0xB300] =	vst v63  }
0x24a: {  	_ =	swait.ge [sflag:s14], $0x1000  }
0x24b: {  	[sflag:s14] =	ssyncset.done $0x0  }
0x24c: {  	s9 =	rddreg [dreg:$0x12];
	[sflag:s14] =	ssyncadd.s32 $0xFFFFF000  }
.LBB2_14:
0x24d: {  	_ =	sfence.sel $0x180000  }
0x24e: {  	[bflag:$0x0] =	sbarrier.arrive $0xFFFF  }
0x24f: {  	_ =	strace $0x9000004A  }
0x250: {  	s0 =	stileid.u32;
	[bflag:$0x2] =	sbarrier.arrive $0xFFFF  }
0x251: {  	p0 =	sne.s32 s0, $0x0;
	s0 =	rddreg [dreg:$0x3]  }
0x252: {  	s0 =	sadd.s32 @!p0 $0x100000, s0  }
0x253: {  	[sflag:s0] =	ssyncadd.tile.s32 @!p0 $0x1;
	_ =	shalt  }
.Lfunc_end2:
_tile_overlayer_lowered:
.L_overlay_start_2:
0x254: {  	(tag) =	ssettag $0x2  }
0x255: {  	s0 =	rddreg [dreg:$0x0];
	s2 =	stileid.u32  }
0x256: {  	s1 =	rddreg [dreg:$0x1];
	p0 =	sne.s32 s2, $0x0  }
0x257: {  	s3 =	rddreg [dreg:$0x2];
	[bflag:$0x3] =	sbarrier.arrive $0xFFFF;
	s2 =	simm.s32 @!p0 $0x1C0A  }
0x258: {  	[timem:s3], [sflag:s2] =	dma.local @!p0 [hbm:s0], s1  }
0x259: {  	s0 =	simm.s32 @!p0 $0xA  }
0x25a: {  	_ =	swait.ge @!p0 [sflag:s0], s1  }
0x25b: {  	s1 =	ssub.s32 @!p0 $0x0, s1;
	[sflag:s0] =	ssyncset.done @!p0 $0x0  }
0x25c: {  	[sflag:s0] =	ssyncadd.s32 @!p0 s1  }
0x25d: {  	[bflag:$0x3] =	sbarrier.arrive $0xFFFF  }
0x25e: {  	_ =	shalt  }

// kernel: kernel.7.cloned.1.call-start
scs
__scs_entry_jumppad:
0x0: {  	(pc) =	sbr.rel $0x88, $3  }
0x1: {  	(tag) =	ssettag $0x0;
	lr =	simm.s32 $0x1  }
0x2: {  	[smem:$0x3F96] =	sst lr;
	_ =	strace $0xD0000000  }
0x3: {  	_ = 	snop  }
0x4: {  	_ = 	snop  }
0x5: {  	_ = 	snop  }
0x6: {  	_ = 	snop  }
0x7: {  	_ = 	snop  }
__scs_overlays_trampoline_lowered:
0x8: {  	[smem:$0x3FA5] =	sst s0  }
0x9: {  	[smem:$0x3FA6] =	sst s1  }
0xa: {  	[smem:$0x3FA7] =	sst s2  }
0xb: {  	[smem:$0x3FA8] =	sst s3  }
0xc: {  	[smem:$0x3FA9] =	sst s4  }
0xd: {  	[smem:$0x3FAA] =	sst s5  }
0xe: {  	[smem:$0x3FAB] =	sst s6  }
0xf: {  	[smem:$0x3FAC] =	sst s7  }
0x10: {  	[smem:$0x3FAD] =	sst s8  }
0x11: {  	[smem:$0x3FAE] =	sst s9;
	s0 =	simm.s32 @!p0 $0x0  }
0x12: {  	s1 =	sld [smem:$0x3F94];
	s0 =	simm.s32 @p0 $0x1  }
0x13: {  	[smem:$0x3FAF] =	sst s0;
	s0 =	simm.s32 @!p1 $0x0  }
0x14: {  	s2 =	sld [smem:$0x3F93];
	s0 =	simm.s32 @p1 $0x1  }
0x15: {  	[smem:$0x3FB0] =	sst s0;
	s0 =	simm.s32 @!p2 $0x0  }
0x16: {  	s3 =	sld [smem:$0x3FDB];
	s0 =	simm.s32 @p2 $0x1  }
0x17: {  	s4 =	simm.s32 $0x1BF5;
	[smem:$0x3FB2] =	sst s0  }
0x18: {  	s0 =	sld [smem:$0x3F95];
	_ =	swait.ge [sflag:s4], $0x0  }
0x19: {  	s7 =	sld [smem:$0x3F96]  }
0x1a: {  	s8 =	sadd.s32 $0xFFFFE003, lr  }
0x1b: {  	s9 =	sadd.s32 $0xFFFFFEF7, lr;
	s5 =	simm.s32 $0xFFFFFFFF;
	p2 =	slt.u32 s8, $0xFFFFF086  }
0x1c: {  	p1 =	slt.u32 s9, $0xF7A;
	s5 =	simm.s32 @!p2 $0x0  }
0x1d: {  	s5 =	simm.s32 @p1 $0x1;
	p0 =	seq.s32 s7, s2  }
0x1e: {  	s7 =	smul.u32 @!p0 $0xF7A, s2;
	p2 =	seq.s32 @!p0 s5, $0x0  }
0x1f: {  	s9 =	smul.u32 $0xF7A, s1;
	s8 =	simm.s32 @!p0 $0x1BF5;
	p2 =	por !p2, p0  }
0x20: {  	[sflag:s8] =	ssyncset.s32 @!p0 $0xFFFFF086;
	s6 =	sadd.s32 @!p0 s3, s7;
	s7 =	simm.s32 @!p0 $0x108  }
0x21: {  	s3 =	sadd.s32 s3, s9;
	s6 =	sadd.s32 @!p0 $0x88, s6;
	s7 =	simm.s32 @p2 $0x1082  }
0x22: {  	[simem:s7], [sflag:s8] =	dma.local @!p0 [hbm:s6], $0xF7A  }
0x23: {  	s9 =	sor.u32 $0xD0000000, s2;
	s6 =	simm.s32 $0x108;
	_ =	swait.ge @!p0 [sflag:s8], $0x0  }
0x24: {  	s3 =	sadd.s32 $0x88, s3;
	s6 =	simm.s32 @!p1 $0x1082;
	[sflag:s4] =	ssyncset.s32 $0xFFFFF086  }
0x25: {  	[simem:s6], [sflag:s4] =	dma.local [hbm:s3], $0xF7A  }
0x26: {  	[smem:$0x3F96] =	sst s1;
	(tag) =	ssettag s2;
	_ =	strace s9  }
0x27: {  	s1 =	sld [smem:$0x3FA6]  }
0x28: {  	s2 =	sld [smem:$0x3FA7]  }
0x29: {  	s4 =	sld [smem:$0x3FA9]  }
0x2a: {  	p0 =	seq.s32 s5, $0x0;
	s5 =	sld [smem:$0x3FAA]  }
0x2b: {  	s6 =	sld [smem:$0x3FAB]  }
0x2c: {  	s7 =	sld [smem:$0x3FAC]  }
0x2d: {  	s3 =	simm.s32 $0x108;
	s8 =	sld [smem:$0x3FAD]  }
0x2e: {  	s3 =	simm.s32 @!p0 $0x1082;
	s9 =	sld [smem:$0x3FAE]  }
0x2f: {  	lr =	sadd.s32 s0, s3;
	s0 =	sld [smem:$0x3FA5]  }
0x30: {  	s3 =	sld [smem:$0x3FA8]  }
0x31: {  	[smem:$0x3FB1] =	sst s10  }
0x32: {  	s10 =	sld [smem:$0x3FAF];
	_ =	sdelay $0x3  }
0x33: {  	p0 =	seq.s32 s10, $0x1;
	s10 =	sld [smem:$0x3FB1];
	_ =	sdelay $0x3  }
0x34: {  	[smem:$0x3FB1] =	sst s10  }
0x35: {  	s10 =	sld [smem:$0x3FB0];
	_ =	sdelay $0x3  }
0x36: {  	p1 =	seq.s32 s10, $0x1;
	s10 =	sld [smem:$0x3FB1];
	_ =	sdelay $0x3  }
0x37: {  	[smem:$0x3FB1] =	sst s10  }
0x38: {  	s10 =	sld [smem:$0x3FB2]  }
0x39: {  	_ = 	snop;
	(pc) =	sbr.ind lr, $3  }
0x3a: {  	_ = 	snop  }
0x3b: {  	_ = 	snop  }
0x3c: {  	p2 =	seq.s32 s10, $0x1;
	s10 =	sld [smem:$0x3FB1]  }
0x3d: {  	_ =	shalt  }
0x3e: {  	_ =	shalt  }
0x3f: {  	_ =	shalt  }
0x40: {  	_ =	shalt  }
0x41: {  	_ =	shalt  }
0x42: {  	_ =	shalt  }
0x43: {  	_ =	shalt  }
0x44: {  	_ =	shalt  }
0x45: {  	_ =	shalt  }
0x46: {  	_ =	shalt  }
0x47: {  	_ =	shalt  }
0x48: {  	_ =	shalt  }
0x49: {  	_ =	shalt  }
0x4a: {  	_ =	shalt  }
0x4b: {  	_ =	shalt  }
0x4c: {  	_ =	shalt  }
0x4d: {  	_ =	shalt  }
0x4e: {  	_ =	shalt  }
0x4f: {  	_ =	shalt  }
0x50: {  	_ =	shalt  }
0x51: {  	_ =	shalt  }
0x52: {  	_ =	shalt  }
0x53: {  	_ =	shalt  }
0x54: {  	_ =	shalt  }
0x55: {  	_ =	shalt  }
0x56: {  	_ =	shalt  }
0x57: {  	_ =	shalt  }
0x58: {  	_ =	shalt  }
0x59: {  	_ =	shalt  }
0x5a: {  	_ =	shalt  }
0x5b: {  	_ =	shalt  }
0x5c: {  	_ =	shalt  }
0x5d: {  	_ =	shalt  }
0x5e: {  	_ =	shalt  }
0x5f: {  	_ =	shalt  }
0x60: {  	_ =	shalt  }
0x61: {  	_ =	shalt  }
0x62: {  	_ =	shalt  }
0x63: {  	_ =	shalt  }
0x64: {  	_ =	shalt  }
0x65: {  	_ =	shalt  }
0x66: {  	_ =	shalt  }
0x67: {  	_ =	shalt  }
0x68: {  	_ =	shalt  }
0x69: {  	_ =	shalt  }
0x6a: {  	_ =	shalt  }
0x6b: {  	_ =	shalt  }
0x6c: {  	_ =	shalt  }
0x6d: {  	_ =	shalt  }
0x6e: {  	_ =	shalt  }
0x6f: {  	_ =	shalt  }
0x70: {  	_ =	shalt  }
0x71: {  	_ =	shalt  }
0x72: {  	_ =	shalt  }
0x73: {  	_ =	shalt  }
0x74: {  	_ =	shalt  }
0x75: {  	_ =	shalt  }
0x76: {  	_ =	shalt  }
0x77: {  	_ =	shalt  }
0x78: {  	_ =	shalt  }
0x79: {  	_ =	shalt  }
0x7a: {  	_ =	shalt  }
0x7b: {  	_ =	shalt  }
0x7c: {  	_ =	shalt  }
0x7d: {  	_ =	shalt  }
0x7e: {  	_ =	shalt  }
0x7f: {  	_ =	shalt  }
0x80: {  	_ =	shalt  }
0x81: {  	_ =	shalt  }
0x82: {  	_ =	shalt  }
0x83: {  	_ =	shalt  }
0x84: {  	_ =	shalt  }
0x85: {  	_ =	shalt  }
0x86: {  	_ =	shalt  }
0x87: {  	_ =	shalt  }
.Lfunc_end0:
.L_simem_size_0:
called_computation_lowered:
.L_overlay_start_0:
0x88: {  	s2 =	sld [smem:$0x3FD9]  }
0x89: {  	s3 =	sld [smem:$0x3FFE];
	_ =	sdelay $0x1  }
0x8a: {  	s1 =	srdreg.scid  }
0x8b: {  	s0 =	sand.u32 $0x1, s1  }
0x8c: {  	s17 =	sshll.u32 s0, $0xA;
	s2 =	sadd.s32 s3, s2  }
0x8d: {  	s2 =	sadd.s32 s2, s17  }
0x8e: {  	[smem:$0x3FBD] =	sst s2  }
0x8f: {  	_ = 	snop  }
0x90: {  	s2 =	sld [smem:$0x3FD0];
	(tm) =	ssettm $0x1  }
0x91: {  	s18 =	sld [smem:$0x3FFB];
	_ =	sdelay $0x3  }
0x92: {  	_ =	strace s18  }
0x93: {  	s3 =	sld [smem:$0x3FFC];
	_ =	sdelay $0x3  }
0x94: {  	_ =	strace s3  }
0x95: {  	s3 =	sld [smem:$0x3FFD];
	_ =	sdelay $0x3  }
0x96: {  	_ =	strace s3  }
0x97: {  	_ =	strace $0x8FFFFFFF  }
0x98: {  	s19 =	sld [smem:$0x3FDB];
	_ =	sdelay $0x1  }
0x99: {  	s4 =	simm.s32 $_scs_section_size  }
0x9a: {  	s5 =	simm.s32 $_size__tile_overlayer_lowered;
	s6 =	simm.s32 $_tile_overlayer_lowered  }
0x9b: {  	s22 =	simm.s32 $0x1BFF;
	s21 =	sshll.u32 s6, $0x1;
	s3 =	sadd.s32 s4, s19  }
0x9c: {  	s7 =	simm.s32 $0x0;
	s20 =	sshll.u32 s5, $0x1;
	s5 =	sadd.s32 s21, s3  }
0x9d: {  	[timem:s7], [sflag:s22] =	dma.local [hbm:s5], s20  }
0x9e: {  	_ =	swait.ge [sflag:s22], s20  }
0x9f: {  	s4 =	ssub.s32 $0x0, s20;
	[sflag:s22] =	ssyncset.done $0x0  }
0xa0: {  	[sflag:s22] =	ssyncadd.s32 s4;
	_ =	sdelay $0x1  }
0xa1: {  	s23 =	simm.s32 $0x1B8B  }
0xa2: {  	_ =	swait.ge [sflag:s23], $0x1  }
0xa3: {  	[sflag:s23] =	ssyncset.done $0x0  }
0xa4: {  	s25 =	simm.s32 $0x1B8E;
	s24 =	sld [smem:$0x3FFE];
	[sflag:s23] =	ssyncadd.s32 $0xFFFFFFFF  }
0xa5: {  	s26 =	simm.s32 $execute0_lowered;
	[smem:$0x3FD2] =	sst s25  }
0xa6: {  	s5 =	sshll.u32 s26, $0x1;
	_ =	strace $0x80000046;
	[dreg:$0x1] =	wrdreg $0xFFFFFFFF  }
0xa7: {  	s28 =	simm.s32 $_size_execute0_lowered;
	s3 =	sadd.s32 s3, s5;
	[dreg:$0x0] =	wrdreg $0x0  }
0xa8: {  	s5 =	sshll.u32 s28, $0x1;
	[dreg:$0x2] =	wrdreg s3  }
0xa9: {  	[dreg:$0x3] =	wrdreg s5  }
0xaa: {  	[dreg:$0x4] =	wrdreg $0xC0  }
0xab: {  	_ =	task [dreg:s7], $0x5FFFF  }
0xac: {  	[dreg:$0x1] =	wrdreg $0xFFFFFFFF  }
0xad: {  	[dreg:$0x0] =	wrdreg $0x60  }
0xae: {  	[dreg:$0x2] =	wrdreg s24  }
0xaf: {  	[dreg:$0x3] =	wrdreg s2  }
0xb0: {  	[dreg:$0x4] =	wrdreg $0x31800  }
0xb1: {  	[dreg:$0x5] =	wrdreg $0x9  }
0xb2: {  	_ =	task.clear_ibuf [dreg:s7], $0x6FFFF;
	_ =	strace $0x90000046  }
0xb3: {  	s29 =	simm.s32 $0x9;
	_ =	strace $0x80000048  }
0xb4: {  	_ =	swait.ge [sflag:s29], $0x1  }
0xb5: {  	[sflag:s29] =	ssyncadd.s32 $0xFFFFFFFF  }
0xb6: {  	_ =	strace $0x90000048  }
0xb7: {  	_ =	sfence  }
0xb8: {  	s30 =	sld [smem:$0x0];
	_ =	sdelay $0x2  }
0xb9: {  	s31 =	sshll.u32 s1, $0xD;
	s1 =	sshrl.u32 s1, $0x2  }
0xba: {  	s3 =	sand.u32 $0x4000, s31;
	s1 =	sadd.s32 s1, s30  }
0xbb: {  	s0 =	sor.u32 s3, s0;
	s1 =	sshll.u32 s1, $0x11  }
0xbc: {  	s0 =	sor.u32 s1, s0  }
0xbd: {  	s0 =	sadd.s32 $0x8F2B, s0  }
0xbe: {  	[sflag:s0] =	ssyncadd.remote.s32 $0x1  }
0xbf: {  	_ =	sfence.sel $0xFFFF  }
0xc0: {  	[dreg:$0x0] =	wrdreg $0xFFFFFFFF;
	(pc) =	sbr.abs _section_cstart, $3  }
0xc1: {  	[dreg:$0x1] =	wrdreg $0xFFFFFFFF  }
0xc2: {  	_ =	task.clear_ibuf [dreg:s7], $0x2FFFF;
	_ =	strace $0x9FFFFFFF  }
0xc3: {  	(tm) =	ssettm $0x7FFFFFFF  }
tec
execute0_lowered:
.L_overlay_start_1:
0x0: {  	(tag) =	ssettag $0x1  }
0x1: {  	s0 =	rddreg [dreg:$0x0]  }
0x2: {  	s2 =	rddreg [dreg:$0x1]  }
0x3: {  	s1 =	rddreg [dreg:$0x2]  }
0x4: {  	s3 =	simm.s32 $0x0;
	s16 =	stileid.u32;
	s7 =	srdreg.scid  }
0x5: {  	s28 =	simm.s32 $0x100;
	s29 =	simm.s32 $0x2180;
	s30 =	simm.s32 $0x1  }
0x6: {  	s31 =	simm.s32 $0x3;
	[smem:$0x7FF] =	sst s3;
	s4 =	sadd.s32 $0x15C00, s0  }
0x7: {  	s5 =	sshll.u32 s16, $0x5;
	s6 =	smul.u32 $0x5000, s16;
	s7 =	sand.u32 $0x1, s7  }
0x8: {  	s8 =	sshll.u32 s16, $0x1;
	s17 =	sshll.u32 s16, $0x6;
	p0 =	sgt.u32 s16, $0x1  }
0x9: {  	_ =	strace $0x80000047;
	s5 =	sadd.s32 s5, s0;
	s10 =	ssub.s32 $0x2, s7  }
0xa: {  	s8 =	sor.u32 s7, s8;
	s17 =	sor.u32 $0x1C07, s17;
	s25 =	smul.u32 $0x50000, s7  }
0xb: {  	s9 =	sshrl.u32 s6, $0x3;
	s11 =	sshrl.u32 s10, $0x1;
	s12 =	sor.u32 $0x9C0, s8  }
0xc: {  	s14 =	sadd.s32 s6, s1;
	s18 =	sshll.u32 s8, $0x4;
	s20 =	sshll.u32 s8, $0xB  }
0xd: {  	s21 =	sor.u32 $0x20, s8;
	[dreg:$0x6] =	wrdreg s17;
	s9 =	sadd.s32 s9, s0  }
0xe: {  	s10 =	ssub.s32 s10, s11;
	s13 =	smul.u32 $0x347, s12;
	[dreg:$0x4] =	wrdreg s14  }
0xf: {  	s0 =	sadd.s32 $0xBE40, s0;
	s22 =	sadd.s32 s4, s20;
	s23 =	sshll.u32 s21, $0x4  }
0x10: {  	s24 =	sshll.u32 s21, $0xB;
	s6 =	sadd.s32 s6, s25;
	s20 =	sshll.u32 s7, $0xB  }
0x11: {  	s25 =	sor.u32 $0x60, s8;
	s9 =	sadd.s32 $0x286C00, s9;
	[dreg:$0x8] =	wrdreg s22  }
0x12: {  	s26 =	sadd.s32 s4, s24;
	s6 =	sshrl.u32 s6, $0x3;
	s21 =	smax.u32 s10, $0x1  }
0x13: {  	[dreg:$0x12] =	wrdreg s25;
	s25 =	simm.s32 $0x180;
	s19 =	sshrl.u32 s13, $0x13  }
0x14: {  	[dreg:$0x5] =	wrdreg s9;
	s9 =	sadd.s32 s18, s0;
	s11 =	smul.u32 $0x271, s19  }
0x15: {  	[dreg:$0xa] =	wrdreg s26;
	s13 =	sshll.u32 s12, $0x4;
	s15 =	sadd.s32 s2, s6  }
0x16: {  	s18 =	sshll.u32 s16, $0xC;
	[dreg:$0xe] =	wrdreg s21;
	s11 =	ssub.s32 s12, s11  }
0x17: {  	[dreg:$0x7] =	wrdreg s9;
	s9 =	sadd.s32 s23, s0;
	s11 =	sand.u32 $0xFFFF, s11  }
0x18: {  	s26 =	sor.u32 $0x40, s8;
	[dreg:$0x9] =	wrdreg s9;
	s9 =	sshll.u32 s11, $0xB  }
0x19: {  	s0 =	sadd.s32 s13, s0;
	[dreg:$0xd] =	wrdreg s15;
	s14 =	sadd.s32 s9, s4  }
0x1a: {  	s19 =	sshll.u32 s7, $0x4;
	[dreg:$0xb] =	wrdreg s0;
	s0 =	sadd.s32 $0xC, s14  }
0x1b: {  	s23 =	sor.u32 $0x80, s8;
	[dreg:$0xc] =	wrdreg s0;
	s0 =	sadd.s32 s18, s4  }
0x1c: {  	[dreg:$0x14] =	wrdreg s26;
	s2 =	sadd.s32 s19, s5;
	s0 =	sadd.s32 s20, s0  }
0x1d: {  	[dreg:$0x10] =	wrdreg s23;
	s23 =	simm.s32 $0x20;
	s22 =	sadd.s32 $0x40000, s0  }
0x1e: {  	s15 =	sadd.s32 $0x2200, s2;
	s24 =	sadd.s32 $0x30000, s0;
	[dreg:$0xf] =	wrdreg s22  }
0x1f: {  	s2 =	simm.s32 $0x7;
	s0 =	sadd.s32 $0x20000, s0;
	[dreg:$0x11] =	wrdreg s24  }
0x20: {  	s4 =	simm.s32 $0x0;
	[dreg:$0x13] =	wrdreg s0;
	s24 =	simm.s32 $0x80  }
.LBB2_1:
0x21: {  	s0 =	rddreg [dreg:$0x4]  }
0x22: {  	s10 =	rddreg [dreg:$0x5];
	s5 =	sshrl.u32 s0, $0x3  }
0x23: {  	[dreg:$0x15] =	wrdreg s5  }
0x24: {  	[spmem:s5], [sflag:s17] =	dma.local [hbm:s10], $0xA00  }
0x25: {  	_ =	swait.ge [sflag:s2], $0xA00  }
0x26: {  	[sflag:s2] =	ssyncset.done $0x0  }
0x27: {  	[sflag:s2] =	ssyncadd.s32 $0xFFFFF600  }
0x28: {  	[bflag:$0x0] =	sbarrier.arrive $0xFFFF  }
0x29: {  	s11 =	rddreg [dreg:$0x7]  }
0x2a: {  	s12 =	rddreg [dreg:$0x8]  }
0x2b: {  	[tilespmem:s3], [sflag:$0x1] =	stream.linear.gather [hbm4b:s11+s3], $0x80, $0x38;
	[tilespmem:$0x8180] =	vst v63  }
0x2c: {  	p1 =	por $0x1, $0x1;
	s13 =	rddreg [dreg:$0x9]  }
0x2d: {  	[tilespmem:s25], [sflag:$0x1] =	stream.strided.gather [hbm4b:s12+s23], $0x1000, s24, s23, $0x38;
	[tilespmem:$0x8180] =	vst v63  }
0x2e: {  	s16 =	simm.s32 $0x1180;
	p1 =	por p1, p1;
	s11 =	rddreg [dreg:$0x14]  }
0x2f: {  	[tilespmem:s24], [sflag:$0x2] =	stream.linear.gather [hbm4b:s13+s3], $0x80, $0x38;
	[tilespmem:$0x8180] =	vst v63  }
0x30: {  	s2 =	simm.s32 @!p1 $0x6;
	s14 =	rddreg [dreg:$0xa];
	s17 =	smulhi.u32 $0xD1B71759, s11  }
0x31: {  	[tilespmem:s16], [sflag:$0x2] =	stream.strided.gather [hbm4b:s14+s23], $0x1000, s24, s23, $0x38;
	[tilespmem:$0x8180] =	vst v63  }
0x32: {  	s6 =	sadd.s32 $0x0, s15;
	_ =	swait.ge @!p1 [sflag:s2], $0x1000  }
0x33: {  	s6 =	sadd.s32 $0xA040, s6;
	s0 =	sshrl.u32 s17, $0x9;
	[sflag:s2] =	ssyncset.done @!p1 $0x0  }
0x34: {  	s0 =	smul.u32 $0x1387FC, s0;
	s19 =	rddreg [dreg:$0x13];
	[sflag:s2] =	ssyncadd.s32 @!p1 $0xFFFFF000  }
0x35: {  	[tilespmem:s28], [sflag:$0x3] =	stream.linear.gather [hbm4b:s6+s3], $0x80, $0x38;
	[tilespmem:$0x8180] =	vst v63  }
0x36: {  	s0 =	ssub.s32 s19, s0  }
0x37: {  	[tilespmem:s29], [sflag:$0x3] =	stream.strided.gather [hbm4b:s0+s23], $0x1000, s24, s23, $0x38;
	[tilespmem:$0x8180] =	vst v63  }
0x38: {  	_ =	swait.ge [sflag:s30], $0x80  }
0x39: {  	[sflag:s30] =	ssyncset.done $0x0  }
0x3a: {  	[sflag:s30] =	ssyncadd.s32 $0xFFFFFF80  }
0x3b: {  	_ =	swait.ge [sflag:s30], $0x1000  }
0x3c: {  	p2 =	por $0x0, $0x0;
	[sflag:s30] =	ssyncset.done $0x0  }
0x3d: {  	s0 =	simm.s32 @p2 $0x2;
	[sflag:s30] =	ssyncadd.s32 $0xFFFFF000  }
0x3e: {  	[spmem:s1] =	stream.indirect.scatter.add.f32 [tilespmem:s25], [sflag:$0x4], $0x20, s3, s24, $0xb8;
	[tilespmem:$0x8180] =	vst v63  }
0x3f: {  	p6 =	por $0x0, $0x0;
	_ =	swait.ge @p2 [sflag:s0], $0x80  }
0x40: {  	s7 =	simm.s32 @p2 $0x80;
	s8 =	simm.s32 @p2 $0x1180;
	[sflag:s0] =	ssyncset.done @p2 $0x0  }
0x41: {  	s9 =	simm.s32 @!p2 $0x4;
	s10 =	simm.s32 @!p2 $0x20;
	[sflag:s0] =	ssyncadd.s32 @p2 $0xFFFFFF80  }
0x42: {  	s26 =	sadd.s32 $0x60, s11;
	s13 =	rddreg [dreg:$0x12];
	_ =	swait.ge @p2 [sflag:s0], $0x1000  }
0x43: {  	s11 =	simm.s32 @!p2 $0x5;
	s14 =	smulhi.u32 $0xD1B71759, s26;
	[sflag:s0] =	ssyncset.done @p2 $0x0  }
0x44: {  	s12 =	simm.s32 @!p2 $0x80;
	s18 =	smulhi.u32 $0xD1B71759, s13;
	[sflag:s0] =	ssyncadd.s32 @p2 $0xFFFFF000  }
0x45: {  	[spmem:s1] =	stream.indirect.scatter.add.f32 @p2 [tilespmem:s8], [sflag:$0x5], $0x20, s7, s7, $0xb8;
	[tilespmem:$0x8180] =	vst v63  }
0x46: {  	s6 =	sadd.s32 @!p2 $0x0, s15;
	s20 =	sshrl.u32 s18, $0x9;
	_ =	swait.ge @!p2 [sflag:s9], $0x1000  }
0x47: {  	s2 =	sadd.s32 @!p2 $0xA240, s6;
	s0 =	smul.u32 $0x1387FC, s20;
	[sflag:s9] =	ssyncset.done @!p2 $0x0  }
0x48: {  	s7 =	simm.s32 @!p2 $0x0;
	s17 =	rddreg [dreg:$0x11];
	[sflag:s9] =	ssyncadd.s32 @!p2 $0xFFFFF000  }
0x49: {  	[tilespmem:s7], [sflag:$0x1] =	stream.linear.gather @!p2 [hbm4b:s2+s7], $0x80, $0x38;
	[tilespmem:$0x8180] =	vst v63  }
0x4a: {  	s8 =	simm.s32 @!p2 $0x180;
	s0 =	ssub.s32 s17, s0;
	s2 =	simm.s32 @!p2 $0x2  }
0x4b: {  	[tilespmem:s8], [sflag:$0x1] =	stream.strided.gather @!p2 [hbm4b:s0+s10], $0x1000, s12, s10, $0x38;
	[tilespmem:$0x8180] =	vst v63  }
0x4c: {  	p1 =	por p6, p6;
	s6 =	sadd.s32 @!p2 $0xA440, s6;
	_ =	swait.ge @!p2 [sflag:s2], $0x80  }
0x4d: {  	s18 =	sadd.s32 $0x60, s13;
	[sflag:s2] =	ssyncset.done @!p2 $0x0;
	s21 =	rddreg [dreg:$0x10]  }
0x4e: {  	s13 =	simm.s32 $0xC00;
	[sflag:s2] =	ssyncadd.s32 @!p2 $0xFFFFFF80;
	s22 =	smulhi.u32 $0xD1B71759, s21  }
0x4f: {  	s20 =	smulhi.u32 $0xD1B71759, s18;
	s9 =	simm.s32 @!p2 $0x1180;
	_ =	swait.ge @!p2 [sflag:s2], $0x1000  }
0x50: {  	s8 =	simm.s32 $0x600;
	[sflag:s2] =	ssyncset.done @!p2 $0x0;
	s0 =	sshrl.u32 s22, $0x9  }
0x51: {  	[sflag:s2] =	ssyncadd.s32 @!p2 $0xFFFFF000;
	s2 =	sadd.s32 $0x60, s21;
	s0 =	smul.u32 $0x1387FC, s0  }
0x52: {  	[spmem:s1] =	stream.indirect.scatter.add.f32 @!p2 [tilespmem:s9], [sflag:$0x5], $0x20, s12, s12, $0xb8;
	[tilespmem:$0x8180] =	vst v63  }
0x53: {  	s21 =	sshrl.u32 s14, $0x9;
	s16 =	smulhi.u32 $0xD1B71759, s2;
	_ =	swait.ge @!p2 [sflag:s11], $0x1000  }
0x54: {  	s14 =	sadd.s32 $0x60, s2;
	s2 =	sadd.s32 $0x60, s26;
	[sflag:s11] =	ssyncset.done @!p2 $0x0  }
0x55: {  	s22 =	rddreg [dreg:$0xf];
	[sflag:s11] =	ssyncadd.s32 @!p2 $0xFFFFF000;
	s11 =	sshrl.u32 s20, $0x9  }
0x56: {  	[tilespmem:s12], [sflag:$0x2] =	stream.linear.gather @!p2 [hbm4b:s6+s7], $0x80, $0x38;
	[tilespmem:$0x8180] =	vst v63  }
0x57: {  	s0 =	ssub.s32 s22, s0;
	s7 =	sshrl.u32 s16, $0x9;
	s16 =	smul.u32 $0x1387FC, s21  }
0x58: {  	[tilespmem:s9], [sflag:$0x2] =	stream.strided.gather @!p2 [hbm4b:s0+s10], $0x1000, s12, s10, $0x38;
	[tilespmem:$0x8180] =	vst v63  }
0x59: {  	s10 =	sadd.s32 $0x30000, s17;
	s12 =	sadd.s32 $0x30000, s19;
	_ =	swait.ge [sflag:s31], $0x80  }
0x5a: {  	s17 =	sadd.s32 $0x600, s15;
	s9 =	sadd.s32 $0x30000, s22;
	[sflag:s31] =	ssyncset.done $0x0  }
0x5b: {  	s0 =	sadd.s32 $0x60, s18;
	s18 =	simm.s32 @!p1 $0x6;
	[sflag:s31] =	ssyncadd.s32 $0xFFFFFF80  }
.LBB2_2:
0x5c: {  	s6 =	smulhi.u32 $0xD1B71759, s2  }
0x5d: {  	p3 =	seq.s32 s13, $0x0;
	_ =	swait.ge [sflag:s31], $0x1000;
	s19 =	smov.u32 s13  }
0x5e: {  	s20 =	smulhi.u32 $0xD1B71759, s14;
	s13 =	sadd.s32 $0x600, s13;
	[sflag:s31] =	ssyncset.done $0x0  }
0x5f: {  	s21 =	smulhi.u32 $0xD1B71759, s0;
	s26 =	sshrl.u32 s6, $0x9;
	[sflag:s31] =	ssyncadd.s32 $0xFFFFF000  }
0x60: {  	[spmem:s1] =	stream.indirect.scatter.add.f32 [tilespmem:s29], [sflag:$0x6], $0x20, s28, s24, $0xb8;
	[tilespmem:$0x8180] =	vst v63  }
0x61: {  	s17 =	sadd.s32 $0xA040, s17;
	s6 =	sshrl.u32 s20, $0x9;
	_ =	swait.ge @!p1 [sflag:s18], $0x1000  }
0x62: {  	p2 =	sne.s32 s13, $0x9C00;
	s20 =	sshrl.u32 s21, $0x9;
	[sflag:s18] =	ssyncset.done @!p1 $0x0  }
0x63: {  	[sflag:s18] =	ssyncadd.s32 @!p1 $0xFFFFF000;
	p1 =	por p3, p3  }
0x64: {  	s16 =	ssub.s32 s12, s16  }
0x65: {  	[tilespmem:s28], [sflag:$0x3] =	stream.linear.gather [hbm4b:s17+s3], $0x80, $0x38;
	[tilespmem:$0x8180] =	vst v63  }
0x66: {  	_ = 	snop  }
0x67: {  	[tilespmem:s29], [sflag:$0x3] =	stream.strided.gather [hbm4b:s16+s23], $0x1000, s24, s23, $0x38;
	[tilespmem:$0x8180] =	vst v63  }
0x68: {  	_ =	swait.ge [sflag:s30], $0x80  }
0x69: {  	[sflag:s30] =	ssyncset.done $0x0  }
0x6a: {  	p3 =	seq.s32 s8, $0x9600;
	[sflag:s30] =	ssyncadd.s32 $0xFFFFFF80  }
0x6b: {  	s17 =	simm.s32 @p3 $0x2;
	s16 =	sadd.s32 @!p3 s8, s15;
	_ =	swait.ge [sflag:s30], $0x1000  }
0x6c: {  	s8 =	smov.u32 s19;
	[sflag:s30] =	ssyncset.done $0x0  }
0x6d: {  	s18 =	sadd.s32 @!p3 $0xA240, s16;
	s16 =	sadd.s32 @!p3 $0xA440, s16;
	[sflag:s30] =	ssyncadd.s32 $0xFFFFF000  }
0x6e: {  	[spmem:s1] =	stream.indirect.scatter.add.f32 [tilespmem:s25], [sflag:$0x4], $0x20, s3, s24, $0xb8;
	[tilespmem:$0x8180] =	vst v63  }
0x6f: {  	_ =	swait.ge @p3 [sflag:s17], $0x80  }
0x70: {  	[sflag:s17] =	ssyncset.done @p3 $0x0  }
0x71: {  	s21 =	simm.s32 @p3 $0x1180;
	s19 =	simm.s32 @p3 $0x80;
	[sflag:s17] =	ssyncadd.s32 @p3 $0xFFFFFF80  }
0x72: {  	s22 =	simm.s32 @!p3 $0x4;
	_ =	swait.ge @p3 [sflag:s17], $0x1000  }
0x73: {  	[sflag:s17] =	ssyncset.done @p3 $0x0  }
0x74: {  	s5 =	smul.u32 $0x1387FC, s11;
	s11 =	smov.u32 s20;
	[sflag:s17] =	ssyncadd.s32 @p3 $0xFFFFF000  }
0x75: {  	[spmem:s1] =	stream.indirect.scatter.add.f32 @p3 [tilespmem:s21], [sflag:$0x5], $0x20, s19, s19, $0xb8;
	[tilespmem:$0x8180] =	vst v63  }
0x76: {  	s17 =	simm.s32 @!p3 $0x20;
	s19 =	simm.s32 @!p3 $0x80;
	_ =	swait.ge @!p3 [sflag:s22], $0x1000  }
0x77: {  	s20 =	simm.s32 @!p3 $0x0;
	[sflag:s22] =	ssyncset.done @!p3 $0x0  }
0x78: {  	s5 =	ssub.s32 s10, s5;
	s21 =	simm.s32 @!p3 $0x2;
	[sflag:s22] =	ssyncadd.s32 @!p3 $0xFFFFF000  }
0x79: {  	[tilespmem:s20], [sflag:$0x1] =	stream.linear.gather @!p3 [hbm4b:s18+s20], $0x80, $0x38;
	[tilespmem:$0x8180] =	vst v63  }
0x7a: {  	s18 =	simm.s32 @!p3 $0x180  }
0x7b: {  	[tilespmem:s18], [sflag:$0x1] =	stream.strided.gather @!p3 [hbm4b:s5+s17], $0x1000, s19, s17, $0x38;
	[tilespmem:$0x8180] =	vst v63  }
0x7c: {  	_ =	swait.ge @!p3 [sflag:s21], $0x80  }
0x7d: {  	[sflag:s21] =	ssyncset.done @!p3 $0x0  }
0x7e: {  	s5 =	simm.s32 @!p3 $0x1180;
	[sflag:s21] =	ssyncadd.s32 @!p3 $0xFFFFFF80  }
0x7f: {  	s18 =	simm.s32 @!p3 $0x5;
	_ =	swait.ge @!p3 [sflag:s21], $0x1000  }
0x80: {  	[sflag:s21] =	ssyncset.done @!p3 $0x0  }
0x81: {  	[sflag:s21] =	ssyncadd.s32 @!p3 $0xFFFFF000  }
0x82: {  	[spmem:s1] =	stream.indirect.scatter.add.f32 @!p3 [tilespmem:s5], [sflag:$0x5], $0x20, s19, s19, $0xb8;
	[tilespmem:$0x8180] =	vst v63  }
0x83: {  	s21 =	smul.u32 $0x1387FC, s7;
	s7 =	smov.u32 s6;
	_ =	swait.ge @!p3 [sflag:s18], $0x1000  }
0x84: {  	[sflag:s18] =	ssyncset.done @!p3 $0x0  }
0x85: {  	s6 =	ssub.s32 s9, s21;
	[sflag:s18] =	ssyncadd.s32 @!p3 $0xFFFFF000  }
0x86: {  	[tilespmem:s19], [sflag:$0x2] =	stream.linear.gather @!p3 [hbm4b:s16+s20], $0x80, $0x38;
	[tilespmem:$0x8180] =	vst v63  }
0x87: {  	s16 =	smul.u32 $0x1387FC, s26  }
.Ltmp0:
0x88: {  	s12 =	sadd.s32 $0x30000, s12;
	s10 =	sadd.s32 $0x30000, s10;
	(pc) =	sbr.rel @p2 .LBB2_2-.Ltmp0, $4  }
0x89: {  	[tilespmem:s5], [sflag:$0x2] =	stream.strided.gather @!p3 [hbm4b:s6+s17], $0x1000, s19, s17, $0x38;
	[tilespmem:$0x8180] =	vst v63  }
0x8a: {  	s9 =	sadd.s32 $0x30000, s9;
	s17 =	sadd.s32 s8, s15;
	_ =	swait.ge [sflag:s31], $0x80  }
0x8b: {  	s14 =	sadd.s32 $0x60, s14;
	s0 =	sadd.s32 $0x60, s0;
	[sflag:s31] =	ssyncset.done $0x0  }
0x8c: {  	s2 =	sadd.s32 $0x60, s2;
	s18 =	simm.s32 @!p1 $0x6;
	[sflag:s31] =	ssyncadd.s32 $0xFFFFFF80  }
0x8d: {  	_ =	swait.ge [sflag:s31], $0x1000  }
0x8e: {  	[sflag:s31] =	ssyncset.done $0x0  }
0x8f: {  	[sflag:s31] =	ssyncadd.s32 $0xFFFFF000  }
0x90: {  	[spmem:s1] =	stream.indirect.scatter.add.f32 [tilespmem:s29], [sflag:$0x6], $0x20, s28, s24, $0xb8;
	[tilespmem:$0x8180] =	vst v63  }
0x91: {  	_ =	swait.ge @!p1 [sflag:s18], $0x1000  }
0x92: {  	[sflag:s18] =	ssyncset.done @!p1 $0x0  }
0x93: {  	s0 =	sadd.s32 $0xA040, s17;
	[sflag:s18] =	ssyncadd.s32 @!p1 $0xFFFFF000  }
0x94: {  	[tilespmem:s28], [sflag:$0x3] =	stream.linear.gather [hbm4b:s0+s3], $0x80, $0x38;
	[tilespmem:$0x8180] =	vst v63  }
0x95: {  	s16 =	ssub.s32 s12, s16  }
0x96: {  	[tilespmem:s29], [sflag:$0x3] =	stream.strided.gather [hbm4b:s16+s23], $0x1000, s24, s23, $0x38;
	[tilespmem:$0x8180] =	vst v63  }
0x97: {  	_ =	swait.ge [sflag:s30], $0x80  }
0x98: {  	[sflag:s30] =	ssyncset.done $0x0  }
0x99: {  	[sflag:s30] =	ssyncadd.s32 $0xFFFFFF80  }
0x9a: {  	_ =	swait.ge [sflag:s30], $0x1000  }
0x9b: {  	p1 =	seq.s32 s8, $0x9600;
	[sflag:s30] =	ssyncset.done $0x0  }
0x9c: {  	s0 =	simm.s32 @p1 $0x2;
	[sflag:s30] =	ssyncadd.s32 $0xFFFFF000  }
0x9d: {  	[spmem:s1] =	stream.indirect.scatter.add.f32 [tilespmem:s25], [sflag:$0x4], $0x20, s3, s24, $0xb8;
	[tilespmem:$0x8180] =	vst v63  }
0x9e: {  	_ =	swait.ge @p1 [sflag:s0], $0x80  }
0x9f: {  	[sflag:s0] =	ssyncset.done @p1 $0x0  }
0xa0: {  	[sflag:s0] =	ssyncadd.s32 @p1 $0xFFFFFF80  }
0xa1: {  	_ =	swait.ge @p1 [sflag:s0], $0x1000  }
0xa2: {  	s6 =	smul.u32 $0x1387FC, s11;
	s2 =	simm.s32 @p1 $0x80;
	[sflag:s0] =	ssyncset.done @p1 $0x0  }
0xa3: {  	s5 =	simm.s32 @p1 $0x1180;
	[sflag:s0] =	ssyncadd.s32 @p1 $0xFFFFF000;
	s0 =	simm.s32 @!p1 $0x4  }
0xa4: {  	[spmem:s1] =	stream.indirect.scatter.add.f32 @p1 [tilespmem:s5], [sflag:$0x5], $0x20, s2, s2, $0xb8;
	[tilespmem:$0x8180] =	vst v63  }
0xa5: {  	_ =	swait.ge @!p1 [sflag:s0], $0x1000  }
0xa6: {  	s6 =	ssub.s32 s10, s6;
	s2 =	sadd.s32 @!p1 s8, s15;
	[sflag:s0] =	ssyncset.done @!p1 $0x0  }
0xa7: {  	s5 =	sadd.s32 @!p1 $0xA240, s2;
	[sflag:s0] =	ssyncadd.s32 @!p1 $0xFFFFF000;
	s0 =	simm.s32 @!p1 $0x0  }
0xa8: {  	[tilespmem:s0], [sflag:$0x1] =	stream.linear.gather @!p1 [hbm4b:s5+s0], $0x80, $0x38;
	[tilespmem:$0x8180] =	vst v63  }
0xa9: {  	s10 =	simm.s32 @!p1 $0x180;
	s8 =	simm.s32 @!p1 $0x20;
	s5 =	simm.s32 @!p1 $0x80  }
0xaa: {  	[tilespmem:s10], [sflag:$0x1] =	stream.strided.gather @!p1 [hbm4b:s6+s8], $0x1000, s5, s8, $0x38;
	[tilespmem:$0x8180] =	vst v63  }
0xab: {  	s6 =	simm.s32 @!p1 $0x2  }
0xac: {  	_ =	swait.ge @!p1 [sflag:s6], $0x80  }
0xad: {  	[sflag:s6] =	ssyncset.done @!p1 $0x0  }
0xae: {  	[sflag:s6] =	ssyncadd.s32 @!p1 $0xFFFFFF80  }
0xaf: {  	_ =	swait.ge @!p1 [sflag:s6], $0x1000  }
0xb0: {  	[sflag:s6] =	ssyncset.done @!p1 $0x0  }
0xb1: {  	s10 =	simm.s32 @!p1 $0x1180;
	[sflag:s6] =	ssyncadd.s32 @!p1 $0xFFFFF000;
	s6 =	simm.s32 @!p1 $0x5  }
0xb2: {  	[spmem:s1] =	stream.indirect.scatter.add.f32 @!p1 [tilespmem:s10], [sflag:$0x5], $0x20, s5, s5, $0xb8;
	[tilespmem:$0x8180] =	vst v63  }
0xb3: {  	_ =	swait.ge @!p1 [sflag:s6], $0x1000  }
0xb4: {  	[sflag:s6] =	ssyncset.done @!p1 $0x0  }
0xb5: {  	s17 =	smul.u32 $0x1387FC, s7;
	s2 =	sadd.s32 @!p1 $0xA440, s2;
	[sflag:s6] =	ssyncadd.s32 @!p1 $0xFFFFF000  }
0xb6: {  	[tilespmem:s5], [sflag:$0x2] =	stream.linear.gather @!p1 [hbm4b:s2+s0], $0x80, $0x38;
	[tilespmem:$0x8180] =	vst v63  }
0xb7: {  	s0 =	ssub.s32 s9, s17  }
0xb8: {  	[tilespmem:s10], [sflag:$0x2] =	stream.strided.gather @!p1 [hbm4b:s0+s8], $0x1000, s5, s8, $0x38;
	[tilespmem:$0x8180] =	vst v63  }
0xb9: {  	_ =	swait.ge [sflag:s31], $0x80  }
0xba: {  	[sflag:s31] =	ssyncset.done $0x0  }
0xbb: {  	[sflag:s31] =	ssyncadd.s32 $0xFFFFFF80  }
0xbc: {  	_ =	swait.ge [sflag:s31], $0x1000  }
0xbd: {  	[sflag:s31] =	ssyncset.done $0x0  }
0xbe: {  	s18 =	simm.s32 $0x4;
	[sflag:s31] =	ssyncadd.s32 $0xFFFFF000  }
0xbf: {  	[spmem:s1] =	stream.indirect.scatter.add.f32 [tilespmem:s29], [sflag:$0x6], $0x20, s28, s24, $0xb8;
	[tilespmem:$0x8180] =	vst v63  }
0xc0: {  	_ =	swait.ge [sflag:s18], $0x1000  }
0xc1: {  	[sflag:s18] =	ssyncset.done $0x0  }
0xc2: {  	s19 =	simm.s32 $0x5;
	[sflag:s18] =	ssyncadd.s32 $0xFFFFF000  }
0xc3: {  	_ =	swait.ge [sflag:s19], $0x1000  }
0xc4: {  	[sflag:s19] =	ssyncset.done $0x0  }
0xc5: {  	s20 =	simm.s32 $0x6;
	[sflag:s19] =	ssyncadd.s32 $0xFFFFF000  }
0xc6: {  	_ =	swait.ge [sflag:s20], $0x1000  }
0xc7: {  	[sflag:s20] =	ssyncset.done $0x0  }
0xc8: {  	s0 =	simm.s32 @!p0 $0x0;
	s2 =	rddreg [dreg:$0xb];
	[sflag:s20] =	ssyncadd.s32 $0xFFFFF000  }
0xc9: {  	[tilespmem:s0], [sflag:$0x7] =	stream.linear.gather @!p0 [hbm4b:s2+s0], $0x80, $0x38;
	[tilespmem:$0x8180] =	vst v63  }
0xca: {  	s2 =	simm.s32 @!p0 $0x7  }
0xcb: {  	_ =	swait.ge @!p0 [sflag:s2], $0x80  }
0xcc: {  	s7 =	simm.s32 @!p0 $0x180;
	s6 =	simm.s32 @!p0 $0x80;
	[sflag:s2] =	ssyncset.done @!p0 $0x0  }
0xcd: {  	s5 =	simm.s32 @!p0 $0x20;
	s8 =	rddreg [dreg:$0xc];
	[sflag:s2] =	ssyncadd.s32 @!p0 $0xFFFFFF80  }
0xce: {  	[tilespmem:s7], [sflag:$0x7] =	stream.strided.gather @!p0 [hbm4b:s8+s5], $0x1000, s6, s5, $0x38;
	[tilespmem:$0x8180] =	vst v63  }
0xcf: {  	_ =	swait.ge @!p0 [sflag:s2], $0x1000  }
0xd0: {  	[sflag:s2] =	ssyncset.done @!p0 $0x0  }
0xd1: {  	[sflag:s2] =	ssyncadd.s32 @!p0 $0xFFFFF000  }
0xd2: {  	[spmem:s1] =	stream.indirect.scatter.add.f32 @!p0 [tilespmem:s7], [sflag:$0x7], $0x20, s0, s6, $0xb8;
	[tilespmem:$0x8180] =	vst v63  }
0xd3: {  	_ =	swait.ge @!p0 [sflag:s2], $0x1000  }
0xd4: {  	[sflag:s2] =	ssyncset.done @!p0 $0x0  }
0xd5: {  	[sflag:s2] =	ssyncadd.s32 @!p0 $0xFFFFF000  }
0xd6: {  	[bflag:$0x0] =	sbarrier.arrive $0xFFFF  }
0xd7: {  	s17 =	rddreg [dreg:$0x6]  }
0xd8: {  	s21 =	rddreg [dreg:$0xd]  }
0xd9: {  	s2 =	simm.s32 $0x7;
	s22 =	rddreg [dreg:$0x15]  }
0xda: {  	[hbm:s21], [sflag:s17] =	dma.local [spmem:s22], $0xA00  }
0xdb: {  	_ =	swait.ge [sflag:s2], $0xA00  }
0xdc: {  	s4 =	sadd.s32 $0x1, s4;
	s26 =	rddreg [dreg:$0xe]  }
0xdd: {  	p1 =	sne.s32 s4, s26  }
.Ltmp1:
0xde: {  	_ = 	snop;
	(pc) =	sbr.rel @p1 .LBB2_1-.Ltmp1, $3  }
0xdf: {  	_ =	sdelay $0x1  }
0xe0: {  	[sflag:s2] =	ssyncset.done $0x0  }
0xe1: {  	[sflag:s2] =	ssyncadd.s32 $0xFFFFF600  }
0xe2: {  	_ =	sfence.sel $0x180000  }
0xe3: {  	[bflag:$0x0] =	sbarrier.arrive $0xFFFF  }
0xe4: {  	_ =	strace $0x90000047  }
0xe5: {  	s0 =	stileid.u32;
	[bflag:$0x2] =	sbarrier.arrive $0xFFFF  }
0xe6: {  	p0 =	sne.s32 s0, $0x0;
	s0 =	rddreg [dreg:$0x3]  }
0xe7: {  	s0 =	sadd.s32 @!p0 $0x100000, s0  }
0xe8: {  	[sflag:s0] =	ssyncadd.tile.s32 @!p0 $0x1;
	_ =	shalt  }
.Lfunc_end2:
_tile_overlayer_lowered:
.L_overlay_start_2:
0xe9: {  	(tag) =	ssettag $0x2  }
0xea: {  	s0 =	rddreg [dreg:$0x0];
	s2 =	stileid.u32  }
0xeb: {  	s1 =	rddreg [dreg:$0x1];
	p0 =	sne.s32 s2, $0x0  }
0xec: {  	s3 =	rddreg [dreg:$0x2];
	[bflag:$0x3] =	sbarrier.arrive $0xFFFF;
	s2 =	simm.s32 @!p0 $0x1C07  }
0xed: {  	[timem:s3], [sflag:s2] =	dma.local @!p0 [hbm:s0], s1  }
0xee: {  	s0 =	simm.s32 @!p0 $0x7  }
0xef: {  	_ =	swait.ge @!p0 [sflag:s0], s1  }
0xf0: {  	s1 =	ssub.s32 @!p0 $0x0, s1;
	[sflag:s0] =	ssyncset.done @!p0 $0x0  }
0xf1: {  	[sflag:s0] =	ssyncadd.s32 @!p0 s1  }
0xf2: {  	[bflag:$0x3] =	sbarrier.arrive $0xFFFF  }
0xf3: {  	_ =	shalt  }

</sc_bundles>
